<compile_context>
chip_gen: v7x
topology: tpu7x:2x2x1
jax: 0.10.2.dev20260603
libtpu: 0.0.44.dev20260713+nightly
codegen_flags: <defaults>
</compile_context>

<pallas_src>
import functools

import jax
import jax.numpy as jnp
from jax import lax
from jax.experimental import pallas as pl
from jax.experimental.pallas import tpu as pltpu
from jax.experimental.pallas import tpu_sc as plsc

_NC = 2
_NS = 16
_NW = _NC * _NS
_CH = 128


def _tile_rows(N):
    per = (-(-N // _NS) + 15) // 16 * 16
    last = N - per * (_NS - 1)
    assert last > 0 and last % 16 == 0
    return per, last


def _degree_call(N, E):
    n_chunks = E // _CH
    assert n_chunks * _CH == E
    base, rem = divmod(n_chunks, _NW)
    per, last = _tile_rows(N)
    Np = (N + 15) // 16 * 16
    mesh = plsc.VectorSubcoreMesh(core_axis_name="c", subcore_axis_name="s")

    epw = base * _CH
    scan_rem = E - epw * _NW
    assert scan_rem % 16 == 0

    @functools.partial(
        pl.kernel,
        out_type=jax.ShapeDtypeStruct((2 * N,), jnp.float32),
        mesh=mesh,
        scratch_types=[
            pltpu.VMEM((epw + _CH,), jnp.int32),
            pltpu.VMEM((N,), jnp.float32),
            pltpu.VMEM((per,), jnp.float32),
            pltpu.VMEM((per,), jnp.float32),
            pltpu.VMEM_SHARED((_NS * Np,), jnp.float32),
        ],
        compiler_params=pltpu.CompilerParams(needs_layout_passes=False),
    )
    def deg_kernel(dst_hbm, zero_hbm, out_hbm, didx, cnt, acc_s, tmp, acc):
        c = lax.axis_index("c")
        s = lax.axis_index("s")
        wid = s * _NC + c
        pltpu.sync_copy(dst_hbm.at[pl.ds(wid * epw, epw)],
                        didx.at[pl.ds(0, epw)])
        pltpu.sync_copy(zero_hbm, cnt)
        ones16 = jnp.ones((16,), jnp.float32)

        def body(k, carry):
            base_i = k * _CH
            for j in range(_CH // 16):
                plsc.addupdate_scatter(
                    cnt, [didx[pl.ds(base_i + j * 16, 16)]], ones16)
            return carry

        lax.fori_loop(0, base, body, 0)
        if scan_rem:
            @pl.when(wid == 0)
            def _():
                pltpu.sync_copy(dst_hbm.at[pl.ds(epw * _NW, scan_rem)],
                                didx.at[pl.ds(0, scan_rem)])
                for j in range(scan_rem // 16):
                    plsc.addupdate_scatter(
                        cnt, [didx[pl.ds(j * 16, 16)]], ones16)
        pltpu.sync_copy(cnt, acc.at[pl.ds(s * Np, N)])
        plsc.subcore_barrier()
        r0 = s * per

        def combine(nr):
            pltpu.sync_copy(acc.at[pl.ds(r0, nr)], acc_s.at[pl.ds(0, nr)])

            def add_one(t, carry):
                pltpu.sync_copy(acc.at[pl.ds(t * Np + r0, nr)], tmp.at[pl.ds(0, nr)])
                for j in range(nr // 16):
                    sl = pl.ds(j * 16, 16)
                    acc_s[sl] = acc_s[sl] + tmp[sl]
                return carry

            lax.fori_loop(1, _NS, add_one, 0)
            pltpu.sync_copy(acc_s.at[pl.ds(0, nr)],
                            out_hbm.at[pl.ds(c * N + r0, nr)])

        @pl.when(s < _NS - 1)
        def _():
            combine(per)

        @pl.when(s == _NS - 1)
        def _():
            combine(last)

    return deg_kernel


def _aggregate_call(N, E_pad, D):
    kpw = E_pad // (_NW * _CH)
    per, last = _tile_rows(N)
    mesh = plsc.VectorSubcoreMesh(core_axis_name="c", subcore_axis_name="s")

    @functools.partial(
        pl.kernel,
        out_type=jax.ShapeDtypeStruct((2 * N, D), jnp.float32),
        mesh=mesh,
        scratch_types=[
            [pltpu.VMEM((_CH,), jnp.int32), pltpu.VMEM((_CH,), jnp.int32)],
            [pltpu.VMEM((_CH,), jnp.int32), pltpu.VMEM((_CH,), jnp.int32)],
            pltpu.VMEM((2 * _CH, D), jnp.float32),
            pltpu.VMEM_SHARED((N + 16, D), jnp.float32),
            [pltpu.SemaphoreType.DMA, pltpu.SemaphoreType.DMA],
            [pltpu.SemaphoreType.DMA, pltpu.SemaphoreType.DMA],
        ],
    )
    def agg_kernel(hp_hbm, src_hbm, dst_hbm, zero_hbm, out_hbm,
                   sidx, didx, rows, acc, isems, gsems):
        c = lax.axis_index("c")
        s = lax.axis_index("s")
        wid = s * _NC + c
        base0 = wid * kpw * _CH

        def idx_load(k, b):
            off = base0 + k * _CH
            pltpu.async_copy(src_hbm.at[pl.ds(off, _CH)], sidx[b], isems[b])
            pltpu.async_copy(dst_hbm.at[pl.ds(off, _CH)], didx[b], isems[b])

        def wait_idx(k, b):
            off = base0 + k * _CH
            pltpu.make_async_copy(
                src_hbm.at[pl.ds(off, _CH)], sidx[b], isems[b]).wait()
            pltpu.make_async_copy(
                dst_hbm.at[pl.ds(off, _CH)], didx[b], isems[b]).wait()

        def gather(b):
            pltpu.async_copy(hp_hbm.at[sidx[b]],
                             rows.at[pl.ds(b * _CH, _CH)], gsems[b])

        def wait_gather(b):
            pltpu.make_async_copy(hp_hbm.at[sidx[b]],
                                  rows.at[pl.ds(b * _CH, _CH)], gsems[b]).wait()

        def scatter(b):
            pltpu.sync_copy(rows.at[pl.ds(b * _CH, _CH)],
                            acc.at[didx[b]], add=True)

        idx_load(0, 0)

        @pl.when(s < _NS - 1)
        def _():
            pltpu.sync_copy(zero_hbm.at[pl.ds(s * per, per)],
                            acc.at[pl.ds(s * per, per)])

        @pl.when(s == _NS - 1)
        def _():
            pltpu.sync_copy(zero_hbm.at[pl.ds(per * (_NS - 1), last)],
                            acc.at[pl.ds(per * (_NS - 1), last)])

        plsc.subcore_barrier()
        wait_idx(0, 0)
        gather(0)
        idx_load(1, 1)

        def step(k, b):
            wait_gather(b)

            @pl.when(k + 1 < kpw)
            def _():
                wait_idx(k + 1, 1 - b)
                gather(1 - b)

            scatter(b)

            @pl.when(k + 2 < kpw)
            def _():
                idx_load(k + 2, b)

        def body(g, carry):
            step(g * 2, 0)
            step(g * 2 + 1, 1)
            return carry

        lax.fori_loop(0, kpw // 2, body, 0)
        if kpw % 2:
            step(kpw - 1, 0)
        plsc.subcore_barrier()
        out_base = c * N

        @pl.when(s < _NS - 1)
        def _():
            pltpu.sync_copy(acc.at[pl.ds(s * per, per)],
                            out_hbm.at[pl.ds(out_base + s * per, per)])

        @pl.when(s == _NS - 1)
        def _():
            pltpu.sync_copy(acc.at[pl.ds(per * (_NS - 1), last)],
                            out_hbm.at[pl.ds(out_base + per * (_NS - 1), last)])

    return agg_kernel


def _matmul_scale_call(N, DI, DH, BN=1000):
    def body(x_ref, w_ref, d0_ref, d1_ref, hp_ref, dinv_ref):
        deg = d0_ref[...] + d1_ref[...] + 1.0
        dinv = lax.rsqrt(deg)
        h = jnp.dot(x_ref[...], w_ref[...], preferred_element_type=jnp.float32)
        hp_ref[...] = h * dinv
        dinv_ref[...] = dinv

    return pl.pallas_call(
        body,
        grid=(N // BN,),
        in_specs=[
            pl.BlockSpec((BN, DI), lambda i: (i, 0)),
            pl.BlockSpec((DI, DH), lambda i: (0, 0)),
            pl.BlockSpec((BN, 1), lambda i: (i, 0)),
            pl.BlockSpec((BN, 1), lambda i: (i, 0)),
        ],
        out_specs=[
            pl.BlockSpec((BN, DH), lambda i: (i, 0)),
            pl.BlockSpec((BN, 1), lambda i: (i, 0)),
        ],
        out_shape=[
            jax.ShapeDtypeStruct((N, DH), jnp.float32),
            jax.ShapeDtypeStruct((N, 1), jnp.float32),
        ],
    )


def _layer2_call(N, DH, DO, BN=1000):
    def body(a0_ref, a1_ref, hp_ref, dinv_ref, b1_ref, w2_ref, out_ref):
        agg = a0_ref[...] + a1_ref[...] + hp_ref[...]
        h1 = jnp.maximum(dinv_ref[...] * agg + b1_ref[...], 0.0)
        out_ref[...] = dinv_ref[...] * jnp.dot(
            h1, w2_ref[...], preferred_element_type=jnp.float32)

    return pl.pallas_call(
        body,
        grid=(N // BN,),
        in_specs=[
            pl.BlockSpec((BN, DH), lambda i: (i, 0)),
            pl.BlockSpec((BN, DH), lambda i: (i, 0)),
            pl.BlockSpec((BN, DH), lambda i: (i, 0)),
            pl.BlockSpec((BN, 1), lambda i: (i, 0)),
            pl.BlockSpec((1, DH), lambda i: (0, 0)),
            pl.BlockSpec((DH, DO), lambda i: (0, 0)),
        ],
        out_specs=pl.BlockSpec((BN, DO), lambda i: (i, 0)),
        out_shape=jax.ShapeDtypeStruct((N, DO), jnp.float32),
    )


def _pool_call(N, DO, G, BN=1000):
    nblk = N // BN

    def body(a0_ref, a1_ref, hp_ref, dinv_ref, b2_ref, batch_ref, out_ref,
             sums, cnt):
        i = pl.program_id(0)

        @pl.when(i == 0)
        def _():
            sums[...] = jnp.zeros_like(sums)
            cnt[...] = jnp.zeros_like(cnt)

        agg = a0_ref[...] + a1_ref[...] + hp_ref[...]
        h2 = dinv_ref[...] * agg + b2_ref[...]
        ind = (batch_ref[...] == lax.broadcasted_iota(jnp.int32, (1, G), 1)
               ).astype(jnp.float32)
        sums[...] += lax.dot_general(
            ind, h2, (((0,), (0,)), ((), ())),
            preferred_element_type=jnp.float32)
        cnt[...] += lax.dot_general(
            ind, jnp.ones((BN, 1), jnp.float32), (((0,), (0,)), ((), ())),
            preferred_element_type=jnp.float32)
        out_ref[...] = sums[...] / jnp.maximum(cnt[...], 1.0)

    return pl.pallas_call(
        body,
        grid=(nblk,),
        in_specs=[
            pl.BlockSpec((BN, DO), lambda i: (i, 0)),
            pl.BlockSpec((BN, DO), lambda i: (i, 0)),
            pl.BlockSpec((BN, DO), lambda i: (i, 0)),
            pl.BlockSpec((BN, 1), lambda i: (i, 0)),
            pl.BlockSpec((1, DO), lambda i: (0, 0)),
            pl.BlockSpec((BN, 1), lambda i: (i, 0)),
        ],
        out_specs=pl.BlockSpec((G, DO), lambda i: (0, 0)),
        out_shape=jax.ShapeDtypeStruct((G, DO), jnp.float32),
        scratch_shapes=[
            pltpu.VMEM((G, DO), jnp.float32),
            pltpu.VMEM((G, 1), jnp.float32),
        ],
    )


def kernel(x, edge_index, batch, W1, b1, W2, b2):
    N, DI = x.shape
    DH = W1.shape[1]
    DO = W2.shape[1]
    E = edge_index.shape[1]
    G = 16

    dst_flat = edge_index[1]
    kpw = -(-(-(-E // _CH)) // _NW)
    E_pad = kpw * _NW * _CH
    pad = E_pad - E
    src = jnp.concatenate([edge_index[0], jnp.zeros((pad,), jnp.int32)])
    dst = jnp.concatenate([edge_index[1], jnp.full((pad,), N, jnp.int32)])
    zeros_d = jnp.zeros((N,), jnp.float32)
    zeros_h = jnp.zeros((N, max(DH, DO)), jnp.float32)

    deg2 = _degree_call(N, E)(dst_flat, zeros_d)
    d0 = deg2[:N].reshape(N, 1)
    d1 = deg2[N:].reshape(N, 1)
    h1p, dinv = _matmul_scale_call(N, DI, DH)(x, W1, d0, d1)
    agg1 = _aggregate_call(N, E_pad, DH)(h1p, src, dst, zeros_h[:, :DH])
    h2p = _layer2_call(N, DH, DO)(
        agg1[:N], agg1[N:], h1p, dinv, b1.reshape(1, -1), W2)
    agg2 = _aggregate_call(N, E_pad, DO)(h2p, src, dst, zeros_h[:, :DO])
    out = _pool_call(N, DO, G)(
        agg2[:N], agg2[N:], h2p, dinv, b2.reshape(1, -1), batch.reshape(-1, 1))
    return out

# --- scband reference (transcript-rebuilt; emitter-appended) ---
"""Pipeline reference for scband-text-gnn-70463233459007 (READ-ONLY COPY).

The authoritative reference and input builder live on the scoring server;
editing this copy changes nothing except your own understanding.
"""

import jax, jax.numpy as jnp
import numpy as np

N = 10000
E = 320000
D_IN = 128
D_HID = 128
D_OUT = 128
G = 16


def setup_inputs(seed: int = 0) -> dict:
    key = jax.random.key(seed)
    k1, k2, k3, k4, k5 = jax.random.split(key, 5)
    x = jax.random.normal(k1, (N, D_IN), dtype=jnp.float32)
    edge_index = jax.random.randint(k2, (2, E), 0, N, dtype=jnp.int32)
    batch = jnp.sort(jax.random.randint(k3, (N,), 0, G, dtype=jnp.int32))
    W1 = jax.random.normal(k4, (D_IN, D_HID), dtype=jnp.float32) * 0.05
    b1 = jnp.zeros((D_HID,), dtype=jnp.float32)
    W2 = jax.random.normal(k5, (D_HID, D_OUT), dtype=jnp.float32) * 0.05
    b2 = jnp.zeros((D_OUT,), dtype=jnp.float32)
    return {"x": x, "edge_index": edge_index, "batch": batch, "W1": W1, "b1": b1, "W2": W2, "b2": b2}


def _gcn_conv(x, edge_index, W, b):
    # Faithful GCNConv: add self-loops, symmetric normalization D^-1/2 A_hat D^-1/2, then XW aggregation + bias
    n = x.shape[0]
    loop = jnp.arange(n, dtype=edge_index.dtype)
    src = jnp.concatenate([edge_index[0], loop])
    dst = jnp.concatenate([edge_index[1], loop])
    deg = jnp.zeros((n,), dtype=x.dtype).at[dst].add(1.0)
    dinv = jnp.where(deg > 0, jax.lax.rsqrt(deg), 0.0)
    norm = dinv[src] * dinv[dst]
    h = x @ W
    msg = norm[:, None] * jnp.take(h, src, axis=0)
    out = jnp.zeros((n, W.shape[1]), dtype=x.dtype).at[dst].add(msg)
    return out + b


def reference(x, edge_index, batch, W1, b1, W2, b2):
    h = jax.nn.relu(_gcn_conv(x, edge_index, W1, b1))
    h = _gcn_conv(h, edge_index, W2, b2)
    sums = jax.ops.segment_sum(h, batch, num_segments=G)
    cnt = jax.ops.segment_sum(jnp.ones((h.shape[0], 1), dtype=h.dtype), batch, num_segments=G)
    return sums / jnp.maximum(cnt, 1.0)

if __name__ == "__main__":
    import jax
    _d = setup_inputs()
    print(jax.jit(kernel)(*tuple(_d.values())))

</pallas_src>

<mosaic_0001>
#map = affine_map<(d0, d1) -> (0)>
module attributes {stable_mosaic.version = 14 : i64} {
  func.func @deg_kernel(%arg0: i32, %arg1: i32, %arg2: memref<320000xi32, #tpu.memory_space<hbm>>, %arg3: memref<10000xf32, #tpu.memory_space<hbm>>, %arg4: memref<20000xf32, #tpu.memory_space<hbm>>, %arg5: memref<10112xi32, #tpu.memory_space<vmem>>, %arg6: memref<10000xf32, #tpu.memory_space<vmem>>, %arg7: memref<640xf32, #tpu.memory_space<vmem>>, %arg8: memref<640xf32, #tpu.memory_space<vmem>>, %arg9: memref<160000xf32, #tpu.memory_space<vmem_shared>>) attributes {dimension_semantics = [#tpu.dimension_semantics<core_parallel>, #tpu.dimension_semantics<subcore_parallel>], iteration_bounds = array<i64: 2, 16>, scalar_prefetch = 0 : i64, scratch_operands = 5 : i64, tpu.core_type = #tpu.core_type<sc_vector_subcore>, window_params = [{transform_indices = #map}, {transform_indices = #map}, {transform_indices = #map}]} {
    %mul3A = arith.constant 2 : i32
    %mul3A_0 = arith.muli %arg1, %mul3A : i32
    %add3A = arith.addi %mul3A_0, %arg0 : i32
    %mul3A_1 = arith.constant 9984 : i32
    %mul3A_2 = arith.muli %add3A, %mul3A_1 : i32
    "tpu.region"() ({
      %run_scoped3A = tpu.sem_alloc : memref<!tpu.dma_semaphore, #tpu.memory_space<semaphore_mem>>
      %dma_start3A = arith.constant 0 : i32
      %dma_start3A_24 = tpu.memref_slice %arg5[%dma_start3A] : memref<10112xi32, #tpu.memory_space<vmem>> -> memref<9984xi32, #tpu.memory_space<vmem>>
      %dma_start3A_25 = tpu.memref_slice %arg2[%mul3A_2] : memref<320000xi32, #tpu.memory_space<hbm>> -> memref<9984xi32, #tpu.memory_space<hbm>>
      %dma_start3A_26 = arith.constant 0 : i32
      %dma_start3A_27 = tpu.memref_slice %arg5[%dma_start3A_26] : memref<10112xi32, #tpu.memory_space<vmem>> -> memref<9984xi32, #tpu.memory_space<vmem>>
      %dma_start3A_28 = tpu.memref_slice %arg2[%mul3A_2] : memref<320000xi32, #tpu.memory_space<hbm>> -> memref<9984xi32, #tpu.memory_space<hbm>>
      tpu.enqueue_dma source(%dma_start3A_28 : memref<9984xi32, #tpu.memory_space<hbm>>) target(%dma_start3A_27 : memref<9984xi32, #tpu.memory_space<vmem>>) target_semaphore(%run_scoped3A : memref<!tpu.dma_semaphore, #tpu.memory_space<semaphore_mem>>)
      %dma_wait3A = arith.constant 0 : i32
      %dma_wait3A_29 = tpu.memref_slice %arg5[%dma_wait3A] : memref<10112xi32, #tpu.memory_space<vmem>> -> memref<9984xi32, #tpu.memory_space<vmem>>
      %dma_wait3A_30 = tpu.memref_slice %arg2[%mul3A_2] : memref<320000xi32, #tpu.memory_space<hbm>> -> memref<9984xi32, #tpu.memory_space<hbm>>
      %dma_wait3A_31 = arith.constant 0 : i32
      %dma_wait3A_32 = tpu.memref_slice %arg5[%dma_wait3A_31] : memref<10112xi32, #tpu.memory_space<vmem>> -> memref<9984xi32, #tpu.memory_space<vmem>>
      %dma_wait3A_33 = tpu.memref_slice %arg2[%mul3A_2] : memref<320000xi32, #tpu.memory_space<hbm>> -> memref<9984xi32, #tpu.memory_space<hbm>>
      tpu.wait_dma2 semaphore(%run_scoped3A : memref<!tpu.dma_semaphore, #tpu.memory_space<semaphore_mem>>) src(%dma_wait3A_33 : memref<9984xi32, #tpu.memory_space<hbm>>) dst(%dma_wait3A_32 : memref<9984xi32, #tpu.memory_space<vmem>>)
      tpu.yield
    }) : () -> ()
    "tpu.region"() ({
      %run_scoped3A = tpu.sem_alloc : memref<!tpu.dma_semaphore, #tpu.memory_space<semaphore_mem>>
      tpu.enqueue_dma source(%arg3 : memref<10000xf32, #tpu.memory_space<hbm>>) target(%arg6 : memref<10000xf32, #tpu.memory_space<vmem>>) target_semaphore(%run_scoped3A : memref<!tpu.dma_semaphore, #tpu.memory_space<semaphore_mem>>)
      tpu.wait_dma2 semaphore(%run_scoped3A : memref<!tpu.dma_semaphore, #tpu.memory_space<semaphore_mem>>) src(%arg3 : memref<10000xf32, #tpu.memory_space<hbm>>) dst(%arg6 : memref<10000xf32, #tpu.memory_space<vmem>>)
      tpu.yield
    }) : () -> ()
    %broadcast_in_dim3A = arith.constant 1.000000e+00 : f32
    %broadcast_in_dim3A_3 = vector.broadcast %broadcast_in_dim3A : f32 to vector<16xf32>
    %scan3A = arith.constant 0 : i32
    %scan3A_4 = arith.constant 0 : i32
    %scan3A_5 = arith.constant 78 : i32
    %scan3A_6 = arith.addi %scan3A_4, %scan3A_5 : i32
    %scan3A_7 = arith.constant 1 : i32
    scf.for %scan3A_24 = %scan3A_4 to %scan3A_6 step %scan3A_7  : i32 {
      %mul3A_25 = arith.constant 128 : i32
      %mul3A_26 = arith.muli %scan3A_24, %mul3A_25 : i32
      %add3A_27 = arith.constant 0 : i32
      %add3A_28 = arith.addi %mul3A_26, %add3A_27 : i32
      %get3A = arith.index_cast %add3A_28 : i32 to index
      %get3A_29 = tpu.vector_load %arg5[%get3A] {strides = array<i32>} : memref<10112xi32, #tpu.memory_space<vmem>>, vector<16xi32>,
      tpu.vector_store_idx %arg6[%get3A_29], %broadcast_in_dim3A_3 {add = true} : memref<10000xf32, #tpu.memory_space<vmem>>[vector<16xi32>], vector<16xf32>,
      %add3A_30 = arith.constant 16 : i32
      %add3A_31 = arith.addi %mul3A_26, %add3A_30 : i32
      %get3A_32 = arith.index_cast %add3A_31 : i32 to index
      %get3A_33 = tpu.vector_load %arg5[%get3A_32] {strides = array<i32>} : memref<10112xi32, #tpu.memory_space<vmem>>, vector<16xi32>,
      tpu.vector_store_idx %arg6[%get3A_33], %broadcast_in_dim3A_3 {add = true} : memref<10000xf32, #tpu.memory_space<vmem>>[vector<16xi32>], vector<16xf32>,
      %add3A_34 = arith.constant 32 : i32
      %add3A_35 = arith.addi %mul3A_26, %add3A_34 : i32
      %get3A_36 = arith.index_cast %add3A_35 : i32 to index
      %get3A_37 = tpu.vector_load %arg5[%get3A_36] {strides = array<i32>} : memref<10112xi32, #tpu.memory_space<vmem>>, vector<16xi32>,
      tpu.vector_store_idx %arg6[%get3A_37], %broadcast_in_dim3A_3 {add = true} : memref<10000xf32, #tpu.memory_space<vmem>>[vector<16xi32>], vector<16xf32>,
      %add3A_38 = arith.constant 48 : i32
      %add3A_39 = arith.addi %mul3A_26, %add3A_38 : i32
      %get3A_40 = arith.index_cast %add3A_39 : i32 to index
      %get3A_41 = tpu.vector_load %arg5[%get3A_40] {strides = array<i32>} : memref<10112xi32, #tpu.memory_space<vmem>>, vector<16xi32>,
      tpu.vector_store_idx %arg6[%get3A_41], %broadcast_in_dim3A_3 {add = true} : memref<10000xf32, #tpu.memory_space<vmem>>[vector<16xi32>], vector<16xf32>,
      %add3A_42 = arith.constant 64 : i32
      %add3A_43 = arith.addi %mul3A_26, %add3A_42 : i32
      %get3A_44 = arith.index_cast %add3A_43 : i32 to index
      %get3A_45 = tpu.vector_load %arg5[%get3A_44] {strides = array<i32>} : memref<10112xi32, #tpu.memory_space<vmem>>, vector<16xi32>,
      tpu.vector_store_idx %arg6[%get3A_45], %broadcast_in_dim3A_3 {add = true} : memref<10000xf32, #tpu.memory_space<vmem>>[vector<16xi32>], vector<16xf32>,
      %add3A_46 = arith.constant 80 : i32
      %add3A_47 = arith.addi %mul3A_26, %add3A_46 : i32
      %get3A_48 = arith.index_cast %add3A_47 : i32 to index
      %get3A_49 = tpu.vector_load %arg5[%get3A_48] {strides = array<i32>} : memref<10112xi32, #tpu.memory_space<vmem>>, vector<16xi32>,
      tpu.vector_store_idx %arg6[%get3A_49], %broadcast_in_dim3A_3 {add = true} : memref<10000xf32, #tpu.memory_space<vmem>>[vector<16xi32>], vector<16xf32>,
      %add3A_50 = arith.constant 96 : i32
      %add3A_51 = arith.addi %mul3A_26, %add3A_50 : i32
      %get3A_52 = arith.index_cast %add3A_51 : i32 to index
      %get3A_53 = tpu.vector_load %arg5[%get3A_52] {strides = array<i32>} : memref<10112xi32, #tpu.memory_space<vmem>>, vector<16xi32>,
      tpu.vector_store_idx %arg6[%get3A_53], %broadcast_in_dim3A_3 {add = true} : memref<10000xf32, #tpu.memory_space<vmem>>[vector<16xi32>], vector<16xf32>,
      %add3A_54 = arith.constant 112 : i32
      %add3A_55 = arith.addi %mul3A_26, %add3A_54 : i32
      %get3A_56 = arith.index_cast %add3A_55 : i32 to index
      %get3A_57 = tpu.vector_load %arg5[%get3A_56] {strides = array<i32>} : memref<10112xi32, #tpu.memory_space<vmem>>, vector<16xi32>,
      tpu.vector_store_idx %arg6[%get3A_57], %broadcast_in_dim3A_3 {add = true} : memref<10000xf32, #tpu.memory_space<vmem>>[vector<16xi32>], vector<16xf32>,
    }
    %scan3A_8 = arith.constant 78 : i32
    %eq3A = arith.constant 0 : i32
    %eq3A_9 = arith.cmpi eq, %add3A, %eq3A : i32
    %convert_element_type3A = arith.extui %eq3A_9 : i1 to i32
    %cond3A = arith.constant 0 : i32
    %cond3A_10 = arith.cmpi ne, %convert_element_type3A, %cond3A : i32
    scf.if %cond3A_10 {
      "tpu.region"() ({
        %run_scoped3A = tpu.sem_alloc : memref<!tpu.dma_semaphore, #tpu.memory_space<semaphore_mem>>
        %dma_start3A = arith.constant 0 : i32
        %dma_start3A_87 = tpu.memref_slice %arg5[%dma_start3A] : memref<10112xi32, #tpu.memory_space<vmem>> -> memref<512xi32, #tpu.memory_space<vmem>>
        %dma_start3A_88 = arith.constant 319488 : i32
        %dma_start3A_89 = tpu.memref_slice %arg2[%dma_start3A_88] : memref<320000xi32, #tpu.memory_space<hbm>> -> memref<512xi32, #tpu.memory_space<hbm>>
        %dma_start3A_90 = arith.constant 0 : i32
        %dma_start3A_91 = tpu.memref_slice %arg5[%dma_start3A_90] : memref<10112xi32, #tpu.memory_space<vmem>> -> memref<512xi32, #tpu.memory_space<vmem>>
        %dma_start3A_92 = arith.constant 319488 : i32
        %dma_start3A_93 = tpu.memref_slice %arg2[%dma_start3A_92] : memref<320000xi32, #tpu.memory_space<hbm>> -> memref<512xi32, #tpu.memory_space<hbm>>
        tpu.enqueue_dma source(%dma_start3A_93 : memref<512xi32, #tpu.memory_space<hbm>>) target(%dma_start3A_91 : memref<512xi32, #tpu.memory_space<vmem>>) target_semaphore(%run_scoped3A : memref<!tpu.dma_semaphore, #tpu.memory_space<semaphore_mem>>)
        %dma_wait3A = arith.constant 0 : i32
        %dma_wait3A_94 = tpu.memref_slice %arg5[%dma_wait3A] : memref<10112xi32, #tpu.memory_space<vmem>> -> memref<512xi32, #tpu.memory_space<vmem>>
        %dma_wait3A_95 = arith.constant 319488 : i32
        %dma_wait3A_96 = tpu.memref_slice %arg2[%dma_wait3A_95] : memref<320000xi32, #tpu.memory_space<hbm>> -> memref<512xi32, #tpu.memory_space<hbm>>
        %dma_wait3A_97 = arith.constant 0 : i32
        %dma_wait3A_98 = tpu.memref_slice %arg5[%dma_wait3A_97] : memref<10112xi32, #tpu.memory_space<vmem>> -> memref<512xi32, #tpu.memory_space<vmem>>
        %dma_wait3A_99 = arith.constant 319488 : i32
        %dma_wait3A_100 = tpu.memref_slice %arg2[%dma_wait3A_99] : memref<320000xi32, #tpu.memory_space<hbm>> -> memref<512xi32, #tpu.memory_space<hbm>>
        tpu.wait_dma2 semaphore(%run_scoped3A : memref<!tpu.dma_semaphore, #tpu.memory_space<semaphore_mem>>) src(%dma_wait3A_100 : memref<512xi32, #tpu.memory_space<hbm>>) dst(%dma_wait3A_98 : memref<512xi32, #tpu.memory_space<vmem>>)
        tpu.yield
      }) : () -> ()
      %get3A = arith.constant 0 : index
      %get3A_24 = tpu.vector_load %arg5[%get3A] {strides = array<i32>} : memref<10112xi32, #tpu.memory_space<vmem>>, vector<16xi32>,
      tpu.vector_store_idx %arg6[%get3A_24], %broadcast_in_dim3A_3 {add = true} : memref<10000xf32, #tpu.memory_space<vmem>>[vector<16xi32>], vector<16xf32>,
      %get3A_25 = arith.constant 16 : index
      %get3A_26 = tpu.vector_load %arg5[%get3A_25] {strides = array<i32>} : memref<10112xi32, #tpu.memory_space<vmem>>, vector<16xi32>,
      tpu.vector_store_idx %arg6[%get3A_26], %broadcast_in_dim3A_3 {add = true} : memref<10000xf32, #tpu.memory_space<vmem>>[vector<16xi32>], vector<16xf32>,
      %get3A_27 = arith.constant 32 : index
      %get3A_28 = tpu.vector_load %arg5[%get3A_27] {strides = array<i32>} : memref<10112xi32, #tpu.memory_space<vmem>>, vector<16xi32>,
      tpu.vector_store_idx %arg6[%get3A_28], %broadcast_in_dim3A_3 {add = true} : memref<10000xf32, #tpu.memory_space<vmem>>[vector<16xi32>], vector<16xf32>,
      %get3A_29 = arith.constant 48 : index
      %get3A_30 = tpu.vector_load %arg5[%get3A_29] {strides = array<i32>} : memref<10112xi32, #tpu.memory_space<vmem>>, vector<16xi32>,
      tpu.vector_store_idx %arg6[%get3A_30], %broadcast_in_dim3A_3 {add = true} : memref<10000xf32, #tpu.memory_space<vmem>>[vector<16xi32>], vector<16xf32>,
      %get3A_31 = arith.constant 64 : index
      %get3A_32 = tpu.vector_load %arg5[%get3A_31] {strides = array<i32>} : memref<10112xi32, #tpu.memory_space<vmem>>, vector<16xi32>,
      tpu.vector_store_idx %arg6[%get3A_32], %broadcast_in_dim3A_3 {add = true} : memref<10000xf32, #tpu.memory_space<vmem>>[vector<16xi32>], vector<16xf32>,
      %get3A_33 = arith.constant 80 : index
      %get3A_34 = tpu.vector_load %arg5[%get3A_33] {strides = array<i32>} : memref<10112xi32, #tpu.memory_space<vmem>>, vector<16xi32>,
      tpu.vector_store_idx %arg6[%get3A_34], %broadcast_in_dim3A_3 {add = true} : memref<10000xf32, #tpu.memory_space<vmem>>[vector<16xi32>], vector<16xf32>,
      %get3A_35 = arith.constant 96 : index
      %get3A_36 = tpu.vector_load %arg5[%get3A_35] {strides = array<i32>} : memref<10112xi32, #tpu.memory_space<vmem>>, vector<16xi32>,
      tpu.vector_store_idx %arg6[%get3A_36], %broadcast_in_dim3A_3 {add = true} : memref<10000xf32, #tpu.memory_space<vmem>>[vector<16xi32>], vector<16xf32>,
      %get3A_37 = arith.constant 112 : index
      %get3A_38 = tpu.vector_load %arg5[%get3A_37] {strides = array<i32>} : memref<10112xi32, #tpu.memory_space<vmem>>, vector<16xi32>,
      tpu.vector_store_idx %arg6[%get3A_38], %broadcast_in_dim3A_3 {add = true} : memref<10000xf32, #tpu.memory_space<vmem>>[vector<16xi32>], vector<16xf32>,
      %get3A_39 = arith.constant 128 : index
      %get3A_40 = tpu.vector_load %arg5[%get3A_39] {strides = array<i32>} : memref<10112xi32, #tpu.memory_space<vmem>>, vector<16xi32>,
      tpu.vector_store_idx %arg6[%get3A_40], %broadcast_in_dim3A_3 {add = true} : memref<10000xf32, #tpu.memory_space<vmem>>[vector<16xi32>], vector<16xf32>,
      %get3A_41 = arith.constant 144 : index
      %get3A_42 = tpu.vector_load %arg5[%get3A_41] {strides = array<i32>} : memref<10112xi32, #tpu.memory_space<vmem>>, vector<16xi32>,
      tpu.vector_store_idx %arg6[%get3A_42], %broadcast_in_dim3A_3 {add = true} : memref<10000xf32, #tpu.memory_space<vmem>>[vector<16xi32>], vector<16xf32>,
      %get3A_43 = arith.constant 160 : index
      %get3A_44 = tpu.vector_load %arg5[%get3A_43] {strides = array<i32>} : memref<10112xi32, #tpu.memory_space<vmem>>, vector<16xi32>,
      tpu.vector_store_idx %arg6[%get3A_44], %broadcast_in_dim3A_3 {add = true} : memref<10000xf32, #tpu.memory_space<vmem>>[vector<16xi32>], vector<16xf32>,
      %get3A_45 = arith.constant 176 : index
      %get3A_46 = tpu.vector_load %arg5[%get3A_45] {strides = array<i32>} : memref<10112xi32, #tpu.memory_space<vmem>>, vector<16xi32>,
      tpu.vector_store_idx %arg6[%get3A_46], %broadcast_in_dim3A_3 {add = true} : memref<10000xf32, #tpu.memory_space<vmem>>[vector<16xi32>], vector<16xf32>,
      %get3A_47 = arith.constant 192 : index
      %get3A_48 = tpu.vector_load %arg5[%get3A_47] {strides = array<i32>} : memref<10112xi32, #tpu.memory_space<vmem>>, vector<16xi32>,
      tpu.vector_store_idx %arg6[%get3A_48], %broadcast_in_dim3A_3 {add = true} : memref<10000xf32, #tpu.memory_space<vmem>>[vector<16xi32>], vector<16xf32>,
      %get3A_49 = arith.constant 208 : index
      %get3A_50 = tpu.vector_load %arg5[%get3A_49] {strides = array<i32>} : memref<10112xi32, #tpu.memory_space<vmem>>, vector<16xi32>,
      tpu.vector_store_idx %arg6[%get3A_50], %broadcast_in_dim3A_3 {add = true} : memref<10000xf32, #tpu.memory_space<vmem>>[vector<16xi32>], vector<16xf32>,
      %get3A_51 = arith.constant 224 : index
      %get3A_52 = tpu.vector_load %arg5[%get3A_51] {strides = array<i32>} : memref<10112xi32, #tpu.memory_space<vmem>>, vector<16xi32>,
      tpu.vector_store_idx %arg6[%get3A_52], %broadcast_in_dim3A_3 {add = true} : memref<10000xf32, #tpu.memory_space<vmem>>[vector<16xi32>], vector<16xf32>,
      %get3A_53 = arith.constant 240 : index
      %get3A_54 = tpu.vector_load %arg5[%get3A_53] {strides = array<i32>} : memref<10112xi32, #tpu.memory_space<vmem>>, vector<16xi32>,
      tpu.vector_store_idx %arg6[%get3A_54], %broadcast_in_dim3A_3 {add = true} : memref<10000xf32, #tpu.memory_space<vmem>>[vector<16xi32>], vector<16xf32>,
      %get3A_55 = arith.constant 256 : index
      %get3A_56 = tpu.vector_load %arg5[%get3A_55] {strides = array<i32>} : memref<10112xi32, #tpu.memory_space<vmem>>, vector<16xi32>,
      tpu.vector_store_idx %arg6[%get3A_56], %broadcast_in_dim3A_3 {add = true} : memref<10000xf32, #tpu.memory_space<vmem>>[vector<16xi32>], vector<16xf32>,
      %get3A_57 = arith.constant 272 : index
      %get3A_58 = tpu.vector_load %arg5[%get3A_57] {strides = array<i32>} : memref<10112xi32, #tpu.memory_space<vmem>>, vector<16xi32>,
      tpu.vector_store_idx %arg6[%get3A_58], %broadcast_in_dim3A_3 {add = true} : memref<10000xf32, #tpu.memory_space<vmem>>[vector<16xi32>], vector<16xf32>,
      %get3A_59 = arith.constant 288 : index
      %get3A_60 = tpu.vector_load %arg5[%get3A_59] {strides = array<i32>} : memref<10112xi32, #tpu.memory_space<vmem>>, vector<16xi32>,
      tpu.vector_store_idx %arg6[%get3A_60], %broadcast_in_dim3A_3 {add = true} : memref<10000xf32, #tpu.memory_space<vmem>>[vector<16xi32>], vector<16xf32>,
      %get3A_61 = arith.constant 304 : index
      %get3A_62 = tpu.vector_load %arg5[%get3A_61] {strides = array<i32>} : memref<10112xi32, #tpu.memory_space<vmem>>, vector<16xi32>,
      tpu.vector_store_idx %arg6[%get3A_62], %broadcast_in_dim3A_3 {add = true} : memref<10000xf32, #tpu.memory_space<vmem>>[vector<16xi32>], vector<16xf32>,
      %get3A_63 = arith.constant 320 : index
      %get3A_64 = tpu.vector_load %arg5[%get3A_63] {strides = array<i32>} : memref<10112xi32, #tpu.memory_space<vmem>>, vector<16xi32>,
      tpu.vector_store_idx %arg6[%get3A_64], %broadcast_in_dim3A_3 {add = true} : memref<10000xf32, #tpu.memory_space<vmem>>[vector<16xi32>], vector<16xf32>,
      %get3A_65 = arith.constant 336 : index
      %get3A_66 = tpu.vector_load %arg5[%get3A_65] {strides = array<i32>} : memref<10112xi32, #tpu.memory_space<vmem>>, vector<16xi32>,
      tpu.vector_store_idx %arg6[%get3A_66], %broadcast_in_dim3A_3 {add = true} : memref<10000xf32, #tpu.memory_space<vmem>>[vector<16xi32>], vector<16xf32>,
      %get3A_67 = arith.constant 352 : index
      %get3A_68 = tpu.vector_load %arg5[%get3A_67] {strides = array<i32>} : memref<10112xi32, #tpu.memory_space<vmem>>, vector<16xi32>,
      tpu.vector_store_idx %arg6[%get3A_68], %broadcast_in_dim3A_3 {add = true} : memref<10000xf32, #tpu.memory_space<vmem>>[vector<16xi32>], vector<16xf32>,
      %get3A_69 = arith.constant 368 : index
      %get3A_70 = tpu.vector_load %arg5[%get3A_69] {strides = array<i32>} : memref<10112xi32, #tpu.memory_space<vmem>>, vector<16xi32>,
      tpu.vector_store_idx %arg6[%get3A_70], %broadcast_in_dim3A_3 {add = true} : memref<10000xf32, #tpu.memory_space<vmem>>[vector<16xi32>], vector<16xf32>,
      %get3A_71 = arith.constant 384 : index
      %get3A_72 = tpu.vector_load %arg5[%get3A_71] {strides = array<i32>} : memref<10112xi32, #tpu.memory_space<vmem>>, vector<16xi32>,
      tpu.vector_store_idx %arg6[%get3A_72], %broadcast_in_dim3A_3 {add = true} : memref<10000xf32, #tpu.memory_space<vmem>>[vector<16xi32>], vector<16xf32>,
      %get3A_73 = arith.constant 400 : index
      %get3A_74 = tpu.vector_load %arg5[%get3A_73] {strides = array<i32>} : memref<10112xi32, #tpu.memory_space<vmem>>, vector<16xi32>,
      tpu.vector_store_idx %arg6[%get3A_74], %broadcast_in_dim3A_3 {add = true} : memref<10000xf32, #tpu.memory_space<vmem>>[vector<16xi32>], vector<16xf32>,
      %get3A_75 = arith.constant 416 : index
      %get3A_76 = tpu.vector_load %arg5[%get3A_75] {strides = array<i32>} : memref<10112xi32, #tpu.memory_space<vmem>>, vector<16xi32>,
      tpu.vector_store_idx %arg6[%get3A_76], %broadcast_in_dim3A_3 {add = true} : memref<10000xf32, #tpu.memory_space<vmem>>[vector<16xi32>], vector<16xf32>,
      %get3A_77 = arith.constant 432 : index
      %get3A_78 = tpu.vector_load %arg5[%get3A_77] {strides = array<i32>} : memref<10112xi32, #tpu.memory_space<vmem>>, vector<16xi32>,
      tpu.vector_store_idx %arg6[%get3A_78], %broadcast_in_dim3A_3 {add = true} : memref<10000xf32, #tpu.memory_space<vmem>>[vector<16xi32>], vector<16xf32>,
      %get3A_79 = arith.constant 448 : index
      %get3A_80 = tpu.vector_load %arg5[%get3A_79] {strides = array<i32>} : memref<10112xi32, #tpu.memory_space<vmem>>, vector<16xi32>,
      tpu.vector_store_idx %arg6[%get3A_80], %broadcast_in_dim3A_3 {add = true} : memref<10000xf32, #tpu.memory_space<vmem>>[vector<16xi32>], vector<16xf32>,
      %get3A_81 = arith.constant 464 : index
      %get3A_82 = tpu.vector_load %arg5[%get3A_81] {strides = array<i32>} : memref<10112xi32, #tpu.memory_space<vmem>>, vector<16xi32>,
      tpu.vector_store_idx %arg6[%get3A_82], %broadcast_in_dim3A_3 {add = true} : memref<10000xf32, #tpu.memory_space<vmem>>[vector<16xi32>], vector<16xf32>,
      %get3A_83 = arith.constant 480 : index
      %get3A_84 = tpu.vector_load %arg5[%get3A_83] {strides = array<i32>} : memref<10112xi32, #tpu.memory_space<vmem>>, vector<16xi32>,
      tpu.vector_store_idx %arg6[%get3A_84], %broadcast_in_dim3A_3 {add = true} : memref<10000xf32, #tpu.memory_space<vmem>>[vector<16xi32>], vector<16xf32>,
      %get3A_85 = arith.constant 496 : index
      %get3A_86 = tpu.vector_load %arg5[%get3A_85] {strides = array<i32>} : memref<10112xi32, #tpu.memory_space<vmem>>, vector<16xi32>,
      tpu.vector_store_idx %arg6[%get3A_86], %broadcast_in_dim3A_3 {add = true} : memref<10000xf32, #tpu.memory_space<vmem>>[vector<16xi32>], vector<16xf32>,
    } else {
    }
    %mul3A_11 = arith.constant 10000 : i32
    %mul3A_12 = arith.muli %arg1, %mul3A_11 : i32
    "tpu.region"() ({
      %run_scoped3A = tpu.sem_alloc : memref<!tpu.dma_semaphore, #tpu.memory_space<semaphore_mem>>
      %dma_start3A = tpu.memref_slice %arg9[%mul3A_12] : memref<160000xf32, #tpu.memory_space<vmem_shared>> -> memref<10000xf32, #tpu.memory_space<vmem_shared>>
      %dma_start3A_24 = tpu.memref_slice %arg9[%mul3A_12] : memref<160000xf32, #tpu.memory_space<vmem_shared>> -> memref<10000xf32, #tpu.memory_space<vmem_shared>>
      tpu.enqueue_dma source(%arg6 : memref<10000xf32, #tpu.memory_space<vmem>>) target(%dma_start3A_24 : memref<10000xf32, #tpu.memory_space<vmem_shared>>) target_semaphore(%run_scoped3A : memref<!tpu.dma_semaphore, #tpu.memory_space<semaphore_mem>>)
      %dma_wait3A = tpu.memref_slice %arg9[%mul3A_12] : memref<160000xf32, #tpu.memory_space<vmem_shared>> -> memref<10000xf32, #tpu.memory_space<vmem_shared>>
      %dma_wait3A_25 = tpu.memref_slice %arg9[%mul3A_12] : memref<160000xf32, #tpu.memory_space<vmem_shared>> -> memref<10000xf32, #tpu.memory_space<vmem_shared>>
      tpu.wait_dma2 semaphore(%run_scoped3A : memref<!tpu.dma_semaphore, #tpu.memory_space<semaphore_mem>>) src(%arg6 : memref<10000xf32, #tpu.memory_space<vmem>>) dst(%dma_wait3A_25 : memref<10000xf32, #tpu.memory_space<vmem_shared>>)
      tpu.yield
    }) : () -> ()
    %barrier3A = arith.constant 0 : index
    tpu.barrier barrier_id(%barrier3A)
    %mul3A_13 = arith.constant 640 : i32
    %mul3A_14 = arith.muli %arg1, %mul3A_13 : i32
    %lt3A = arith.constant 15 : i32
    %lt3A_15 = arith.cmpi slt, %arg1, %lt3A : i32
    %convert_element_type3A_16 = arith.extui %lt3A_15 : i1 to i32
    %cond3A_17 = arith.constant 0 : i32
    %cond3A_18 = arith.cmpi ne, %convert_element_type3A_16, %cond3A_17 : i32
    scf.if %cond3A_18 {
      "tpu.region"() ({
        %run_scoped3A = tpu.sem_alloc : memref<!tpu.dma_semaphore, #tpu.memory_space<semaphore_mem>>
        %dma_start3A = arith.constant 0 : i32
        %dma_start3A_33 = tpu.memref_slice %arg7[%dma_start3A] : memref<640xf32, #tpu.memory_space<vmem>> -> memref<640xf32, #tpu.memory_space<vmem>>
        %dma_start3A_34 = tpu.memref_slice %arg9[%mul3A_14] : memref<160000xf32, #tpu.memory_space<vmem_shared>> -> memref<640xf32, #tpu.memory_space<vmem_shared>>
        %dma_start3A_35 = arith.constant 0 : i32
        %dma_start3A_36 = tpu.memref_slice %arg7[%dma_start3A_35] : memref<640xf32, #tpu.memory_space<vmem>> -> memref<640xf32, #tpu.memory_space<vmem>>
        %dma_start3A_37 = tpu.memref_slice %arg9[%mul3A_14] : memref<160000xf32, #tpu.memory_space<vmem_shared>> -> memref<640xf32, #tpu.memory_space<vmem_shared>>
        tpu.enqueue_dma source(%dma_start3A_37 : memref<640xf32, #tpu.memory_space<vmem_shared>>) target(%dma_start3A_36 : memref<640xf32, #tpu.memory_space<vmem>>) target_semaphore(%run_scoped3A : memref<!tpu.dma_semaphore, #tpu.memory_space<semaphore_mem>>)
        %dma_wait3A = arith.constant 0 : i32
        %dma_wait3A_38 = tpu.memref_slice %arg7[%dma_wait3A] : memref<640xf32, #tpu.memory_space<vmem>> -> memref<640xf32, #tpu.memory_space<vmem>>
        %dma_wait3A_39 = tpu.memref_slice %arg9[%mul3A_14] : memref<160000xf32, #tpu.memory_space<vmem_shared>> -> memref<640xf32, #tpu.memory_space<vmem_shared>>
        %dma_wait3A_40 = arith.constant 0 : i32
        %dma_wait3A_41 = tpu.memref_slice %arg7[%dma_wait3A_40] : memref<640xf32, #tpu.memory_space<vmem>> -> memref<640xf32, #tpu.memory_space<vmem>>
        %dma_wait3A_42 = tpu.memref_slice %arg9[%mul3A_14] : memref<160000xf32, #tpu.memory_space<vmem_shared>> -> memref<640xf32, #tpu.memory_space<vmem_shared>>
        tpu.wait_dma2 semaphore(%run_scoped3A : memref<!tpu.dma_semaphore, #tpu.memory_space<semaphore_mem>>) src(%dma_wait3A_42 : memref<640xf32, #tpu.memory_space<vmem_shared>>) dst(%dma_wait3A_41 : memref<640xf32, #tpu.memory_space<vmem>>)
        tpu.yield
      }) : () -> ()
      %scan3A_24 = arith.constant 0 : i32
      %scan3A_25 = arith.constant 1 : i32
      %scan3A_26 = arith.constant 15 : i32
      %scan3A_27 = arith.addi %scan3A_25, %scan3A_26 : i32
      %scan3A_28 = arith.constant 1 : i32
      scf.for %scan3A_33 = %scan3A_25 to %scan3A_27 step %scan3A_28  : i32 {
        %mul3A_34 = arith.constant 10000 : i32
        %mul3A_35 = arith.muli %scan3A_33, %mul3A_34 : i32
        %add3A_36 = arith.addi %mul3A_35, %mul3A_14 : i32
        "tpu.region"() ({
          %run_scoped3A = tpu.sem_alloc : memref<!tpu.dma_semaphore, #tpu.memory_space<semaphore_mem>>
          %dma_start3A = arith.constant 0 : i32
          %dma_start3A_315 = tpu.memref_slice %arg8[%dma_start3A] : memref<640xf32, #tpu.memory_space<vmem>> -> memref<640xf32, #tpu.memory_space<vmem>>
          %dma_start3A_316 = tpu.memref_slice %arg9[%add3A_36] : memref<160000xf32, #tpu.memory_space<vmem_shared>> -> memref<640xf32, #tpu.memory_space<vmem_shared>>
          %dma_start3A_317 = arith.constant 0 : i32
          %dma_start3A_318 = tpu.memref_slice %arg8[%dma_start3A_317] : memref<640xf32, #tpu.memory_space<vmem>> -> memref<640xf32, #tpu.memory_space<vmem>>
          %dma_start3A_319 = tpu.memref_slice %arg9[%add3A_36] : memref<160000xf32, #tpu.memory_space<vmem_shared>> -> memref<640xf32, #tpu.memory_space<vmem_shared>>
          tpu.enqueue_dma source(%dma_start3A_319 : memref<640xf32, #tpu.memory_space<vmem_shared>>) target(%dma_start3A_318 : memref<640xf32, #tpu.memory_space<vmem>>) target_semaphore(%run_scoped3A : memref<!tpu.dma_semaphore, #tpu.memory_space<semaphore_mem>>)
          %dma_wait3A = arith.constant 0 : i32
          %dma_wait3A_320 = tpu.memref_slice %arg8[%dma_wait3A] : memref<640xf32, #tpu.memory_space<vmem>> -> memref<640xf32, #tpu.memory_space<vmem>>
          %dma_wait3A_321 = tpu.memref_slice %arg9[%add3A_36] : memref<160000xf32, #tpu.memory_space<vmem_shared>> -> memref<640xf32, #tpu.memory_space<vmem_shared>>
          %dma_wait3A_322 = arith.constant 0 : i32
          %dma_wait3A_323 = tpu.memref_slice %arg8[%dma_wait3A_322] : memref<640xf32, #tpu.memory_space<vmem>> -> memref<640xf32, #tpu.memory_space<vmem>>
          %dma_wait3A_324 = tpu.memref_slice %arg9[%add3A_36] : memref<160000xf32, #tpu.memory_space<vmem_shared>> -> memref<640xf32, #tpu.memory_space<vmem_shared>>
          tpu.wait_dma2 semaphore(%run_scoped3A : memref<!tpu.dma_semaphore, #tpu.memory_space<semaphore_mem>>) src(%dma_wait3A_324 : memref<640xf32, #tpu.memory_space<vmem_shared>>) dst(%dma_wait3A_323 : memref<640xf32, #tpu.memory_space<vmem>>)
          tpu.yield
        }) : () -> ()
        %get3A = arith.constant 0 : index
        %get3A_37 = tpu.vector_load %arg7[%get3A] {strides = array<i32>} : memref<640xf32, #tpu.memory_space<vmem>>, vector<16xf32>,
        %get3A_38 = arith.constant 0 : index
        %get3A_39 = tpu.vector_load %arg8[%get3A_38] {strides = array<i32>} : memref<640xf32, #tpu.memory_space<vmem>>, vector<16xf32>,
        %add3A_40 = arith.addf %get3A_37, %get3A_39 : vector<16xf32>
        %swap3A = arith.constant 0 : index
        %swap3A_41 = tpu.vector_load %arg7[%swap3A] {strides = array<i32>} : memref<640xf32, #tpu.memory_space<vmem>>, vector<16xf32>,
        tpu.vector_store %arg7[%swap3A], %add3A_40 {strides = array<i32>} : memref<640xf32, #tpu.memory_space<vmem>>, vector<16xf32>,
        %get3A_42 = arith.constant 16 : index
        %get3A_43 = tpu.vector_load %arg7[%get3A_42] {strides = array<i32>} : memref<640xf32, #tpu.memory_space<vmem>>, vector<16xf32>,
        %get3A_44 = arith.constant 16 : index
        %get3A_45 = tpu.vector_load %arg8[%get3A_44] {strides = array<i32>} : memref<640xf32, #tpu.memory_space<vmem>>, vector<16xf32>,
        %add3A_46 = arith.addf %get3A_43, %get3A_45 : vector<16xf32>
        %swap3A_47 = arith.constant 16 : index
        %swap3A_48 = tpu.vector_load %arg7[%swap3A_47] {strides = array<i32>} : memref<640xf32, #tpu.memory_space<vmem>>, vector<16xf32>,
        tpu.vector_store %arg7[%swap3A_47], %add3A_46 {strides = array<i32>} : memref<640xf32, #tpu.memory_space<vmem>>, vector<16xf32>,
        %get3A_49 = arith.constant 32 : index
        %get3A_50 = tpu.vector_load %arg7[%get3A_49] {strides = array<i32>} : memref<640xf32, #tpu.memory_space<vmem>>, vector<16xf32>,
        %get3A_51 = arith.constant 32 : index
        %get3A_52 = tpu.vector_load %arg8[%get3A_51] {strides = array<i32>} : memref<640xf32, #tpu.memory_space<vmem>>, vector<16xf32>,
        %add3A_53 = arith.addf %get3A_50, %get3A_52 : vector<16xf32>
        %swap3A_54 = arith.constant 32 : index
        %swap3A_55 = tpu.vector_load %arg7[%swap3A_54] {strides = array<i32>} : memref<640xf32, #tpu.memory_space<vmem>>, vector<16xf32>,
        tpu.vector_store %arg7[%swap3A_54], %add3A_53 {strides = array<i32>} : memref<640xf32, #tpu.memory_space<vmem>>, vector<16xf32>,
        %get3A_56 = arith.constant 48 : index
        %get3A_57 = tpu.vector_load %arg7[%get3A_56] {strides = array<i32>} : memref<640xf32, #tpu.memory_space<vmem>>, vector<16xf32>,
        %get3A_58 = arith.constant 48 : index
        %get3A_59 = tpu.vector_load %arg8[%get3A_58] {strides = array<i32>} : memref<640xf32, #tpu.memory_space<vmem>>, vector<16xf32>,
        %add3A_60 = arith.addf %get3A_57, %get3A_59 : vector<16xf32>
        %swap3A_61 = arith.constant 48 : index
        %swap3A_62 = tpu.vector_load %arg7[%swap3A_61] {strides = array<i32>} : memref<640xf32, #tpu.memory_space<vmem>>, vector<16xf32>,
        tpu.vector_store %arg7[%swap3A_61], %add3A_60 {strides = array<i32>} : memref<640xf32, #tpu.memory_space<vmem>>, vector<16xf32>,
        %get3A_63 = arith.constant 64 : index
        %get3A_64 = tpu.vector_load %arg7[%get3A_63] {strides = array<i32>} : memref<640xf32, #tpu.memory_space<vmem>>, vector<16xf32>,
        %get3A_65 = arith.constant 64 : index
        %get3A_66 = tpu.vector_load %arg8[%get3A_65] {strides = array<i32>} : memref<640xf32, #tpu.memory_space<vmem>>, vector<16xf32>,
        %add3A_67 = arith.addf %get3A_64, %get3A_66 : vector<16xf32>
        %swap3A_68 = arith.constant 64 : index
        %swap3A_69 = tpu.vector_load %arg7[%swap3A_68] {strides = array<i32>} : memref<640xf32, #tpu.memory_space<vmem>>, vector<16xf32>,
        tpu.vector_store %arg7[%swap3A_68], %add3A_67 {strides = array<i32>} : memref<640xf32, #tpu.memory_space<vmem>>, vector<16xf32>,
        %get3A_70 = arith.constant 80 : index
        %get3A_71 = tpu.vector_load %arg7[%get3A_70] {strides = array<i32>} : memref<640xf32, #tpu.memory_space<vmem>>, vector<16xf32>,
        %get3A_72 = arith.constant 80 : index
        %get3A_73 = tpu.vector_load %arg8[%get3A_72] {strides = array<i32>} : memref<640xf32, #tpu.memory_space<vmem>>, vector<16xf32>,
        %add3A_74 = arith.addf %get3A_71, %get3A_73 : vector<16xf32>
        %swap3A_75 = arith.constant 80 : index
        %swap3A_76 = tpu.vector_load %arg7[%swap3A_75] {strides = array<i32>} : memref<640xf32, #tpu.memory_space<vmem>>, vector<16xf32>,
        tpu.vector_store %arg7[%swap3A_75], %add3A_74 {strides = array<i32>} : memref<640xf32, #tpu.memory_space<vmem>>, vector<16xf32>,
        %get3A_77 = arith.constant 96 : index
        %get3A_78 = tpu.vector_load %arg7[%get3A_77] {strides = array<i32>} : memref<640xf32, #tpu.memory_space<vmem>>, vector<16xf32>,
        %get3A_79 = arith.constant 96 : index
        %get3A_80 = tpu.vector_load %arg8[%get3A_79] {strides = array<i32>} : memref<640xf32, #tpu.memory_space<vmem>>, vector<16xf32>,
        %add3A_81 = arith.addf %get3A_78, %get3A_80 : vector<16xf32>
        %swap3A_82 = arith.constant 96 : index
        %swap3A_83 = tpu.vector_load %arg7[%swap3A_82] {strides = array<i32>} : memref<640xf32, #tpu.memory_space<vmem>>, vector<16xf32>,
        tpu.vector_store %arg7[%swap3A_82], %add3A_81 {strides = array<i32>} : memref<640xf32, #tpu.memory_space<vmem>>, vector<16xf32>,
        %get3A_84 = arith.constant 112 : index
        %get3A_85 = tpu.vector_load %arg7[%get3A_84] {strides = array<i32>} : memref<640xf32, #tpu.memory_space<vmem>>, vector<16xf32>,
        %get3A_86 = arith.constant 112 : index
        %get3A_87 = tpu.vector_load %arg8[%get3A_86] {strides = array<i32>} : memref<640xf32, #tpu.memory_space<vmem>>, vector<16xf32>,
        %add3A_88 = arith.addf %get3A_85, %get3A_87 : vector<16xf32>
        %swap3A_89 = arith.constant 112 : index
        %swap3A_90 = tpu.vector_load %arg7[%swap3A_89] {strides = array<i32>} : memref<640xf32, #tpu.memory_space<vmem>>, vector<16xf32>,
        tpu.vector_store %arg7[%swap3A_89], %add3A_88 {strides = array<i32>} : memref<640xf32, #tpu.memory_space<vmem>>, vector<16xf32>,
        %get3A_91 = arith.constant 128 : index
        %get3A_92 = tpu.vector_load %arg7[%get3A_91] {strides = array<i32>} : memref<640xf32, #tpu.memory_space<vmem>>, vector<16xf32>,
        %get3A_93 = arith.constant 128 : index
        %get3A_94 = tpu.vector_load %arg8[%get3A_93] {strides = array<i32>} : memref<640xf32, #tpu.memory_space<vmem>>, vector<16xf32>,
        %add3A_95 = arith.addf %get3A_92, %get3A_94 : vector<16xf32>
        %swap3A_96 = arith.constant 128 : index
        %swap3A_97 = tpu.vector_load %arg7[%swap3A_96] {strides = array<i32>} : memref<640xf32, #tpu.memory_space<vmem>>, vector<16xf32>,
        tpu.vector_store %arg7[%swap3A_96], %add3A_95 {strides = array<i32>} : memref<640xf32, #tpu.memory_space<vmem>>, vector<16xf32>,
        %get3A_98 = arith.constant 144 : index
        %get3A_99 = tpu.vector_load %arg7[%get3A_98] {strides = array<i32>} : memref<640xf32, #tpu.memory_space<vmem>>, vector<16xf32>,
        %get3A_100 = arith.constant 144 : index
        %get3A_101 = tpu.vector_load %arg8[%get3A_100] {strides = array<i32>} : memref<640xf32, #tpu.memory_space<vmem>>, vector<16xf32>,
        %add3A_102 = arith.addf %get3A_99, %get3A_101 : vector<16xf32>
        %swap3A_103 = arith.constant 144 : index
        %swap3A_104 = tpu.vector_load %arg7[%swap3A_103] {strides = array<i32>} : memref<640xf32, #tpu.memory_space<vmem>>, vector<16xf32>,
        tpu.vector_store %arg7[%swap3A_103], %add3A_102 {strides = array<i32>} : memref<640xf32, #tpu.memory_space<vmem>>, vector<16xf32>,
        %get3A_105 = arith.constant 160 : index
        %get3A_106 = tpu.vector_load %arg7[%get3A_105] {strides = array<i32>} : memref<640xf32, #tpu.memory_space<vmem>>, vector<16xf32>,
        %get3A_107 = arith.constant 160 : index
        %get3A_108 = tpu.vector_load %arg8[%get3A_107] {strides = array<i32>} : memref<640xf32, #tpu.memory_space<vmem>>, vector<16xf32>,
        %add3A_109 = arith.addf %get3A_106, %get3A_108 : vector<16xf32>
        %swap3A_110 = arith.constant 160 : index
        %swap3A_111 = tpu.vector_load %arg7[%swap3A_110] {strides = array<i32>} : memref<640xf32, #tpu.memory_space<vmem>>, vector<16xf32>,
        tpu.vector_store %arg7[%swap3A_110], %add3A_109 {strides = array<i32>} : memref<640xf32, #tpu.memory_space<vmem>>, vector<16xf32>,
        %get3A_112 = arith.constant 176 : index
        %get3A_113 = tpu.vector_load %arg7[%get3A_112] {strides = array<i32>} : memref<640xf32, #tpu.memory_space<vmem>>, vector<16xf32>,
        %get3A_114 = arith.constant 176 : index
        %get3A_115 = tpu.vector_load %arg8[%get3A_114] {strides = array<i32>} : memref<640xf32, #tpu.memory_space<vmem>>, vector<16xf32>,
        %add3A_116 = arith.addf %get3A_113, %get3A_115 : vector<16xf32>
        %swap3A_117 = arith.constant 176 : index
        %swap3A_118 = tpu.vector_load %arg7[%swap3A_117] {strides = array<i32>} : memref<640xf32, #tpu.memory_space<vmem>>, vector<16xf32>,
        tpu.vector_store %arg7[%swap3A_117], %add3A_116 {strides = array<i32>} : memref<640xf32, #tpu.memory_space<vmem>>, vector<16xf32>,
        %get3A_119 = arith.constant 192 : index
        %get3A_120 = tpu.vector_load %arg7[%get3A_119] {strides = array<i32>} : memref<640xf32, #tpu.memory_space<vmem>>, vector<16xf32>,
        %get3A_121 = arith.constant 192 : index
        %get3A_122 = tpu.vector_load %arg8[%get3A_121] {strides = array<i32>} : memref<640xf32, #tpu.memory_space<vmem>>, vector<16xf32>,
        %add3A_123 = arith.addf %get3A_120, %get3A_122 : vector<16xf32>
        %swap3A_124 = arith.constant 192 : index
        %swap3A_125 = tpu.vector_load %arg7[%swap3A_124] {strides = array<i32>} : memref<640xf32, #tpu.memory_space<vmem>>, vector<16xf32>,
        tpu.vector_store %arg7[%swap3A_124], %add3A_123 {strides = array<i32>} : memref<640xf32, #tpu.memory_space<vmem>>, vector<16xf32>,
        %get3A_126 = arith.constant 208 : index
        %get3A_127 = tpu.vector_load %arg7[%get3A_126] {strides = array<i32>} : memref<640xf32, #tpu.memory_space<vmem>>, vector<16xf32>,
        %get3A_128 = arith.constant 208 : index
        %get3A_129 = tpu.vector_load %arg8[%get3A_128] {strides = array<i32>} : memref<640xf32, #tpu.memory_space<vmem>>, vector<16xf32>,
        %add3A_130 = arith.addf %get3A_127, %get3A_129 : vector<16xf32>
        %swap3A_131 = arith.constant 208 : index
        %swap3A_132 = tpu.vector_load %arg7[%swap3A_131] {strides = array<i32>} : memref<640xf32, #tpu.memory_space<vmem>>, vector<16xf32>,
        tpu.vector_store %arg7[%swap3A_131], %add3A_130 {strides = array<i32>} : memref<640xf32, #tpu.memory_space<vmem>>, vector<16xf32>,
        %get3A_133 = arith.constant 224 : index
        %get3A_134 = tpu.vector_load %arg7[%get3A_133] {strides = array<i32>} : memref<640xf32, #tpu.memory_space<vmem>>, vector<16xf32>,
        %get3A_135 = arith.constant 224 : index
        %get3A_136 = tpu.vector_load %arg8[%get3A_135] {strides = array<i32>} : memref<640xf32, #tpu.memory_space<vmem>>, vector<16xf32>,
        %add3A_137 = arith.addf %get3A_134, %get3A_136 : vector<16xf32>
        %swap3A_138 = arith.constant 224 : index
        %swap3A_139 = tpu.vector_load %arg7[%swap3A_138] {strides = array<i32>} : memref<640xf32, #tpu.memory_space<vmem>>, vector<16xf32>,
        tpu.vector_store %arg7[%swap3A_138], %add3A_137 {strides = array<i32>} : memref<640xf32, #tpu.memory_space<vmem>>, vector<16xf32>,
        %get3A_140 = arith.constant 240 : index
        %get3A_141 = tpu.vector_load %arg7[%get3A_140] {strides = array<i32>} : memref<640xf32, #tpu.memory_space<vmem>>, vector<16xf32>,
        %get3A_142 = arith.constant 240 : index
        %get3A_143 = tpu.vector_load %arg8[%get3A_142] {strides = array<i32>} : memref<640xf32, #tpu.memory_space<vmem>>, vector<16xf32>,
        %add3A_144 = arith.addf %get3A_141, %get3A_143 : vector<16xf32>
        %swap3A_145 = arith.constant 240 : index
        %swap3A_146 = tpu.vector_load %arg7[%swap3A_145] {strides = array<i32>} : memref<640xf32, #tpu.memory_space<vmem>>, vector<16xf32>,
        tpu.vector_store %arg7[%swap3A_145], %add3A_144 {strides = array<i32>} : memref<640xf32, #tpu.memory_space<vmem>>, vector<16xf32>,
        %get3A_147 = arith.constant 256 : index
        %get3A_148 = tpu.vector_load %arg7[%get3A_147] {strides = array<i32>} : memref<640xf32, #tpu.memory_space<vmem>>, vector<16xf32>,
        %get3A_149 = arith.constant 256 : index
        %get3A_150 = tpu.vector_load %arg8[%get3A_149] {strides = array<i32>} : memref<640xf32, #tpu.memory_space<vmem>>, vector<16xf32>,
        %add3A_151 = arith.addf %get3A_148, %get3A_150 : vector<16xf32>
        %swap3A_152 = arith.constant 256 : index
        %swap3A_153 = tpu.vector_load %arg7[%swap3A_152] {strides = array<i32>} : memref<640xf32, #tpu.memory_space<vmem>>, vector<16xf32>,
        tpu.vector_store %arg7[%swap3A_152], %add3A_151 {strides = array<i32>} : memref<640xf32, #tpu.memory_space<vmem>>, vector<16xf32>,
        %get3A_154 = arith.constant 272 : index
        %get3A_155 = tpu.vector_load %arg7[%get3A_154] {strides = array<i32>} : memref<640xf32, #tpu.memory_space<vmem>>, vector<16xf32>,
        %get3A_156 = arith.constant 272 : index
        %get3A_157 = tpu.vector_load %arg8[%get3A_156] {strides = array<i32>} : memref<640xf32, #tpu.memory_space<vmem>>, vector<16xf32>,
        %add3A_158 = arith.addf %get3A_155, %get3A_157 : vector<16xf32>
        %swap3A_159 = arith.constant 272 : index
        %swap3A_160 = tpu.vector_load %arg7[%swap3A_159] {strides = array<i32>} : memref<640xf32, #tpu.memory_space<vmem>>, vector<16xf32>,
        tpu.vector_store %arg7[%swap3A_159], %add3A_158 {strides = array<i32>} : memref<640xf32, #tpu.memory_space<vmem>>, vector<16xf32>,
        %get3A_161 = arith.constant 288 : index
        %get3A_162 = tpu.vector_load %arg7[%get3A_161] {strides = array<i32>} : memref<640xf32, #tpu.memory_space<vmem>>, vector<16xf32>,
        %get3A_163 = arith.constant 288 : index
        %get3A_164 = tpu.vector_load %arg8[%get3A_163] {strides = array<i32>} : memref<640xf32, #tpu.memory_space<vmem>>, vector<16xf32>,
        %add3A_165 = arith.addf %get3A_162, %get3A_164 : vector<16xf32>
        %swap3A_166 = arith.constant 288 : index
        %swap3A_167 = tpu.vector_load %arg7[%swap3A_166] {strides = array<i32>} : memref<640xf32, #tpu.memory_space<vmem>>, vector<16xf32>,
        tpu.vector_store %arg7[%swap3A_166], %add3A_165 {strides = array<i32>} : memref<640xf32, #tpu.memory_space<vmem>>, vector<16xf32>,
        %get3A_168 = arith.constant 304 : index
        %get3A_169 = tpu.vector_load %arg7[%get3A_168] {strides = array<i32>} : memref<640xf32, #tpu.memory_space<vmem>>, vector<16xf32>,
        %get3A_170 = arith.constant 304 : index
        %get3A_171 = tpu.vector_load %arg8[%get3A_170] {strides = array<i32>} : memref<640xf32, #tpu.memory_space<vmem>>, vector<16xf32>,
        %add3A_172 = arith.addf %get3A_169, %get3A_171 : vector<16xf32>
        %swap3A_173 = arith.constant 304 : index
        %swap3A_174 = tpu.vector_load %arg7[%swap3A_173] {strides = array<i32>} : memref<640xf32, #tpu.memory_space<vmem>>, vector<16xf32>,
        tpu.vector_store %arg7[%swap3A_173], %add3A_172 {strides = array<i32>} : memref<640xf32, #tpu.memory_space<vmem>>, vector<16xf32>,
        %get3A_175 = arith.constant 320 : index
        %get3A_176 = tpu.vector_load %arg7[%get3A_175] {strides = array<i32>} : memref<640xf32, #tpu.memory_space<vmem>>, vector<16xf32>,
        %get3A_177 = arith.constant 320 : index
        %get3A_178 = tpu.vector_load %arg8[%get3A_177] {strides = array<i32>} : memref<640xf32, #tpu.memory_space<vmem>>, vector<16xf32>,
        %add3A_179 = arith.addf %get3A_176, %get3A_178 : vector<16xf32>
        %swap3A_180 = arith.constant 320 : index
        %swap3A_181 = tpu.vector_load %arg7[%swap3A_180] {strides = array<i32>} : memref<640xf32, #tpu.memory_space<vmem>>, vector<16xf32>,
        tpu.vector_store %arg7[%swap3A_180], %add3A_179 {strides = array<i32>} : memref<640xf32, #tpu.memory_space<vmem>>, vector<16xf32>,
        %get3A_182 = arith.constant 336 : index
        %get3A_183 = tpu.vector_load %arg7[%get3A_182] {strides = array<i32>} : memref<640xf32, #tpu.memory_space<vmem>>, vector<16xf32>,
        %get3A_184 = arith.constant 336 : index
        %get3A_185 = tpu.vector_load %arg8[%get3A_184] {strides = array<i32>} : memref<640xf32, #tpu.memory_space<vmem>>, vector<16xf32>,
        %add3A_186 = arith.addf %get3A_183, %get3A_185 : vector<16xf32>
        %swap3A_187 = arith.constant 336 : index
        %swap3A_188 = tpu.vector_load %arg7[%swap3A_187] {strides = array<i32>} : memref<640xf32, #tpu.memory_space<vmem>>, vector<16xf32>,
        tpu.vector_store %arg7[%swap3A_187], %add3A_186 {strides = array<i32>} : memref<640xf32, #tpu.memory_space<vmem>>, vector<16xf32>,
        %get3A_189 = arith.constant 352 : index
        %get3A_190 = tpu.vector_load %arg7[%get3A_189] {strides = array<i32>} : memref<640xf32, #tpu.memory_space<vmem>>, vector<16xf32>,
        %get3A_191 = arith.constant 352 : index
        %get3A_192 = tpu.vector_load %arg8[%get3A_191] {strides = array<i32>} : memref<640xf32, #tpu.memory_space<vmem>>, vector<16xf32>,
        %add3A_193 = arith.addf %get3A_190, %get3A_192 : vector<16xf32>
        %swap3A_194 = arith.constant 352 : index
        %swap3A_195 = tpu.vector_load %arg7[%swap3A_194] {strides = array<i32>} : memref<640xf32, #tpu.memory_space<vmem>>, vector<16xf32>,
        tpu.vector_store %arg7[%swap3A_194], %add3A_193 {strides = array<i32>} : memref<640xf32, #tpu.memory_space<vmem>>, vector<16xf32>,
        %get3A_196 = arith.constant 368 : index
        %get3A_197 = tpu.vector_load %arg7[%get3A_196] {strides = array<i32>} : memref<640xf32, #tpu.memory_space<vmem>>, vector<16xf32>,
        %get3A_198 = arith.constant 368 : index
        %get3A_199 = tpu.vector_load %arg8[%get3A_198] {strides = array<i32>} : memref<640xf32, #tpu.memory_space<vmem>>, vector<16xf32>,
        %add3A_200 = arith.addf %get3A_197, %get3A_199 : vector<16xf32>
        %swap3A_201 = arith.constant 368 : index
        %swap3A_202 = tpu.vector_load %arg7[%swap3A_201] {strides = array<i32>} : memref<640xf32, #tpu.memory_space<vmem>>, vector<16xf32>,
        tpu.vector_store %arg7[%swap3A_201], %add3A_200 {strides = array<i32>} : memref<640xf32, #tpu.memory_space<vmem>>, vector<16xf32>,
        %get3A_203 = arith.constant 384 : index
        %get3A_204 = tpu.vector_load %arg7[%get3A_203] {strides = array<i32>} : memref<640xf32, #tpu.memory_space<vmem>>, vector<16xf32>,
        %get3A_205 = arith.constant 384 : index
        %get3A_206 = tpu.vector_load %arg8[%get3A_205] {strides = array<i32>} : memref<640xf32, #tpu.memory_space<vmem>>, vector<16xf32>,
        %add3A_207 = arith.addf %get3A_204, %get3A_206 : vector<16xf32>
        %swap3A_208 = arith.constant 384 : index
        %swap3A_209 = tpu.vector_load %arg7[%swap3A_208] {strides = array<i32>} : memref<640xf32, #tpu.memory_space<vmem>>, vector<16xf32>,
        tpu.vector_store %arg7[%swap3A_208], %add3A_207 {strides = array<i32>} : memref<640xf32, #tpu.memory_space<vmem>>, vector<16xf32>,
        %get3A_210 = arith.constant 400 : index
        %get3A_211 = tpu.vector_load %arg7[%get3A_210] {strides = array<i32>} : memref<640xf32, #tpu.memory_space<vmem>>, vector<16xf32>,
        %get3A_212 = arith.constant 400 : index
        %get3A_213 = tpu.vector_load %arg8[%get3A_212] {strides = array<i32>} : memref<640xf32, #tpu.memory_space<vmem>>, vector<16xf32>,
        %add3A_214 = arith.addf %get3A_211, %get3A_213 : vector<16xf32>
        %swap3A_215 = arith.constant 400 : index
        %swap3A_216 = tpu.vector_load %arg7[%swap3A_215] {strides = array<i32>} : memref<640xf32, #tpu.memory_space<vmem>>, vector<16xf32>,
        tpu.vector_store %arg7[%swap3A_215], %add3A_214 {strides = array<i32>} : memref<640xf32, #tpu.memory_space<vmem>>, vector<16xf32>,
        %get3A_217 = arith.constant 416 : index
        %get3A_218 = tpu.vector_load %arg7[%get3A_217] {strides = array<i32>} : memref<640xf32, #tpu.memory_space<vmem>>, vector<16xf32>,
        %get3A_219 = arith.constant 416 : index
        %get3A_220 = tpu.vector_load %arg8[%get3A_219] {strides = array<i32>} : memref<640xf32, #tpu.memory_space<vmem>>, vector<16xf32>,
        %add3A_221 = arith.addf %get3A_218, %get3A_220 : vector<16xf32>
        %swap3A_222 = arith.constant 416 : index
        %swap3A_223 = tpu.vector_load %arg7[%swap3A_222] {strides = array<i32>} : memref<640xf32, #tpu.memory_space<vmem>>, vector<16xf32>,
        tpu.vector_store %arg7[%swap3A_222], %add3A_221 {strides = array<i32>} : memref<640xf32, #tpu.memory_space<vmem>>, vector<16xf32>,
        %get3A_224 = arith.constant 432 : index
        %get3A_225 = tpu.vector_load %arg7[%get3A_224] {strides = array<i32>} : memref<640xf32, #tpu.memory_space<vmem>>, vector<16xf32>,
        %get3A_226 = arith.constant 432 : index
        %get3A_227 = tpu.vector_load %arg8[%get3A_226] {strides = array<i32>} : memref<640xf32, #tpu.memory_space<vmem>>, vector<16xf32>,
        %add3A_228 = arith.addf %get3A_225, %get3A_227 : vector<16xf32>
        %swap3A_229 = arith.constant 432 : index
        %swap3A_230 = tpu.vector_load %arg7[%swap3A_229] {strides = array<i32>} : memref<640xf32, #tpu.memory_space<vmem>>, vector<16xf32>,
        tpu.vector_store %arg7[%swap3A_229], %add3A_228 {strides = array<i32>} : memref<640xf32, #tpu.memory_space<vmem>>, vector<16xf32>,
        %get3A_231 = arith.constant 448 : index
        %get3A_232 = tpu.vector_load %arg7[%get3A_231] {strides = array<i32>} : memref<640xf32, #tpu.memory_space<vmem>>, vector<16xf32>,
        %get3A_233 = arith.constant 448 : index
        %get3A_234 = tpu.vector_load %arg8[%get3A_233] {strides = array<i32>} : memref<640xf32, #tpu.memory_space<vmem>>, vector<16xf32>,
        %add3A_235 = arith.addf %get3A_232, %get3A_234 : vector<16xf32>
        %swap3A_236 = arith.constant 448 : index
        %swap3A_237 = tpu.vector_load %arg7[%swap3A_236] {strides = array<i32>} : memref<640xf32, #tpu.memory_space<vmem>>, vector<16xf32>,
        tpu.vector_store %arg7[%swap3A_236], %add3A_235 {strides = array<i32>} : memref<640xf32, #tpu.memory_space<vmem>>, vector<16xf32>,
        %get3A_238 = arith.constant 464 : index
        %get3A_239 = tpu.vector_load %arg7[%get3A_238] {strides = array<i32>} : memref<640xf32, #tpu.memory_space<vmem>>, vector<16xf32>,
        %get3A_240 = arith.constant 464 : index
        %get3A_241 = tpu.vector_load %arg8[%get3A_240] {strides = array<i32>} : memref<640xf32, #tpu.memory_space<vmem>>, vector<16xf32>,
        %add3A_242 = arith.addf %get3A_239, %get3A_241 : vector<16xf32>
        %swap3A_243 = arith.constant 464 : index
        %swap3A_244 = tpu.vector_load %arg7[%swap3A_243] {strides = array<i32>} : memref<640xf32, #tpu.memory_space<vmem>>, vector<16xf32>,
        tpu.vector_store %arg7[%swap3A_243], %add3A_242 {strides = array<i32>} : memref<640xf32, #tpu.memory_space<vmem>>, vector<16xf32>,
        %get3A_245 = arith.constant 480 : index
        %get3A_246 = tpu.vector_load %arg7[%get3A_245] {strides = array<i32>} : memref<640xf32, #tpu.memory_space<vmem>>, vector<16xf32>,
        %get3A_247 = arith.constant 480 : index
        %get3A_248 = tpu.vector_load %arg8[%get3A_247] {strides = array<i32>} : memref<640xf32, #tpu.memory_space<vmem>>, vector<16xf32>,
        %add3A_249 = arith.addf %get3A_246, %get3A_248 : vector<16xf32>
        %swap3A_250 = arith.constant 480 : index
        %swap3A_251 = tpu.vector_load %arg7[%swap3A_250] {strides = array<i32>} : memref<640xf32, #tpu.memory_space<vmem>>, vector<16xf32>,
        tpu.vector_store %arg7[%swap3A_250], %add3A_249 {strides = array<i32>} : memref<640xf32, #tpu.memory_space<vmem>>, vector<16xf32>,
        %get3A_252 = arith.constant 496 : index
        %get3A_253 = tpu.vector_load %arg7[%get3A_252] {strides = array<i32>} : memref<640xf32, #tpu.memory_space<vmem>>, vector<16xf32>,
        %get3A_254 = arith.constant 496 : index
        %get3A_255 = tpu.vector_load %arg8[%get3A_254] {strides = array<i32>} : memref<640xf32, #tpu.memory_space<vmem>>, vector<16xf32>,
        %add3A_256 = arith.addf %get3A_253, %get3A_255 : vector<16xf32>
        %swap3A_257 = arith.constant 496 : index
        %swap3A_258 = tpu.vector_load %arg7[%swap3A_257] {strides = array<i32>} : memref<640xf32, #tpu.memory_space<vmem>>, vector<16xf32>,
        tpu.vector_store %arg7[%swap3A_257], %add3A_256 {strides = array<i32>} : memref<640xf32, #tpu.memory_space<vmem>>, vector<16xf32>,
        %get3A_259 = arith.constant 512 : index
        %get3A_260 = tpu.vector_load %arg7[%get3A_259] {strides = array<i32>} : memref<640xf32, #tpu.memory_space<vmem>>, vector<16xf32>,
        %get3A_261 = arith.constant 512 : index
        %get3A_262 = tpu.vector_load %arg8[%get3A_261] {strides = array<i32>} : memref<640xf32, #tpu.memory_space<vmem>>, vector<16xf32>,
        %add3A_263 = arith.addf %get3A_260, %get3A_262 : vector<16xf32>
        %swap3A_264 = arith.constant 512 : index
        %swap3A_265 = tpu.vector_load %arg7[%swap3A_264] {strides = array<i32>} : memref<640xf32, #tpu.memory_space<vmem>>, vector<16xf32>,
        tpu.vector_store %arg7[%swap3A_264], %add3A_263 {strides = array<i32>} : memref<640xf32, #tpu.memory_space<vmem>>, vector<16xf32>,
        %get3A_266 = arith.constant 528 : index
        %get3A_267 = tpu.vector_load %arg7[%get3A_266] {strides = array<i32>} : memref<640xf32, #tpu.memory_space<vmem>>, vector<16xf32>,
        %get3A_268 = arith.constant 528 : index
        %get3A_269 = tpu.vector_load %arg8[%get3A_268] {strides = array<i32>} : memref<640xf32, #tpu.memory_space<vmem>>, vector<16xf32>,
        %add3A_270 = arith.addf %get3A_267, %get3A_269 : vector<16xf32>
        %swap3A_271 = arith.constant 528 : index
        %swap3A_272 = tpu.vector_load %arg7[%swap3A_271] {strides = array<i32>} : memref<640xf32, #tpu.memory_space<vmem>>, vector<16xf32>,
        tpu.vector_store %arg7[%swap3A_271], %add3A_270 {strides = array<i32>} : memref<640xf32, #tpu.memory_space<vmem>>, vector<16xf32>,
        %get3A_273 = arith.constant 544 : index
        %get3A_274 = tpu.vector_load %arg7[%get3A_273] {strides = array<i32>} : memref<640xf32, #tpu.memory_space<vmem>>, vector<16xf32>,
        %get3A_275 = arith.constant 544 : index
        %get3A_276 = tpu.vector_load %arg8[%get3A_275] {strides = array<i32>} : memref<640xf32, #tpu.memory_space<vmem>>, vector<16xf32>,
        %add3A_277 = arith.addf %get3A_274, %get3A_276 : vector<16xf32>
        %swap3A_278 = arith.constant 544 : index
        %swap3A_279 = tpu.vector_load %arg7[%swap3A_278] {strides = array<i32>} : memref<640xf32, #tpu.memory_space<vmem>>, vector<16xf32>,
        tpu.vector_store %arg7[%swap3A_278], %add3A_277 {strides = array<i32>} : memref<640xf32, #tpu.memory_space<vmem>>, vector<16xf32>,
        %get3A_280 = arith.constant 560 : index
        %get3A_281 = tpu.vector_load %arg7[%get3A_280] {strides = array<i32>} : memref<640xf32, #tpu.memory_space<vmem>>, vector<16xf32>,
        %get3A_282 = arith.constant 560 : index
        %get3A_283 = tpu.vector_load %arg8[%get3A_282] {strides = array<i32>} : memref<640xf32, #tpu.memory_space<vmem>>, vector<16xf32>,
        %add3A_284 = arith.addf %get3A_281, %get3A_283 : vector<16xf32>
        %swap3A_285 = arith.constant 560 : index
        %swap3A_286 = tpu.vector_load %arg7[%swap3A_285] {strides = array<i32>} : memref<640xf32, #tpu.memory_space<vmem>>, vector<16xf32>,
        tpu.vector_store %arg7[%swap3A_285], %add3A_284 {strides = array<i32>} : memref<640xf32, #tpu.memory_space<vmem>>, vector<16xf32>,
        %get3A_287 = arith.constant 576 : index
        %get3A_288 = tpu.vector_load %arg7[%get3A_287] {strides = array<i32>} : memref<640xf32, #tpu.memory_space<vmem>>, vector<16xf32>,
        %get3A_289 = arith.constant 576 : index
        %get3A_290 = tpu.vector_load %arg8[%get3A_289] {strides = array<i32>} : memref<640xf32, #tpu.memory_space<vmem>>, vector<16xf32>,
        %add3A_291 = arith.addf %get3A_288, %get3A_290 : vector<16xf32>
        %swap3A_292 = arith.constant 576 : index
        %swap3A_293 = tpu.vector_load %arg7[%swap3A_292] {strides = array<i32>} : memref<640xf32, #tpu.memory_space<vmem>>, vector<16xf32>,
        tpu.vector_store %arg7[%swap3A_292], %add3A_291 {strides = array<i32>} : memref<640xf32, #tpu.memory_space<vmem>>, vector<16xf32>,
        %get3A_294 = arith.constant 592 : index
        %get3A_295 = tpu.vector_load %arg7[%get3A_294] {strides = array<i32>} : memref<640xf32, #tpu.memory_space<vmem>>, vector<16xf32>,
        %get3A_296 = arith.constant 592 : index
        %get3A_297 = tpu.vector_load %arg8[%get3A_296] {strides = array<i32>} : memref<640xf32, #tpu.memory_space<vmem>>, vector<16xf32>,
        %add3A_298 = arith.addf %get3A_295, %get3A_297 : vector<16xf32>
        %swap3A_299 = arith.constant 592 : index
        %swap3A_300 = tpu.vector_load %arg7[%swap3A_299] {strides = array<i32>} : memref<640xf32, #tpu.memory_space<vmem>>, vector<16xf32>,
        tpu.vector_store %arg7[%swap3A_299], %add3A_298 {strides = array<i32>} : memref<640xf32, #tpu.memory_space<vmem>>, vector<16xf32>,
        %get3A_301 = arith.constant 608 : index
        %get3A_302 = tpu.vector_load %arg7[%get3A_301] {strides = array<i32>} : memref<640xf32, #tpu.memory_space<vmem>>, vector<16xf32>,
        %get3A_303 = arith.constant 608 : index
        %get3A_304 = tpu.vector_load %arg8[%get3A_303] {strides = array<i32>} : memref<640xf32, #tpu.memory_space<vmem>>, vector<16xf32>,
        %add3A_305 = arith.addf %get3A_302, %get3A_304 : vector<16xf32>
        %swap3A_306 = arith.constant 608 : index
        %swap3A_307 = tpu.vector_load %arg7[%swap3A_306] {strides = array<i32>} : memref<640xf32, #tpu.memory_space<vmem>>, vector<16xf32>,
        tpu.vector_store %arg7[%swap3A_306], %add3A_305 {strides = array<i32>} : memref<640xf32, #tpu.memory_space<vmem>>, vector<16xf32>,
        %get3A_308 = arith.constant 624 : index
        %get3A_309 = tpu.vector_load %arg7[%get3A_308] {strides = array<i32>} : memref<640xf32, #tpu.memory_space<vmem>>, vector<16xf32>,
        %get3A_310 = arith.constant 624 : index
        %get3A_311 = tpu.vector_load %arg8[%get3A_310] {strides = array<i32>} : memref<640xf32, #tpu.memory_space<vmem>>, vector<16xf32>,
        %add3A_312 = arith.addf %get3A_309, %get3A_311 : vector<16xf32>
        %swap3A_313 = arith.constant 624 : index
        %swap3A_314 = tpu.vector_load %arg7[%swap3A_313] {strides = array<i32>} : memref<640xf32, #tpu.memory_space<vmem>>, vector<16xf32>,
        tpu.vector_store %arg7[%swap3A_313], %add3A_312 {strides = array<i32>} : memref<640xf32, #tpu.memory_space<vmem>>, vector<16xf32>,
      }
      %scan3A_29 = arith.constant 15 : i32
      %mul3A_30 = arith.constant 10000 : i32
      %mul3A_31 = arith.muli %arg0, %mul3A_30 : i32
      %add3A_32 = arith.addi %mul3A_31, %mul3A_14 : i32
      "tpu.region"() ({
        %run_scoped3A = tpu.sem_alloc : memref<!tpu.dma_semaphore, #tpu.memory_space<semaphore_mem>>
        %dma_start3A = arith.constant 0 : i32
        %dma_start3A_33 = tpu.memref_slice %arg7[%dma_start3A] : memref<640xf32, #tpu.memory_space<vmem>> -> memref<640xf32, #tpu.memory_space<vmem>>
        %dma_start3A_34 = tpu.memref_slice %arg4[%add3A_32] : memref<20000xf32, #tpu.memory_space<hbm>> -> memref<640xf32, #tpu.memory_space<hbm>>
        %dma_start3A_35 = tpu.memref_slice %arg4[%add3A_32] : memref<20000xf32, #tpu.memory_space<hbm>> -> memref<640xf32, #tpu.memory_space<hbm>>
        %dma_start3A_36 = arith.constant 0 : i32
        %dma_start3A_37 = tpu.memref_slice %arg7[%dma_start3A_36] : memref<640xf32, #tpu.memory_space<vmem>> -> memref<640xf32, #tpu.memory_space<vmem>>
        tpu.enqueue_dma source(%dma_start3A_37 : memref<640xf32, #tpu.memory_space<vmem>>) target(%dma_start3A_35 : memref<640xf32, #tpu.memory_space<hbm>>) target_semaphore(%run_scoped3A : memref<!tpu.dma_semaphore, #tpu.memory_space<semaphore_mem>>)
        %dma_wait3A = arith.constant 0 : i32
        %dma_wait3A_38 = tpu.memref_slice %arg7[%dma_wait3A] : memref<640xf32, #tpu.memory_space<vmem>> -> memref<640xf32, #tpu.memory_space<vmem>>
        %dma_wait3A_39 = tpu.memref_slice %arg4[%add3A_32] : memref<20000xf32, #tpu.memory_space<hbm>> -> memref<640xf32, #tpu.memory_space<hbm>>
        %dma_wait3A_40 = tpu.memref_slice %arg4[%add3A_32] : memref<20000xf32, #tpu.memory_space<hbm>> -> memref<640xf32, #tpu.memory_space<hbm>>
        %dma_wait3A_41 = arith.constant 0 : i32
        %dma_wait3A_42 = tpu.memref_slice %arg7[%dma_wait3A_41] : memref<640xf32, #tpu.memory_space<vmem>> -> memref<640xf32, #tpu.memory_space<vmem>>
        tpu.wait_dma2 semaphore(%run_scoped3A : memref<!tpu.dma_semaphore, #tpu.memory_space<semaphore_mem>>) src(%dma_wait3A_42 : memref<640xf32, #tpu.memory_space<vmem>>) dst(%dma_wait3A_40 : memref<640xf32, #tpu.memory_space<hbm>>)
        tpu.yield
      }) : () -> ()
    } else {
    }
    %eq3A_19 = arith.constant 15 : i32
    %eq3A_20 = arith.cmpi eq, %arg1, %eq3A_19 : i32
    %convert_element_type3A_21 = arith.extui %eq3A_20 : i1 to i32
    %cond3A_22 = arith.constant 0 : i32
    %cond3A_23 = arith.cmpi ne, %convert_element_type3A_21, %cond3A_22 : i32
    scf.if %cond3A_23 {
      "tpu.region"() ({
        %run_scoped3A = tpu.sem_alloc : memref<!tpu.dma_semaphore, #tpu.memory_space<semaphore_mem>>
        %dma_start3A = arith.constant 0 : i32
        %dma_start3A_33 = tpu.memref_slice %arg7[%dma_start3A] : memref<640xf32, #tpu.memory_space<vmem>> -> memref<400xf32, #tpu.memory_space<vmem>>
        %dma_start3A_34 = tpu.memref_slice %arg9[%mul3A_14] : memref<160000xf32, #tpu.memory_space<vmem_shared>> -> memref<400xf32, #tpu.memory_space<vmem_shared>>
        %dma_start3A_35 = arith.constant 0 : i32
        %dma_start3A_36 = tpu.memref_slice %arg7[%dma_start3A_35] : memref<640xf32, #tpu.memory_space<vmem>> -> memref<400xf32, #tpu.memory_space<vmem>>
        %dma_start3A_37 = tpu.memref_slice %arg9[%mul3A_14] : memref<160000xf32, #tpu.memory_space<vmem_shared>> -> memref<400xf32, #tpu.memory_space<vmem_shared>>
        tpu.enqueue_dma source(%dma_start3A_37 : memref<400xf32, #tpu.memory_space<vmem_shared>>) target(%dma_start3A_36 : memref<400xf32, #tpu.memory_space<vmem>>) target_semaphore(%run_scoped3A : memref<!tpu.dma_semaphore, #tpu.memory_space<semaphore_mem>>)
        %dma_wait3A = arith.constant 0 : i32
        %dma_wait3A_38 = tpu.memref_slice %arg7[%dma_wait3A] : memref<640xf32, #tpu.memory_space<vmem>> -> memref<400xf32, #tpu.memory_space<vmem>>
        %dma_wait3A_39 = tpu.memref_slice %arg9[%mul3A_14] : memref<160000xf32, #tpu.memory_space<vmem_shared>> -> memref<400xf32, #tpu.memory_space<vmem_shared>>
        %dma_wait3A_40 = arith.constant 0 : i32
        %dma_wait3A_41 = tpu.memref_slice %arg7[%dma_wait3A_40] : memref<640xf32, #tpu.memory_space<vmem>> -> memref<400xf32, #tpu.memory_space<vmem>>
        %dma_wait3A_42 = tpu.memref_slice %arg9[%mul3A_14] : memref<160000xf32, #tpu.memory_space<vmem_shared>> -> memref<400xf32, #tpu.memory_space<vmem_shared>>
        tpu.wait_dma2 semaphore(%run_scoped3A : memref<!tpu.dma_semaphore, #tpu.memory_space<semaphore_mem>>) src(%dma_wait3A_42 : memref<400xf32, #tpu.memory_space<vmem_shared>>) dst(%dma_wait3A_41 : memref<400xf32, #tpu.memory_space<vmem>>)
        tpu.yield
      }) : () -> ()
      %scan3A_24 = arith.constant 0 : i32
      %scan3A_25 = arith.constant 1 : i32
      %scan3A_26 = arith.constant 15 : i32
      %scan3A_27 = arith.addi %scan3A_25, %scan3A_26 : i32
      %scan3A_28 = arith.constant 1 : i32
      scf.for %scan3A_33 = %scan3A_25 to %scan3A_27 step %scan3A_28  : i32 {
        %mul3A_34 = arith.constant 10000 : i32
        %mul3A_35 = arith.muli %scan3A_33, %mul3A_34 : i32
        %add3A_36 = arith.addi %mul3A_35, %mul3A_14 : i32
        "tpu.region"() ({
          %run_scoped3A = tpu.sem_alloc : memref<!tpu.dma_semaphore, #tpu.memory_space<semaphore_mem>>
          %dma_start3A = arith.constant 0 : i32
          %dma_start3A_210 = tpu.memref_slice %arg8[%dma_start3A] : memref<640xf32, #tpu.memory_space<vmem>> -> memref<400xf32, #tpu.memory_space<vmem>>
          %dma_start3A_211 = tpu.memref_slice %arg9[%add3A_36] : memref<160000xf32, #tpu.memory_space<vmem_shared>> -> memref<400xf32, #tpu.memory_space<vmem_shared>>
          %dma_start3A_212 = arith.constant 0 : i32
          %dma_start3A_213 = tpu.memref_slice %arg8[%dma_start3A_212] : memref<640xf32, #tpu.memory_space<vmem>> -> memref<400xf32, #tpu.memory_space<vmem>>
          %dma_start3A_214 = tpu.memref_slice %arg9[%add3A_36] : memref<160000xf32, #tpu.memory_space<vmem_shared>> -> memref<400xf32, #tpu.memory_space<vmem_shared>>
          tpu.enqueue_dma source(%dma_start3A_214 : memref<400xf32, #tpu.memory_space<vmem_shared>>) target(%dma_start3A_213 : memref<400xf32, #tpu.memory_space<vmem>>) target_semaphore(%run_scoped3A : memref<!tpu.dma_semaphore, #tpu.memory_space<semaphore_mem>>)
          %dma_wait3A = arith.constant 0 : i32
          %dma_wait3A_215 = tpu.memref_slice %arg8[%dma_wait3A] : memref<640xf32, #tpu.memory_space<vmem>> -> memref<400xf32, #tpu.memory_space<vmem>>
          %dma_wait3A_216 = tpu.memref_slice %arg9[%add3A_36] : memref<160000xf32, #tpu.memory_space<vmem_shared>> -> memref<400xf32, #tpu.memory_space<vmem_shared>>
          %dma_wait3A_217 = arith.constant 0 : i32
          %dma_wait3A_218 = tpu.memref_slice %arg8[%dma_wait3A_217] : memref<640xf32, #tpu.memory_space<vmem>> -> memref<400xf32, #tpu.memory_space<vmem>>
          %dma_wait3A_219 = tpu.memref_slice %arg9[%add3A_36] : memref<160000xf32, #tpu.memory_space<vmem_shared>> -> memref<400xf32, #tpu.memory_space<vmem_shared>>
          tpu.wait_dma2 semaphore(%run_scoped3A : memref<!tpu.dma_semaphore, #tpu.memory_space<semaphore_mem>>) src(%dma_wait3A_219 : memref<400xf32, #tpu.memory_space<vmem_shared>>) dst(%dma_wait3A_218 : memref<400xf32, #tpu.memory_space<vmem>>)
          tpu.yield
        }) : () -> ()
        %get3A = arith.constant 0 : index
        %get3A_37 = tpu.vector_load %arg7[%get3A] {strides = array<i32>} : memref<640xf32, #tpu.memory_space<vmem>>, vector<16xf32>,
        %get3A_38 = arith.constant 0 : index
        %get3A_39 = tpu.vector_load %arg8[%get3A_38] {strides = array<i32>} : memref<640xf32, #tpu.memory_space<vmem>>, vector<16xf32>,
        %add3A_40 = arith.addf %get3A_37, %get3A_39 : vector<16xf32>
        %swap3A = arith.constant 0 : index
        %swap3A_41 = tpu.vector_load %arg7[%swap3A] {strides = array<i32>} : memref<640xf32, #tpu.memory_space<vmem>>, vector<16xf32>,
        tpu.vector_store %arg7[%swap3A], %add3A_40 {strides = array<i32>} : memref<640xf32, #tpu.memory_space<vmem>>, vector<16xf32>,
        %get3A_42 = arith.constant 16 : index
        %get3A_43 = tpu.vector_load %arg7[%get3A_42] {strides = array<i32>} : memref<640xf32, #tpu.memory_space<vmem>>, vector<16xf32>,
        %get3A_44 = arith.constant 16 : index
        %get3A_45 = tpu.vector_load %arg8[%get3A_44] {strides = array<i32>} : memref<640xf32, #tpu.memory_space<vmem>>, vector<16xf32>,
        %add3A_46 = arith.addf %get3A_43, %get3A_45 : vector<16xf32>
        %swap3A_47 = arith.constant 16 : index
        %swap3A_48 = tpu.vector_load %arg7[%swap3A_47] {strides = array<i32>} : memref<640xf32, #tpu.memory_space<vmem>>, vector<16xf32>,
        tpu.vector_store %arg7[%swap3A_47], %add3A_46 {strides = array<i32>} : memref<640xf32, #tpu.memory_space<vmem>>, vector<16xf32>,
        %get3A_49 = arith.constant 32 : index
        %get3A_50 = tpu.vector_load %arg7[%get3A_49] {strides = array<i32>} : memref<640xf32, #tpu.memory_space<vmem>>, vector<16xf32>,
        %get3A_51 = arith.constant 32 : index
        %get3A_52 = tpu.vector_load %arg8[%get3A_51] {strides = array<i32>} : memref<640xf32, #tpu.memory_space<vmem>>, vector<16xf32>,
        %add3A_53 = arith.addf %get3A_50, %get3A_52 : vector<16xf32>
        %swap3A_54 = arith.constant 32 : index
        %swap3A_55 = tpu.vector_load %arg7[%swap3A_54] {strides = array<i32>} : memref<640xf32, #tpu.memory_space<vmem>>, vector<16xf32>,
        tpu.vector_store %arg7[%swap3A_54], %add3A_53 {strides = array<i32>} : memref<640xf32, #tpu.memory_space<vmem>>, vector<16xf32>,
        %get3A_56 = arith.constant 48 : index
        %get3A_57 = tpu.vector_load %arg7[%get3A_56] {strides = array<i32>} : memref<640xf32, #tpu.memory_space<vmem>>, vector<16xf32>,
        %get3A_58 = arith.constant 48 : index
        %get3A_59 = tpu.vector_load %arg8[%get3A_58] {strides = array<i32>} : memref<640xf32, #tpu.memory_space<vmem>>, vector<16xf32>,
        %add3A_60 = arith.addf %get3A_57, %get3A_59 : vector<16xf32>
        %swap3A_61 = arith.constant 48 : index
        %swap3A_62 = tpu.vector_load %arg7[%swap3A_61] {strides = array<i32>} : memref<640xf32, #tpu.memory_space<vmem>>, vector<16xf32>,
        tpu.vector_store %arg7[%swap3A_61], %add3A_60 {strides = array<i32>} : memref<640xf32, #tpu.memory_space<vmem>>, vector<16xf32>,
        %get3A_63 = arith.constant 64 : index
        %get3A_64 = tpu.vector_load %arg7[%get3A_63] {strides = array<i32>} : memref<640xf32, #tpu.memory_space<vmem>>, vector<16xf32>,
        %get3A_65 = arith.constant 64 : index
        %get3A_66 = tpu.vector_load %arg8[%get3A_65] {strides = array<i32>} : memref<640xf32, #tpu.memory_space<vmem>>, vector<16xf32>,
        %add3A_67 = arith.addf %get3A_64, %get3A_66 : vector<16xf32>
        %swap3A_68 = arith.constant 64 : index
        %swap3A_69 = tpu.vector_load %arg7[%swap3A_68] {strides = array<i32>} : memref<640xf32, #tpu.memory_space<vmem>>, vector<16xf32>,
        tpu.vector_store %arg7[%swap3A_68], %add3A_67 {strides = array<i32>} : memref<640xf32, #tpu.memory_space<vmem>>, vector<16xf32>,
        %get3A_70 = arith.constant 80 : index
        %get3A_71 = tpu.vector_load %arg7[%get3A_70] {strides = array<i32>} : memref<640xf32, #tpu.memory_space<vmem>>, vector<16xf32>,
        %get3A_72 = arith.constant 80 : index
        %get3A_73 = tpu.vector_load %arg8[%get3A_72] {strides = array<i32>} : memref<640xf32, #tpu.memory_space<vmem>>, vector<16xf32>,
        %add3A_74 = arith.addf %get3A_71, %get3A_73 : vector<16xf32>
        %swap3A_75 = arith.constant 80 : index
        %swap3A_76 = tpu.vector_load %arg7[%swap3A_75] {strides = array<i32>} : memref<640xf32, #tpu.memory_space<vmem>>, vector<16xf32>,
        tpu.vector_store %arg7[%swap3A_75], %add3A_74 {strides = array<i32>} : memref<640xf32, #tpu.memory_space<vmem>>, vector<16xf32>,
        %get3A_77 = arith.constant 96 : index
        %get3A_78 = tpu.vector_load %arg7[%get3A_77] {strides = array<i32>} : memref<640xf32, #tpu.memory_space<vmem>>, vector<16xf32>,
        %get3A_79 = arith.constant 96 : index
        %get3A_80 = tpu.vector_load %arg8[%get3A_79] {strides = array<i32>} : memref<640xf32, #tpu.memory_space<vmem>>, vector<16xf32>,
        %add3A_81 = arith.addf %get3A_78, %get3A_80 : vector<16xf32>
        %swap3A_82 = arith.constant 96 : index
        %swap3A_83 = tpu.vector_load %arg7[%swap3A_82] {strides = array<i32>} : memref<640xf32, #tpu.memory_space<vmem>>, vector<16xf32>,
        tpu.vector_store %arg7[%swap3A_82], %add3A_81 {strides = array<i32>} : memref<640xf32, #tpu.memory_space<vmem>>, vector<16xf32>,
        %get3A_84 = arith.constant 112 : index
        %get3A_85 = tpu.vector_load %arg7[%get3A_84] {strides = array<i32>} : memref<640xf32, #tpu.memory_space<vmem>>, vector<16xf32>,
        %get3A_86 = arith.constant 112 : index
        %get3A_87 = tpu.vector_load %arg8[%get3A_86] {strides = array<i32>} : memref<640xf32, #tpu.memory_space<vmem>>, vector<16xf32>,
        %add3A_88 = arith.addf %get3A_85, %get3A_87 : vector<16xf32>
        %swap3A_89 = arith.constant 112 : index
        %swap3A_90 = tpu.vector_load %arg7[%swap3A_89] {strides = array<i32>} : memref<640xf32, #tpu.memory_space<vmem>>, vector<16xf32>,
        tpu.vector_store %arg7[%swap3A_89], %add3A_88 {strides = array<i32>} : memref<640xf32, #tpu.memory_space<vmem>>, vector<16xf32>,
        %get3A_91 = arith.constant 128 : index
        %get3A_92 = tpu.vector_load %arg7[%get3A_91] {strides = array<i32>} : memref<640xf32, #tpu.memory_space<vmem>>, vector<16xf32>,
        %get3A_93 = arith.constant 128 : index
        %get3A_94 = tpu.vector_load %arg8[%get3A_93] {strides = array<i32>} : memref<640xf32, #tpu.memory_space<vmem>>, vector<16xf32>,
        %add3A_95 = arith.addf %get3A_92, %get3A_94 : vector<16xf32>
        %swap3A_96 = arith.constant 128 : index
        %swap3A_97 = tpu.vector_load %arg7[%swap3A_96] {strides = array<i32>} : memref<640xf32, #tpu.memory_space<vmem>>, vector<16xf32>,
        tpu.vector_store %arg7[%swap3A_96], %add3A_95 {strides = array<i32>} : memref<640xf32, #tpu.memory_space<vmem>>, vector<16xf32>,
        %get3A_98 = arith.constant 144 : index
        %get3A_99 = tpu.vector_load %arg7[%get3A_98] {strides = array<i32>} : memref<640xf32, #tpu.memory_space<vmem>>, vector<16xf32>,
        %get3A_100 = arith.constant 144 : index
        %get3A_101 = tpu.vector_load %arg8[%get3A_100] {strides = array<i32>} : memref<640xf32, #tpu.memory_space<vmem>>, vector<16xf32>,
        %add3A_102 = arith.addf %get3A_99, %get3A_101 : vector<16xf32>
        %swap3A_103 = arith.constant 144 : index
        %swap3A_104 = tpu.vector_load %arg7[%swap3A_103] {strides = array<i32>} : memref<640xf32, #tpu.memory_space<vmem>>, vector<16xf32>,
        tpu.vector_store %arg7[%swap3A_103], %add3A_102 {strides = array<i32>} : memref<640xf32, #tpu.memory_space<vmem>>, vector<16xf32>,
        %get3A_105 = arith.constant 160 : index
        %get3A_106 = tpu.vector_load %arg7[%get3A_105] {strides = array<i32>} : memref<640xf32, #tpu.memory_space<vmem>>, vector<16xf32>,
        %get3A_107 = arith.constant 160 : index
        %get3A_108 = tpu.vector_load %arg8[%get3A_107] {strides = array<i32>} : memref<640xf32, #tpu.memory_space<vmem>>, vector<16xf32>,
        %add3A_109 = arith.addf %get3A_106, %get3A_108 : vector<16xf32>
        %swap3A_110 = arith.constant 160 : index
        %swap3A_111 = tpu.vector_load %arg7[%swap3A_110] {strides = array<i32>} : memref<640xf32, #tpu.memory_space<vmem>>, vector<16xf32>,
        tpu.vector_store %arg7[%swap3A_110], %add3A_109 {strides = array<i32>} : memref<640xf32, #tpu.memory_space<vmem>>, vector<16xf32>,
        %get3A_112 = arith.constant 176 : index
        %get3A_113 = tpu.vector_load %arg7[%get3A_112] {strides = array<i32>} : memref<640xf32, #tpu.memory_space<vmem>>, vector<16xf32>,
        %get3A_114 = arith.constant 176 : index
        %get3A_115 = tpu.vector_load %arg8[%get3A_114] {strides = array<i32>} : memref<640xf32, #tpu.memory_space<vmem>>, vector<16xf32>,
        %add3A_116 = arith.addf %get3A_113, %get3A_115 : vector<16xf32>
        %swap3A_117 = arith.constant 176 : index
        %swap3A_118 = tpu.vector_load %arg7[%swap3A_117] {strides = array<i32>} : memref<640xf32, #tpu.memory_space<vmem>>, vector<16xf32>,
        tpu.vector_store %arg7[%swap3A_117], %add3A_116 {strides = array<i32>} : memref<640xf32, #tpu.memory_space<vmem>>, vector<16xf32>,
        %get3A_119 = arith.constant 192 : index
        %get3A_120 = tpu.vector_load %arg7[%get3A_119] {strides = array<i32>} : memref<640xf32, #tpu.memory_space<vmem>>, vector<16xf32>,
        %get3A_121 = arith.constant 192 : index
        %get3A_122 = tpu.vector_load %arg8[%get3A_121] {strides = array<i32>} : memref<640xf32, #tpu.memory_space<vmem>>, vector<16xf32>,
        %add3A_123 = arith.addf %get3A_120, %get3A_122 : vector<16xf32>
        %swap3A_124 = arith.constant 192 : index
        %swap3A_125 = tpu.vector_load %arg7[%swap3A_124] {strides = array<i32>} : memref<640xf32, #tpu.memory_space<vmem>>, vector<16xf32>,
        tpu.vector_store %arg7[%swap3A_124], %add3A_123 {strides = array<i32>} : memref<640xf32, #tpu.memory_space<vmem>>, vector<16xf32>,
        %get3A_126 = arith.constant 208 : index
        %get3A_127 = tpu.vector_load %arg7[%get3A_126] {strides = array<i32>} : memref<640xf32, #tpu.memory_space<vmem>>, vector<16xf32>,
        %get3A_128 = arith.constant 208 : index
        %get3A_129 = tpu.vector_load %arg8[%get3A_128] {strides = array<i32>} : memref<640xf32, #tpu.memory_space<vmem>>, vector<16xf32>,
        %add3A_130 = arith.addf %get3A_127, %get3A_129 : vector<16xf32>
        %swap3A_131 = arith.constant 208 : index
        %swap3A_132 = tpu.vector_load %arg7[%swap3A_131] {strides = array<i32>} : memref<640xf32, #tpu.memory_space<vmem>>, vector<16xf32>,
        tpu.vector_store %arg7[%swap3A_131], %add3A_130 {strides = array<i32>} : memref<640xf32, #tpu.memory_space<vmem>>, vector<16xf32>,
        %get3A_133 = arith.constant 224 : index
        %get3A_134 = tpu.vector_load %arg7[%get3A_133] {strides = array<i32>} : memref<640xf32, #tpu.memory_space<vmem>>, vector<16xf32>,
        %get3A_135 = arith.constant 224 : index
        %get3A_136 = tpu.vector_load %arg8[%get3A_135] {strides = array<i32>} : memref<640xf32, #tpu.memory_space<vmem>>, vector<16xf32>,
        %add3A_137 = arith.addf %get3A_134, %get3A_136 : vector<16xf32>
        %swap3A_138 = arith.constant 224 : index
        %swap3A_139 = tpu.vector_load %arg7[%swap3A_138] {strides = array<i32>} : memref<640xf32, #tpu.memory_space<vmem>>, vector<16xf32>,
        tpu.vector_store %arg7[%swap3A_138], %add3A_137 {strides = array<i32>} : memref<640xf32, #tpu.memory_space<vmem>>, vector<16xf32>,
        %get3A_140 = arith.constant 240 : index
        %get3A_141 = tpu.vector_load %arg7[%get3A_140] {strides = array<i32>} : memref<640xf32, #tpu.memory_space<vmem>>, vector<16xf32>,
        %get3A_142 = arith.constant 240 : index
        %get3A_143 = tpu.vector_load %arg8[%get3A_142] {strides = array<i32>} : memref<640xf32, #tpu.memory_space<vmem>>, vector<16xf32>,
        %add3A_144 = arith.addf %get3A_141, %get3A_143 : vector<16xf32>
        %swap3A_145 = arith.constant 240 : index
        %swap3A_146 = tpu.vector_load %arg7[%swap3A_145] {strides = array<i32>} : memref<640xf32, #tpu.memory_space<vmem>>, vector<16xf32>,
        tpu.vector_store %arg7[%swap3A_145], %add3A_144 {strides = array<i32>} : memref<640xf32, #tpu.memory_space<vmem>>, vector<16xf32>,
        %get3A_147 = arith.constant 256 : index
        %get3A_148 = tpu.vector_load %arg7[%get3A_147] {strides = array<i32>} : memref<640xf32, #tpu.memory_space<vmem>>, vector<16xf32>,
        %get3A_149 = arith.constant 256 : index
        %get3A_150 = tpu.vector_load %arg8[%get3A_149] {strides = array<i32>} : memref<640xf32, #tpu.memory_space<vmem>>, vector<16xf32>,
        %add3A_151 = arith.addf %get3A_148, %get3A_150 : vector<16xf32>
        %swap3A_152 = arith.constant 256 : index
        %swap3A_153 = tpu.vector_load %arg7[%swap3A_152] {strides = array<i32>} : memref<640xf32, #tpu.memory_space<vmem>>, vector<16xf32>,
        tpu.vector_store %arg7[%swap3A_152], %add3A_151 {strides = array<i32>} : memref<640xf32, #tpu.memory_space<vmem>>, vector<16xf32>,
        %get3A_154 = arith.constant 272 : index
        %get3A_155 = tpu.vector_load %arg7[%get3A_154] {strides = array<i32>} : memref<640xf32, #tpu.memory_space<vmem>>, vector<16xf32>,
        %get3A_156 = arith.constant 272 : index
        %get3A_157 = tpu.vector_load %arg8[%get3A_156] {strides = array<i32>} : memref<640xf32, #tpu.memory_space<vmem>>, vector<16xf32>,
        %add3A_158 = arith.addf %get3A_155, %get3A_157 : vector<16xf32>
        %swap3A_159 = arith.constant 272 : index
        %swap3A_160 = tpu.vector_load %arg7[%swap3A_159] {strides = array<i32>} : memref<640xf32, #tpu.memory_space<vmem>>, vector<16xf32>,
        tpu.vector_store %arg7[%swap3A_159], %add3A_158 {strides = array<i32>} : memref<640xf32, #tpu.memory_space<vmem>>, vector<16xf32>,
        %get3A_161 = arith.constant 288 : index
        %get3A_162 = tpu.vector_load %arg7[%get3A_161] {strides = array<i32>} : memref<640xf32, #tpu.memory_space<vmem>>, vector<16xf32>,
        %get3A_163 = arith.constant 288 : index
        %get3A_164 = tpu.vector_load %arg8[%get3A_163] {strides = array<i32>} : memref<640xf32, #tpu.memory_space<vmem>>, vector<16xf32>,
        %add3A_165 = arith.addf %get3A_162, %get3A_164 : vector<16xf32>
        %swap3A_166 = arith.constant 288 : index
        %swap3A_167 = tpu.vector_load %arg7[%swap3A_166] {strides = array<i32>} : memref<640xf32, #tpu.memory_space<vmem>>, vector<16xf32>,
        tpu.vector_store %arg7[%swap3A_166], %add3A_165 {strides = array<i32>} : memref<640xf32, #tpu.memory_space<vmem>>, vector<16xf32>,
        %get3A_168 = arith.constant 304 : index
        %get3A_169 = tpu.vector_load %arg7[%get3A_168] {strides = array<i32>} : memref<640xf32, #tpu.memory_space<vmem>>, vector<16xf32>,
        %get3A_170 = arith.constant 304 : index
        %get3A_171 = tpu.vector_load %arg8[%get3A_170] {strides = array<i32>} : memref<640xf32, #tpu.memory_space<vmem>>, vector<16xf32>,
        %add3A_172 = arith.addf %get3A_169, %get3A_171 : vector<16xf32>
        %swap3A_173 = arith.constant 304 : index
        %swap3A_174 = tpu.vector_load %arg7[%swap3A_173] {strides = array<i32>} : memref<640xf32, #tpu.memory_space<vmem>>, vector<16xf32>,
        tpu.vector_store %arg7[%swap3A_173], %add3A_172 {strides = array<i32>} : memref<640xf32, #tpu.memory_space<vmem>>, vector<16xf32>,
        %get3A_175 = arith.constant 320 : index
        %get3A_176 = tpu.vector_load %arg7[%get3A_175] {strides = array<i32>} : memref<640xf32, #tpu.memory_space<vmem>>, vector<16xf32>,
        %get3A_177 = arith.constant 320 : index
        %get3A_178 = tpu.vector_load %arg8[%get3A_177] {strides = array<i32>} : memref<640xf32, #tpu.memory_space<vmem>>, vector<16xf32>,
        %add3A_179 = arith.addf %get3A_176, %get3A_178 : vector<16xf32>
        %swap3A_180 = arith.constant 320 : index
        %swap3A_181 = tpu.vector_load %arg7[%swap3A_180] {strides = array<i32>} : memref<640xf32, #tpu.memory_space<vmem>>, vector<16xf32>,
        tpu.vector_store %arg7[%swap3A_180], %add3A_179 {strides = array<i32>} : memref<640xf32, #tpu.memory_space<vmem>>, vector<16xf32>,
        %get3A_182 = arith.constant 336 : index
        %get3A_183 = tpu.vector_load %arg7[%get3A_182] {strides = array<i32>} : memref<640xf32, #tpu.memory_space<vmem>>, vector<16xf32>,
        %get3A_184 = arith.constant 336 : index
        %get3A_185 = tpu.vector_load %arg8[%get3A_184] {strides = array<i32>} : memref<640xf32, #tpu.memory_space<vmem>>, vector<16xf32>,
        %add3A_186 = arith.addf %get3A_183, %get3A_185 : vector<16xf32>
        %swap3A_187 = arith.constant 336 : index
        %swap3A_188 = tpu.vector_load %arg7[%swap3A_187] {strides = array<i32>} : memref<640xf32, #tpu.memory_space<vmem>>, vector<16xf32>,
        tpu.vector_store %arg7[%swap3A_187], %add3A_186 {strides = array<i32>} : memref<640xf32, #tpu.memory_space<vmem>>, vector<16xf32>,
        %get3A_189 = arith.constant 352 : index
        %get3A_190 = tpu.vector_load %arg7[%get3A_189] {strides = array<i32>} : memref<640xf32, #tpu.memory_space<vmem>>, vector<16xf32>,
        %get3A_191 = arith.constant 352 : index
        %get3A_192 = tpu.vector_load %arg8[%get3A_191] {strides = array<i32>} : memref<640xf32, #tpu.memory_space<vmem>>, vector<16xf32>,
        %add3A_193 = arith.addf %get3A_190, %get3A_192 : vector<16xf32>
        %swap3A_194 = arith.constant 352 : index
        %swap3A_195 = tpu.vector_load %arg7[%swap3A_194] {strides = array<i32>} : memref<640xf32, #tpu.memory_space<vmem>>, vector<16xf32>,
        tpu.vector_store %arg7[%swap3A_194], %add3A_193 {strides = array<i32>} : memref<640xf32, #tpu.memory_space<vmem>>, vector<16xf32>,
        %get3A_196 = arith.constant 368 : index
        %get3A_197 = tpu.vector_load %arg7[%get3A_196] {strides = array<i32>} : memref<640xf32, #tpu.memory_space<vmem>>, vector<16xf32>,
        %get3A_198 = arith.constant 368 : index
        %get3A_199 = tpu.vector_load %arg8[%get3A_198] {strides = array<i32>} : memref<640xf32, #tpu.memory_space<vmem>>, vector<16xf32>,
        %add3A_200 = arith.addf %get3A_197, %get3A_199 : vector<16xf32>
        %swap3A_201 = arith.constant 368 : index
        %swap3A_202 = tpu.vector_load %arg7[%swap3A_201] {strides = array<i32>} : memref<640xf32, #tpu.memory_space<vmem>>, vector<16xf32>,
        tpu.vector_store %arg7[%swap3A_201], %add3A_200 {strides = array<i32>} : memref<640xf32, #tpu.memory_space<vmem>>, vector<16xf32>,
        %get3A_203 = arith.constant 384 : index
        %get3A_204 = tpu.vector_load %arg7[%get3A_203] {strides = array<i32>} : memref<640xf32, #tpu.memory_space<vmem>>, vector<16xf32>,
        %get3A_205 = arith.constant 384 : index
        %get3A_206 = tpu.vector_load %arg8[%get3A_205] {strides = array<i32>} : memref<640xf32, #tpu.memory_space<vmem>>, vector<16xf32>,
        %add3A_207 = arith.addf %get3A_204, %get3A_206 : vector<16xf32>
        %swap3A_208 = arith.constant 384 : index
        %swap3A_209 = tpu.vector_load %arg7[%swap3A_208] {strides = array<i32>} : memref<640xf32, #tpu.memory_space<vmem>>, vector<16xf32>,
        tpu.vector_store %arg7[%swap3A_208], %add3A_207 {strides = array<i32>} : memref<640xf32, #tpu.memory_space<vmem>>, vector<16xf32>,
      }
      %scan3A_29 = arith.constant 15 : i32
      %mul3A_30 = arith.constant 10000 : i32
      %mul3A_31 = arith.muli %arg0, %mul3A_30 : i32
      %add3A_32 = arith.addi %mul3A_31, %mul3A_14 : i32
      "tpu.region"() ({
        %run_scoped3A = tpu.sem_alloc : memref<!tpu.dma_semaphore, #tpu.memory_space<semaphore_mem>>
        %dma_start3A = arith.constant 0 : i32
        %dma_start3A_33 = tpu.memref_slice %arg7[%dma_start3A] : memref<640xf32, #tpu.memory_space<vmem>> -> memref<400xf32, #tpu.memory_space<vmem>>
        %dma_start3A_34 = tpu.memref_slice %arg4[%add3A_32] : memref<20000xf32, #tpu.memory_space<hbm>> -> memref<400xf32, #tpu.memory_space<hbm>>
        %dma_start3A_35 = tpu.memref_slice %arg4[%add3A_32] : memref<20000xf32, #tpu.memory_space<hbm>> -> memref<400xf32, #tpu.memory_space<hbm>>
        %dma_start3A_36 = arith.constant 0 : i32
        %dma_start3A_37 = tpu.memref_slice %arg7[%dma_start3A_36] : memref<640xf32, #tpu.memory_space<vmem>> -> memref<400xf32, #tpu.memory_space<vmem>>
        tpu.enqueue_dma source(%dma_start3A_37 : memref<400xf32, #tpu.memory_space<vmem>>) target(%dma_start3A_35 : memref<400xf32, #tpu.memory_space<hbm>>) target_semaphore(%run_scoped3A : memref<!tpu.dma_semaphore, #tpu.memory_space<semaphore_mem>>)
        %dma_wait3A = arith.constant 0 : i32
        %dma_wait3A_38 = tpu.memref_slice %arg7[%dma_wait3A] : memref<640xf32, #tpu.memory_space<vmem>> -> memref<400xf32, #tpu.memory_space<vmem>>
        %dma_wait3A_39 = tpu.memref_slice %arg4[%add3A_32] : memref<20000xf32, #tpu.memory_space<hbm>> -> memref<400xf32, #tpu.memory_space<hbm>>
        %dma_wait3A_40 = tpu.memref_slice %arg4[%add3A_32] : memref<20000xf32, #tpu.memory_space<hbm>> -> memref<400xf32, #tpu.memory_space<hbm>>
        %dma_wait3A_41 = arith.constant 0 : i32
        %dma_wait3A_42 = tpu.memref_slice %arg7[%dma_wait3A_41] : memref<640xf32, #tpu.memory_space<vmem>> -> memref<400xf32, #tpu.memory_space<vmem>>
        tpu.wait_dma2 semaphore(%run_scoped3A : memref<!tpu.dma_semaphore, #tpu.memory_space<semaphore_mem>>) src(%dma_wait3A_42 : memref<400xf32, #tpu.memory_space<vmem>>) dst(%dma_wait3A_40 : memref<400xf32, #tpu.memory_space<hbm>>)
        tpu.yield
      }) : () -> ()
    } else {
    }
    return
  }
}

#map = affine_map<(d0, d1) -> (0, 0)>
#map1 = affine_map<(d0, d1) -> (0)>
module attributes {stable_mosaic.version = 14 : i64} {
  func.func @agg_kernel(%arg0: i32, %arg1: i32, %arg2: memref<10000x128xf32, #tpu.memory_space<hbm>>, %arg3: memref<323584xi32, #tpu.memory_space<hbm>>, %arg4: memref<323584xi32, #tpu.memory_space<hbm>>, %arg5: memref<10000x128xf32, #tpu.memory_space<hbm>>, %arg6: memref<20000x128xf32, #tpu.memory_space<hbm>>, %arg7: memref<128xi32, #tpu.memory_space<vmem>>, %arg8: memref<128xi32, #tpu.memory_space<vmem>>, %arg9: memref<128xi32, #tpu.memory_space<vmem>>, %arg10: memref<128xi32, #tpu.memory_space<vmem>>, %arg11: memref<256x128xf32, #tpu.memory_space<vmem>>, %arg12: memref<10016x128xf32, #tpu.memory_space<vmem_shared>>, %arg13: memref<!tpu.dma_semaphore, #tpu.memory_space<semaphore_mem>>, %arg14: memref<!tpu.dma_semaphore, #tpu.memory_space<semaphore_mem>>, %arg15: memref<!tpu.dma_semaphore, #tpu.memory_space<semaphore_mem>>, %arg16: memref<!tpu.dma_semaphore, #tpu.memory_space<semaphore_mem>>) attributes {dimension_semantics = [#tpu.dimension_semantics<core_parallel>, #tpu.dimension_semantics<subcore_parallel>], iteration_bounds = array<i64: 2, 16>, scalar_prefetch = 0 : i64, scratch_operands = 10 : i64, tpu.core_type = #tpu.core_type<sc_vector_subcore>, window_params = [{transform_indices = #map}, {transform_indices = #map1}, {transform_indices = #map1}, {transform_indices = #map}, {transform_indices = #map}]} {
    %mul3A = arith.constant 2 : i32
    %mul3A_0 = arith.muli %arg1, %mul3A : i32
    %add3A = arith.addi %mul3A_0, %arg0 : i32
    %mul3A_1 = arith.constant 79 : i32
    %mul3A_2 = arith.muli %add3A, %mul3A_1 : i32
    %mul3A_3 = arith.constant 128 : i32
    %mul3A_4 = arith.muli %mul3A_2, %mul3A_3 : i32
    %add3A_5 = arith.constant 0 : i32
    %add3A_6 = arith.addi %mul3A_4, %add3A_5 : i32
    %dma_start3A = tpu.memref_slice %arg3[%add3A_6] : memref<323584xi32, #tpu.memory_space<hbm>> -> memref<128xi32, #tpu.memory_space<hbm>>
    %dma_start3A_7 = tpu.memref_slice %arg3[%add3A_6] : memref<323584xi32, #tpu.memory_space<hbm>> -> memref<128xi32, #tpu.memory_space<hbm>>
    tpu.enqueue_dma source(%dma_start3A_7 : memref<128xi32, #tpu.memory_space<hbm>>) target(%arg7 : memref<128xi32, #tpu.memory_space<vmem>>) target_semaphore(%arg13 : memref<!tpu.dma_semaphore, #tpu.memory_space<semaphore_mem>>)
    %dma_start3A_8 = tpu.memref_slice %arg4[%add3A_6] : memref<323584xi32, #tpu.memory_space<hbm>> -> memref<128xi32, #tpu.memory_space<hbm>>
    %dma_start3A_9 = tpu.memref_slice %arg4[%add3A_6] : memref<323584xi32, #tpu.memory_space<hbm>> -> memref<128xi32, #tpu.memory_space<hbm>>
    tpu.enqueue_dma source(%dma_start3A_9 : memref<128xi32, #tpu.memory_space<hbm>>) target(%arg9 : memref<128xi32, #tpu.memory_space<vmem>>) target_semaphore(%arg13 : memref<!tpu.dma_semaphore, #tpu.memory_space<semaphore_mem>>)
    %lt3A = arith.constant 15 : i32
    %lt3A_10 = arith.cmpi slt, %arg1, %lt3A : i32
    %convert_element_type3A = arith.extui %lt3A_10 : i1 to i32
    %cond3A = arith.constant 0 : i32
    %cond3A_11 = arith.cmpi ne, %convert_element_type3A, %cond3A : i32
    scf.if %cond3A_11 {
      %mul3A_57 = arith.constant 640 : i32
      %mul3A_58 = arith.muli %arg1, %mul3A_57 : i32
      %mul3A_59 = arith.constant 640 : i32
      %mul3A_60 = arith.muli %arg1, %mul3A_59 : i32
      "tpu.region"() ({
        %run_scoped3A = tpu.sem_alloc : memref<!tpu.dma_semaphore, #tpu.memory_space<semaphore_mem>>
        %dma_start3A_61 = arith.constant 0 : i32
        %dma_start3A_62 = tpu.memref_slice %arg12[%mul3A_60, %dma_start3A_61] : memref<10016x128xf32, #tpu.memory_space<vmem_shared>> -> memref<640x128xf32, #tpu.memory_space<vmem_shared>>
        %dma_start3A_63 = arith.constant 0 : i32
        %dma_start3A_64 = tpu.memref_slice %arg5[%mul3A_58, %dma_start3A_63] : memref<10000x128xf32, #tpu.memory_space<hbm>> -> memref<640x128xf32, #tpu.memory_space<hbm>>
        tpu.enqueue_dma source(%dma_start3A_64 : memref<640x128xf32, #tpu.memory_space<hbm>>) target(%dma_start3A_62 : memref<640x128xf32, #tpu.memory_space<vmem_shared>>) target_semaphore(%run_scoped3A : memref<!tpu.dma_semaphore, #tpu.memory_space<semaphore_mem>>)
        %dma_wait3A_65 = arith.constant 0 : i32
        %dma_wait3A_66 = tpu.memref_slice %arg12[%mul3A_60, %dma_wait3A_65] : memref<10016x128xf32, #tpu.memory_space<vmem_shared>> -> memref<640x128xf32, #tpu.memory_space<vmem_shared>>
        %dma_wait3A_67 = arith.constant 0 : i32
        %dma_wait3A_68 = tpu.memref_slice %arg5[%mul3A_58, %dma_wait3A_67] : memref<10000x128xf32, #tpu.memory_space<hbm>> -> memref<640x128xf32, #tpu.memory_space<hbm>>
        tpu.wait_dma2 semaphore(%run_scoped3A : memref<!tpu.dma_semaphore, #tpu.memory_space<semaphore_mem>>) src(%dma_wait3A_68 : memref<640x128xf32, #tpu.memory_space<hbm>>) dst(%dma_wait3A_66 : memref<640x128xf32, #tpu.memory_space<vmem_shared>>)
        tpu.yield
      }) : () -> ()
    } else {
    }
    %eq3A = arith.constant 15 : i32
    %eq3A_12 = arith.cmpi eq, %arg1, %eq3A : i32
    %convert_element_type3A_13 = arith.extui %eq3A_12 : i1 to i32
    %cond3A_14 = arith.constant 0 : i32
    %cond3A_15 = arith.cmpi ne, %convert_element_type3A_13, %cond3A_14 : i32
    scf.if %cond3A_15 {
      "tpu.region"() ({
        %run_scoped3A = tpu.sem_alloc : memref<!tpu.dma_semaphore, #tpu.memory_space<semaphore_mem>>
        %dma_start3A_57 = arith.constant 9600 : i32
        %dma_start3A_58 = arith.constant 0 : i32
        %dma_start3A_59 = tpu.memref_slice %arg12[%dma_start3A_57, %dma_start3A_58] : memref<10016x128xf32, #tpu.memory_space<vmem_shared>> -> memref<400x128xf32, #tpu.memory_space<vmem_shared>>
        %dma_start3A_60 = arith.constant 9600 : i32
        %dma_start3A_61 = arith.constant 0 : i32
        %dma_start3A_62 = tpu.memref_slice %arg5[%dma_start3A_60, %dma_start3A_61] : memref<10000x128xf32, #tpu.memory_space<hbm>> -> memref<400x128xf32, #tpu.memory_space<hbm>>
        tpu.enqueue_dma source(%dma_start3A_62 : memref<400x128xf32, #tpu.memory_space<hbm>>) target(%dma_start3A_59 : memref<400x128xf32, #tpu.memory_space<vmem_shared>>) target_semaphore(%run_scoped3A : memref<!tpu.dma_semaphore, #tpu.memory_space<semaphore_mem>>)
        %dma_wait3A_63 = arith.constant 9600 : i32
        %dma_wait3A_64 = arith.constant 0 : i32
        %dma_wait3A_65 = tpu.memref_slice %arg12[%dma_wait3A_63, %dma_wait3A_64] : memref<10016x128xf32, #tpu.memory_space<vmem_shared>> -> memref<400x128xf32, #tpu.memory_space<vmem_shared>>
        %dma_wait3A_66 = arith.constant 9600 : i32
        %dma_wait3A_67 = arith.constant 0 : i32
        %dma_wait3A_68 = tpu.memref_slice %arg5[%dma_wait3A_66, %dma_wait3A_67] : memref<10000x128xf32, #tpu.memory_space<hbm>> -> memref<400x128xf32, #tpu.memory_space<hbm>>
        tpu.wait_dma2 semaphore(%run_scoped3A : memref<!tpu.dma_semaphore, #tpu.memory_space<semaphore_mem>>) src(%dma_wait3A_68 : memref<400x128xf32, #tpu.memory_space<hbm>>) dst(%dma_wait3A_65 : memref<400x128xf32, #tpu.memory_space<vmem_shared>>)
        tpu.yield
      }) : () -> ()
    } else {
    }
    %barrier3A = arith.constant 0 : index
    tpu.barrier barrier_id(%barrier3A)
    %add3A_16 = arith.constant 0 : i32
    %add3A_17 = arith.addi %mul3A_4, %add3A_16 : i32
    %dma_wait3A = tpu.memref_slice %arg3[%add3A_17] : memref<323584xi32, #tpu.memory_space<hbm>> -> memref<128xi32, #tpu.memory_space<hbm>>
    %dma_wait3A_18 = tpu.memref_slice %arg3[%add3A_17] : memref<323584xi32, #tpu.memory_space<hbm>> -> memref<128xi32, #tpu.memory_space<hbm>>
    tpu.wait_dma2 semaphore(%arg13 : memref<!tpu.dma_semaphore, #tpu.memory_space<semaphore_mem>>) src(%dma_wait3A_18 : memref<128xi32, #tpu.memory_space<hbm>>) dst(%arg7 : memref<128xi32, #tpu.memory_space<vmem>>)
    %dma_wait3A_19 = tpu.memref_slice %arg4[%add3A_17] : memref<323584xi32, #tpu.memory_space<hbm>> -> memref<128xi32, #tpu.memory_space<hbm>>
    %dma_wait3A_20 = tpu.memref_slice %arg4[%add3A_17] : memref<323584xi32, #tpu.memory_space<hbm>> -> memref<128xi32, #tpu.memory_space<hbm>>
    tpu.wait_dma2 semaphore(%arg13 : memref<!tpu.dma_semaphore, #tpu.memory_space<semaphore_mem>>) src(%dma_wait3A_20 : memref<128xi32, #tpu.memory_space<hbm>>) dst(%arg9 : memref<128xi32, #tpu.memory_space<vmem>>)
    %dma_start3A_21 = arith.constant 0 : i32
    %dma_start3A_22 = arith.constant 0 : i32
    %dma_start3A_23 = tpu.memref_slice %arg11[%dma_start3A_21, %dma_start3A_22] : memref<256x128xf32, #tpu.memory_space<vmem>> -> memref<128x128xf32, #tpu.memory_space<vmem>>
    %dma_start3A_24 = arith.constant 0 : i32
    %dma_start3A_25 = arith.constant 0 : i32
    %dma_start3A_26 = tpu.memref_slice %arg2[%dma_start3A_24, %dma_start3A_25] : memref<10000x128xf32, #tpu.memory_space<hbm>> -> memref<10000x128xf32, #tpu.memory_space<hbm>>
    tpu.enqueue_indirect_dma source(%dma_start3A_26 : memref<10000x128xf32, #tpu.memory_space<hbm>>) target(%dma_start3A_23 : memref<128x128xf32, #tpu.memory_space<vmem>>) offsets(%arg7 : memref<128xi32, #tpu.memory_space<vmem>>) semaphore(%arg15 : memref<!tpu.dma_semaphore, #tpu.memory_space<semaphore_mem>>)
    %add3A_27 = arith.constant 128 : i32
    %add3A_28 = arith.addi %mul3A_4, %add3A_27 : i32
    %dma_start3A_29 = tpu.memref_slice %arg3[%add3A_28] : memref<323584xi32, #tpu.memory_space<hbm>> -> memref<128xi32, #tpu.memory_space<hbm>>
    %dma_start3A_30 = tpu.memref_slice %arg3[%add3A_28] : memref<323584xi32, #tpu.memory_space<hbm>> -> memref<128xi32, #tpu.memory_space<hbm>>
    tpu.enqueue_dma source(%dma_start3A_30 : memref<128xi32, #tpu.memory_space<hbm>>) target(%arg8 : memref<128xi32, #tpu.memory_space<vmem>>) target_semaphore(%arg14 : memref<!tpu.dma_semaphore, #tpu.memory_space<semaphore_mem>>)
    %dma_start3A_31 = tpu.memref_slice %arg4[%add3A_28] : memref<323584xi32, #tpu.memory_space<hbm>> -> memref<128xi32, #tpu.memory_space<hbm>>
    %dma_start3A_32 = tpu.memref_slice %arg4[%add3A_28] : memref<323584xi32, #tpu.memory_space<hbm>> -> memref<128xi32, #tpu.memory_space<hbm>>
    tpu.enqueue_dma source(%dma_start3A_32 : memref<128xi32, #tpu.memory_space<hbm>>) target(%arg10 : memref<128xi32, #tpu.memory_space<vmem>>) target_semaphore(%arg14 : memref<!tpu.dma_semaphore, #tpu.memory_space<semaphore_mem>>)
    %scan3A = arith.constant 0 : i32
    %scan3A_33 = arith.constant 0 : i32
    %scan3A_34 = arith.constant 39 : i32
    %scan3A_35 = arith.addi %scan3A_33, %scan3A_34 : i32
    %scan3A_36 = arith.constant 1 : i32
    scf.for %scan3A_57 = %scan3A_33 to %scan3A_35 step %scan3A_36  : i32 {
      %mul3A_58 = arith.constant 2 : i32
      %mul3A_59 = arith.muli %scan3A_57, %mul3A_58 : i32
      %dma_wait3A_60 = arith.constant 0 : i32
      %dma_wait3A_61 = arith.constant 0 : i32
      %dma_wait3A_62 = tpu.memref_slice %arg11[%dma_wait3A_60, %dma_wait3A_61] : memref<256x128xf32, #tpu.memory_space<vmem>> -> memref<128x128xf32, #tpu.memory_space<vmem>>
      %dma_wait3A_63 = arith.constant 0 : i32
      %dma_wait3A_64 = arith.constant 0 : i32
      %dma_wait3A_65 = tpu.memref_slice %arg2[%dma_wait3A_63, %dma_wait3A_64] : memref<10000x128xf32, #tpu.memory_space<hbm>> -> memref<10000x128xf32, #tpu.memory_space<hbm>>
      tpu.wait_indirect_dma semaphore(%arg15 : memref<!tpu.dma_semaphore, #tpu.memory_space<semaphore_mem>>) src(%dma_wait3A_65 : memref<10000x128xf32, #tpu.memory_space<hbm>>) dst(%dma_wait3A_62 : memref<128x128xf32, #tpu.memory_space<vmem>>)
      %add3A_66 = arith.constant 1 : i32
      %add3A_67 = arith.addi %mul3A_59, %add3A_66 : i32
      %lt3A_68 = arith.constant 79 : i32
      %lt3A_69 = arith.cmpi slt, %add3A_67, %lt3A_68 : i32
      %convert_element_type3A_70 = arith.extui %lt3A_69 : i1 to i32
      %cond3A_71 = arith.constant 0 : i32
      %cond3A_72 = arith.cmpi ne, %convert_element_type3A_70, %cond3A_71 : i32
      scf.if %cond3A_72 {
        %add3A_104 = arith.constant 1 : i32
        %add3A_105 = arith.addi %mul3A_59, %add3A_104 : i32
        %mul3A_106 = arith.constant 128 : i32
        %mul3A_107 = arith.muli %add3A_105, %mul3A_106 : i32
        %add3A_108 = arith.addi %mul3A_4, %mul3A_107 : i32
        %dma_wait3A_109 = tpu.memref_slice %arg3[%add3A_108] : memref<323584xi32, #tpu.memory_space<hbm>> -> memref<128xi32, #tpu.memory_space<hbm>>
        %dma_wait3A_110 = tpu.memref_slice %arg3[%add3A_108] : memref<323584xi32, #tpu.memory_space<hbm>> -> memref<128xi32, #tpu.memory_space<hbm>>
        tpu.wait_dma2 semaphore(%arg14 : memref<!tpu.dma_semaphore, #tpu.memory_space<semaphore_mem>>) src(%dma_wait3A_110 : memref<128xi32, #tpu.memory_space<hbm>>) dst(%arg8 : memref<128xi32, #tpu.memory_space<vmem>>)
        %dma_wait3A_111 = tpu.memref_slice %arg4[%add3A_108] : memref<323584xi32, #tpu.memory_space<hbm>> -> memref<128xi32, #tpu.memory_space<hbm>>
        %dma_wait3A_112 = tpu.memref_slice %arg4[%add3A_108] : memref<323584xi32, #tpu.memory_space<hbm>> -> memref<128xi32, #tpu.memory_space<hbm>>
        tpu.wait_dma2 semaphore(%arg14 : memref<!tpu.dma_semaphore, #tpu.memory_space<semaphore_mem>>) src(%dma_wait3A_112 : memref<128xi32, #tpu.memory_space<hbm>>) dst(%arg10 : memref<128xi32, #tpu.memory_space<vmem>>)
        %dma_start3A_113 = arith.constant 128 : i32
        %dma_start3A_114 = arith.constant 0 : i32
        %dma_start3A_115 = tpu.memref_slice %arg11[%dma_start3A_113, %dma_start3A_114] : memref<256x128xf32, #tpu.memory_space<vmem>> -> memref<128x128xf32, #tpu.memory_space<vmem>>
        %dma_start3A_116 = arith.constant 0 : i32
        %dma_start3A_117 = arith.constant 0 : i32
        %dma_start3A_118 = tpu.memref_slice %arg2[%dma_start3A_116, %dma_start3A_117] : memref<10000x128xf32, #tpu.memory_space<hbm>> -> memref<10000x128xf32, #tpu.memory_space<hbm>>
        tpu.enqueue_indirect_dma source(%dma_start3A_118 : memref<10000x128xf32, #tpu.memory_space<hbm>>) target(%dma_start3A_115 : memref<128x128xf32, #tpu.memory_space<vmem>>) offsets(%arg8 : memref<128xi32, #tpu.memory_space<vmem>>) semaphore(%arg16 : memref<!tpu.dma_semaphore, #tpu.memory_space<semaphore_mem>>)
      } else {
      }
      "tpu.region"() ({
        %run_scoped3A = tpu.sem_alloc : memref<!tpu.dma_semaphore, #tpu.memory_space<semaphore_mem>>
        %dma_start3A_104 = arith.constant 0 : i32
        %dma_start3A_105 = arith.constant 0 : i32
        %dma_start3A_106 = tpu.memref_slice %arg11[%dma_start3A_104, %dma_start3A_105] : memref<256x128xf32, #tpu.memory_space<vmem>> -> memref<128x128xf32, #tpu.memory_space<vmem>>
        %dma_start3A_107 = arith.constant 0 : i32
        %dma_start3A_108 = arith.constant 0 : i32
        %dma_start3A_109 = tpu.memref_slice %arg12[%dma_start3A_107, %dma_start3A_108] : memref<10016x128xf32, #tpu.memory_space<vmem_shared>> -> memref<10016x128xf32, #tpu.memory_space<vmem_shared>>
        tpu.enqueue_indirect_dma source(%dma_start3A_106 : memref<128x128xf32, #tpu.memory_space<vmem>>) target(%dma_start3A_109 : memref<10016x128xf32, #tpu.memory_space<vmem_shared>>) offsets(%arg9 : memref<128xi32, #tpu.memory_space<vmem>>) semaphore(%run_scoped3A : memref<!tpu.dma_semaphore, #tpu.memory_space<semaphore_mem>>) {add = true}
        %dma_wait3A_110 = arith.constant 0 : i32
        %dma_wait3A_111 = arith.constant 0 : i32
        %dma_wait3A_112 = tpu.memref_slice %arg11[%dma_wait3A_110, %dma_wait3A_111] : memref<256x128xf32, #tpu.memory_space<vmem>> -> memref<128x128xf32, #tpu.memory_space<vmem>>
        %dma_wait3A_113 = arith.constant 0 : i32
        %dma_wait3A_114 = arith.constant 0 : i32
        %dma_wait3A_115 = tpu.memref_slice %arg12[%dma_wait3A_113, %dma_wait3A_114] : memref<10016x128xf32, #tpu.memory_space<vmem_shared>> -> memref<10016x128xf32, #tpu.memory_space<vmem_shared>>
        tpu.wait_indirect_dma semaphore(%run_scoped3A : memref<!tpu.dma_semaphore, #tpu.memory_space<semaphore_mem>>) src(%dma_wait3A_112 : memref<128x128xf32, #tpu.memory_space<vmem>>) dst(%dma_wait3A_115 : memref<10016x128xf32, #tpu.memory_space<vmem_shared>>)
        tpu.yield
      }) : () -> ()
      %add3A_73 = arith.constant 2 : i32
      %add3A_74 = arith.addi %mul3A_59, %add3A_73 : i32
      %lt3A_75 = arith.constant 79 : i32
      %lt3A_76 = arith.cmpi slt, %add3A_74, %lt3A_75 : i32
      %convert_element_type3A_77 = arith.extui %lt3A_76 : i1 to i32
      %cond3A_78 = arith.constant 0 : i32
      %cond3A_79 = arith.cmpi ne, %convert_element_type3A_77, %cond3A_78 : i32
      scf.if %cond3A_79 {
        %add3A_104 = arith.constant 2 : i32
        %add3A_105 = arith.addi %mul3A_59, %add3A_104 : i32
        %mul3A_106 = arith.constant 128 : i32
        %mul3A_107 = arith.muli %add3A_105, %mul3A_106 : i32
        %add3A_108 = arith.addi %mul3A_4, %mul3A_107 : i32
        %dma_start3A_109 = tpu.memref_slice %arg3[%add3A_108] : memref<323584xi32, #tpu.memory_space<hbm>> -> memref<128xi32, #tpu.memory_space<hbm>>
        %dma_start3A_110 = tpu.memref_slice %arg3[%add3A_108] : memref<323584xi32, #tpu.memory_space<hbm>> -> memref<128xi32, #tpu.memory_space<hbm>>
        tpu.enqueue_dma source(%dma_start3A_110 : memref<128xi32, #tpu.memory_space<hbm>>) target(%arg7 : memref<128xi32, #tpu.memory_space<vmem>>) target_semaphore(%arg13 : memref<!tpu.dma_semaphore, #tpu.memory_space<semaphore_mem>>)
        %dma_start3A_111 = tpu.memref_slice %arg4[%add3A_108] : memref<323584xi32, #tpu.memory_space<hbm>> -> memref<128xi32, #tpu.memory_space<hbm>>
        %dma_start3A_112 = tpu.memref_slice %arg4[%add3A_108] : memref<323584xi32, #tpu.memory_space<hbm>> -> memref<128xi32, #tpu.memory_space<hbm>>
        tpu.enqueue_dma source(%dma_start3A_112 : memref<128xi32, #tpu.memory_space<hbm>>) target(%arg9 : memref<128xi32, #tpu.memory_space<vmem>>) target_semaphore(%arg13 : memref<!tpu.dma_semaphore, #tpu.memory_space<semaphore_mem>>)
      } else {
      }
      %mul3A_80 = arith.constant 2 : i32
      %mul3A_81 = arith.muli %scan3A_57, %mul3A_80 : i32
      %add3A_82 = arith.constant 1 : i32
      %add3A_83 = arith.addi %mul3A_81, %add3A_82 : i32
      %dma_wait3A_84 = arith.constant 128 : i32
      %dma_wait3A_85 = arith.constant 0 : i32
      %dma_wait3A_86 = tpu.memref_slice %arg11[%dma_wait3A_84, %dma_wait3A_85] : memref<256x128xf32, #tpu.memory_space<vmem>> -> memref<128x128xf32, #tpu.memory_space<vmem>>
      %dma_wait3A_87 = arith.constant 0 : i32
      %dma_wait3A_88 = arith.constant 0 : i32
      %dma_wait3A_89 = tpu.memref_slice %arg2[%dma_wait3A_87, %dma_wait3A_88] : memref<10000x128xf32, #tpu.memory_space<hbm>> -> memref<10000x128xf32, #tpu.memory_space<hbm>>
      tpu.wait_indirect_dma semaphore(%arg16 : memref<!tpu.dma_semaphore, #tpu.memory_space<semaphore_mem>>) src(%dma_wait3A_89 : memref<10000x128xf32, #tpu.memory_space<hbm>>) dst(%dma_wait3A_86 : memref<128x128xf32, #tpu.memory_space<vmem>>)
      %add3A_90 = arith.constant 1 : i32
      %add3A_91 = arith.addi %add3A_83, %add3A_90 : i32
      %lt3A_92 = arith.constant 79 : i32
      %lt3A_93 = arith.cmpi slt, %add3A_91, %lt3A_92 : i32
      %convert_element_type3A_94 = arith.extui %lt3A_93 : i1 to i32
      %cond3A_95 = arith.constant 0 : i32
      %cond3A_96 = arith.cmpi ne, %convert_element_type3A_94, %cond3A_95 : i32
      scf.if %cond3A_96 {
        %add3A_104 = arith.constant 1 : i32
        %add3A_105 = arith.addi %add3A_83, %add3A_104 : i32
        %mul3A_106 = arith.constant 128 : i32
        %mul3A_107 = arith.muli %add3A_105, %mul3A_106 : i32
        %add3A_108 = arith.addi %mul3A_4, %mul3A_107 : i32
        %dma_wait3A_109 = tpu.memref_slice %arg3[%add3A_108] : memref<323584xi32, #tpu.memory_space<hbm>> -> memref<128xi32, #tpu.memory_space<hbm>>
        %dma_wait3A_110 = tpu.memref_slice %arg3[%add3A_108] : memref<323584xi32, #tpu.memory_space<hbm>> -> memref<128xi32, #tpu.memory_space<hbm>>
        tpu.wait_dma2 semaphore(%arg13 : memref<!tpu.dma_semaphore, #tpu.memory_space<semaphore_mem>>) src(%dma_wait3A_110 : memref<128xi32, #tpu.memory_space<hbm>>) dst(%arg7 : memref<128xi32, #tpu.memory_space<vmem>>)
        %dma_wait3A_111 = tpu.memref_slice %arg4[%add3A_108] : memref<323584xi32, #tpu.memory_space<hbm>> -> memref<128xi32, #tpu.memory_space<hbm>>
        %dma_wait3A_112 = tpu.memref_slice %arg4[%add3A_108] : memref<323584xi32, #tpu.memory_space<hbm>> -> memref<128xi32, #tpu.memory_space<hbm>>
        tpu.wait_dma2 semaphore(%arg13 : memref<!tpu.dma_semaphore, #tpu.memory_space<semaphore_mem>>) src(%dma_wait3A_112 : memref<128xi32, #tpu.memory_space<hbm>>) dst(%arg9 : memref<128xi32, #tpu.memory_space<vmem>>)
        %dma_start3A_113 = arith.constant 0 : i32
        %dma_start3A_114 = arith.constant 0 : i32
        %dma_start3A_115 = tpu.memref_slice %arg11[%dma_start3A_113, %dma_start3A_114] : memref<256x128xf32, #tpu.memory_space<vmem>> -> memref<128x128xf32, #tpu.memory_space<vmem>>
        %dma_start3A_116 = arith.constant 0 : i32
        %dma_start3A_117 = arith.constant 0 : i32
        %dma_start3A_118 = tpu.memref_slice %arg2[%dma_start3A_116, %dma_start3A_117] : memref<10000x128xf32, #tpu.memory_space<hbm>> -> memref<10000x128xf32, #tpu.memory_space<hbm>>
        tpu.enqueue_indirect_dma source(%dma_start3A_118 : memref<10000x128xf32, #tpu.memory_space<hbm>>) target(%dma_start3A_115 : memref<128x128xf32, #tpu.memory_space<vmem>>) offsets(%arg7 : memref<128xi32, #tpu.memory_space<vmem>>) semaphore(%arg15 : memref<!tpu.dma_semaphore, #tpu.memory_space<semaphore_mem>>)
      } else {
      }
      "tpu.region"() ({
        %run_scoped3A = tpu.sem_alloc : memref<!tpu.dma_semaphore, #tpu.memory_space<semaphore_mem>>
        %dma_start3A_104 = arith.constant 128 : i32
        %dma_start3A_105 = arith.constant 0 : i32
        %dma_start3A_106 = tpu.memref_slice %arg11[%dma_start3A_104, %dma_start3A_105] : memref<256x128xf32, #tpu.memory_space<vmem>> -> memref<128x128xf32, #tpu.memory_space<vmem>>
        %dma_start3A_107 = arith.constant 0 : i32
        %dma_start3A_108 = arith.constant 0 : i32
        %dma_start3A_109 = tpu.memref_slice %arg12[%dma_start3A_107, %dma_start3A_108] : memref<10016x128xf32, #tpu.memory_space<vmem_shared>> -> memref<10016x128xf32, #tpu.memory_space<vmem_shared>>
        tpu.enqueue_indirect_dma source(%dma_start3A_106 : memref<128x128xf32, #tpu.memory_space<vmem>>) target(%dma_start3A_109 : memref<10016x128xf32, #tpu.memory_space<vmem_shared>>) offsets(%arg10 : memref<128xi32, #tpu.memory_space<vmem>>) semaphore(%run_scoped3A : memref<!tpu.dma_semaphore, #tpu.memory_space<semaphore_mem>>) {add = true}
        %dma_wait3A_110 = arith.constant 128 : i32
        %dma_wait3A_111 = arith.constant 0 : i32
        %dma_wait3A_112 = tpu.memref_slice %arg11[%dma_wait3A_110, %dma_wait3A_111] : memref<256x128xf32, #tpu.memory_space<vmem>> -> memref<128x128xf32, #tpu.memory_space<vmem>>
        %dma_wait3A_113 = arith.constant 0 : i32
        %dma_wait3A_114 = arith.constant 0 : i32
        %dma_wait3A_115 = tpu.memref_slice %arg12[%dma_wait3A_113, %dma_wait3A_114] : memref<10016x128xf32, #tpu.memory_space<vmem_shared>> -> memref<10016x128xf32, #tpu.memory_space<vmem_shared>>
        tpu.wait_indirect_dma semaphore(%run_scoped3A : memref<!tpu.dma_semaphore, #tpu.memory_space<semaphore_mem>>) src(%dma_wait3A_112 : memref<128x128xf32, #tpu.memory_space<vmem>>) dst(%dma_wait3A_115 : memref<10016x128xf32, #tpu.memory_space<vmem_shared>>)
        tpu.yield
      }) : () -> ()
      %add3A_97 = arith.constant 2 : i32
      %add3A_98 = arith.addi %add3A_83, %add3A_97 : i32
      %lt3A_99 = arith.constant 79 : i32
      %lt3A_100 = arith.cmpi slt, %add3A_98, %lt3A_99 : i32
      %convert_element_type3A_101 = arith.extui %lt3A_100 : i1 to i32
      %cond3A_102 = arith.constant 0 : i32
      %cond3A_103 = arith.cmpi ne, %convert_element_type3A_101, %cond3A_102 : i32
      scf.if %cond3A_103 {
        %add3A_104 = arith.constant 2 : i32
        %add3A_105 = arith.addi %add3A_83, %add3A_104 : i32
        %mul3A_106 = arith.constant 128 : i32
        %mul3A_107 = arith.muli %add3A_105, %mul3A_106 : i32
        %add3A_108 = arith.addi %mul3A_4, %mul3A_107 : i32
        %dma_start3A_109 = tpu.memref_slice %arg3[%add3A_108] : memref<323584xi32, #tpu.memory_space<hbm>> -> memref<128xi32, #tpu.memory_space<hbm>>
        %dma_start3A_110 = tpu.memref_slice %arg3[%add3A_108] : memref<323584xi32, #tpu.memory_space<hbm>> -> memref<128xi32, #tpu.memory_space<hbm>>
        tpu.enqueue_dma source(%dma_start3A_110 : memref<128xi32, #tpu.memory_space<hbm>>) target(%arg8 : memref<128xi32, #tpu.memory_space<vmem>>) target_semaphore(%arg14 : memref<!tpu.dma_semaphore, #tpu.memory_space<semaphore_mem>>)
        %dma_start3A_111 = tpu.memref_slice %arg4[%add3A_108] : memref<323584xi32, #tpu.memory_space<hbm>> -> memref<128xi32, #tpu.memory_space<hbm>>
        %dma_start3A_112 = tpu.memref_slice %arg4[%add3A_108] : memref<323584xi32, #tpu.memory_space<hbm>> -> memref<128xi32, #tpu.memory_space<hbm>>
        tpu.enqueue_dma source(%dma_start3A_112 : memref<128xi32, #tpu.memory_space<hbm>>) target(%arg10 : memref<128xi32, #tpu.memory_space<vmem>>) target_semaphore(%arg14 : memref<!tpu.dma_semaphore, #tpu.memory_space<semaphore_mem>>)
      } else {
      }
    }
    %scan3A_37 = arith.constant 39 : i32
    %dma_wait3A_38 = arith.constant 0 : i32
    %dma_wait3A_39 = arith.constant 0 : i32
    %dma_wait3A_40 = tpu.memref_slice %arg11[%dma_wait3A_38, %dma_wait3A_39] : memref<256x128xf32, #tpu.memory_space<vmem>> -> memref<128x128xf32, #tpu.memory_space<vmem>>
    %dma_wait3A_41 = arith.constant 0 : i32
    %dma_wait3A_42 = arith.constant 0 : i32
    %dma_wait3A_43 = tpu.memref_slice %arg2[%dma_wait3A_41, %dma_wait3A_42] : memref<10000x128xf32, #tpu.memory_space<hbm>> -> memref<10000x128xf32, #tpu.memory_space<hbm>>
    tpu.wait_indirect_dma semaphore(%arg15 : memref<!tpu.dma_semaphore, #tpu.memory_space<semaphore_mem>>) src(%dma_wait3A_43 : memref<10000x128xf32, #tpu.memory_space<hbm>>) dst(%dma_wait3A_40 : memref<128x128xf32, #tpu.memory_space<vmem>>)
    "tpu.region"() ({
      %run_scoped3A = tpu.sem_alloc : memref<!tpu.dma_semaphore, #tpu.memory_space<semaphore_mem>>
      %dma_start3A_57 = arith.constant 0 : i32
      %dma_start3A_58 = arith.constant 0 : i32
      %dma_start3A_59 = tpu.memref_slice %arg11[%dma_start3A_57, %dma_start3A_58] : memref<256x128xf32, #tpu.memory_space<vmem>> -> memref<128x128xf32, #tpu.memory_space<vmem>>
      %dma_start3A_60 = arith.constant 0 : i32
      %dma_start3A_61 = arith.constant 0 : i32
      %dma_start3A_62 = tpu.memref_slice %arg12[%dma_start3A_60, %dma_start3A_61] : memref<10016x128xf32, #tpu.memory_space<vmem_shared>> -> memref<10016x128xf32, #tpu.memory_space<vmem_shared>>
      tpu.enqueue_indirect_dma source(%dma_start3A_59 : memref<128x128xf32, #tpu.memory_space<vmem>>) target(%dma_start3A_62 : memref<10016x128xf32, #tpu.memory_space<vmem_shared>>) offsets(%arg9 : memref<128xi32, #tpu.memory_space<vmem>>) semaphore(%run_scoped3A : memref<!tpu.dma_semaphore, #tpu.memory_space<semaphore_mem>>) {add = true}
      %dma_wait3A_63 = arith.constant 0 : i32
      %dma_wait3A_64 = arith.constant 0 : i32
      %dma_wait3A_65 = tpu.memref_slice %arg11[%dma_wait3A_63, %dma_wait3A_64] : memref<256x128xf32, #tpu.memory_space<vmem>> -> memref<128x128xf32, #tpu.memory_space<vmem>>
      %dma_wait3A_66 = arith.constant 0 : i32
      %dma_wait3A_67 = arith.constant 0 : i32
      %dma_wait3A_68 = tpu.memref_slice %arg12[%dma_wait3A_66, %dma_wait3A_67] : memref<10016x128xf32, #tpu.memory_space<vmem_shared>> -> memref<10016x128xf32, #tpu.memory_space<vmem_shared>>
      tpu.wait_indirect_dma semaphore(%run_scoped3A : memref<!tpu.dma_semaphore, #tpu.memory_space<semaphore_mem>>) src(%dma_wait3A_65 : memref<128x128xf32, #tpu.memory_space<vmem>>) dst(%dma_wait3A_68 : memref<10016x128xf32, #tpu.memory_space<vmem_shared>>)
      tpu.yield
    }) : () -> ()
    %barrier3A_44 = arith.constant 0 : index
    tpu.barrier barrier_id(%barrier3A_44)
    %mul3A_45 = arith.constant 10000 : i32
    %mul3A_46 = arith.muli %arg0, %mul3A_45 : i32
    %lt3A_47 = arith.constant 15 : i32
    %lt3A_48 = arith.cmpi slt, %arg1, %lt3A_47 : i32
    %convert_element_type3A_49 = arith.extui %lt3A_48 : i1 to i32
    %cond3A_50 = arith.constant 0 : i32
    %cond3A_51 = arith.cmpi ne, %convert_element_type3A_49, %cond3A_50 : i32
    scf.if %cond3A_51 {
      %mul3A_57 = arith.constant 640 : i32
      %mul3A_58 = arith.muli %arg1, %mul3A_57 : i32
      %mul3A_59 = arith.constant 640 : i32
      %mul3A_60 = arith.muli %arg1, %mul3A_59 : i32
      %add3A_61 = arith.addi %mul3A_46, %mul3A_60 : i32
      "tpu.region"() ({
        %run_scoped3A = tpu.sem_alloc : memref<!tpu.dma_semaphore, #tpu.memory_space<semaphore_mem>>
        %dma_start3A_62 = arith.constant 0 : i32
        %dma_start3A_63 = tpu.memref_slice %arg6[%add3A_61, %dma_start3A_62] : memref<20000x128xf32, #tpu.memory_space<hbm>> -> memref<640x128xf32, #tpu.memory_space<hbm>>
        %dma_start3A_64 = arith.constant 0 : i32
        %dma_start3A_65 = tpu.memref_slice %arg12[%mul3A_58, %dma_start3A_64] : memref<10016x128xf32, #tpu.memory_space<vmem_shared>> -> memref<640x128xf32, #tpu.memory_space<vmem_shared>>
        tpu.enqueue_dma source(%dma_start3A_65 : memref<640x128xf32, #tpu.memory_space<vmem_shared>>) target(%dma_start3A_63 : memref<640x128xf32, #tpu.memory_space<hbm>>) target_semaphore(%run_scoped3A : memref<!tpu.dma_semaphore, #tpu.memory_space<semaphore_mem>>)
        %dma_wait3A_66 = arith.constant 0 : i32
        %dma_wait3A_67 = tpu.memref_slice %arg6[%add3A_61, %dma_wait3A_66] : memref<20000x128xf32, #tpu.memory_space<hbm>> -> memref<640x128xf32, #tpu.memory_space<hbm>>
        %dma_wait3A_68 = arith.constant 0 : i32
        %dma_wait3A_69 = tpu.memref_slice %arg12[%mul3A_58, %dma_wait3A_68] : memref<10016x128xf32, #tpu.memory_space<vmem_shared>> -> memref<640x128xf32, #tpu.memory_space<vmem_shared>>
        tpu.wait_dma2 semaphore(%run_scoped3A : memref<!tpu.dma_semaphore, #tpu.memory_space<semaphore_mem>>) src(%dma_wait3A_69 : memref<640x128xf32, #tpu.memory_space<vmem_shared>>) dst(%dma_wait3A_67 : memref<640x128xf32, #tpu.memory_space<hbm>>)
        tpu.yield
      }) : () -> ()
    } else {
    }
    %eq3A_52 = arith.constant 15 : i32
    %eq3A_53 = arith.cmpi eq, %arg1, %eq3A_52 : i32
    %convert_element_type3A_54 = arith.extui %eq3A_53 : i1 to i32
    %cond3A_55 = arith.constant 0 : i32
    %cond3A_56 = arith.cmpi ne, %convert_element_type3A_54, %cond3A_55 : i32
    scf.if %cond3A_56 {
      %add3A_57 = arith.constant 9600 : i32
      %add3A_58 = arith.addi %mul3A_46, %add3A_57 : i32
      "tpu.region"() ({
        %run_scoped3A = tpu.sem_alloc : memref<!tpu.dma_semaphore, #tpu.memory_space<semaphore_mem>>
        %dma_start3A_59 = arith.constant 0 : i32
        %dma_start3A_60 = tpu.memref_slice %arg6[%add3A_58, %dma_start3A_59] : memref<20000x128xf32, #tpu.memory_space<hbm>> -> memref<400x128xf32, #tpu.memory_space<hbm>>
        %dma_start3A_61 = arith.constant 9600 : i32
        %dma_start3A_62 = arith.constant 0 : i32
        %dma_start3A_63 = tpu.memref_slice %arg12[%dma_start3A_61, %dma_start3A_62] : memref<10016x128xf32, #tpu.memory_space<vmem_shared>> -> memref<400x128xf32, #tpu.memory_space<vmem_shared>>
        tpu.enqueue_dma source(%dma_start3A_63 : memref<400x128xf32, #tpu.memory_space<vmem_shared>>) target(%dma_start3A_60 : memref<400x128xf32, #tpu.memory_space<hbm>>) target_semaphore(%run_scoped3A : memref<!tpu.dma_semaphore, #tpu.memory_space<semaphore_mem>>)
        %dma_wait3A_64 = arith.constant 0 : i32
        %dma_wait3A_65 = tpu.memref_slice %arg6[%add3A_58, %dma_wait3A_64] : memref<20000x128xf32, #tpu.memory_space<hbm>> -> memref<400x128xf32, #tpu.memory_space<hbm>>
        %dma_wait3A_66 = arith.constant 9600 : i32
        %dma_wait3A_67 = arith.constant 0 : i32
        %dma_wait3A_68 = tpu.memref_slice %arg12[%dma_wait3A_66, %dma_wait3A_67] : memref<10016x128xf32, #tpu.memory_space<vmem_shared>> -> memref<400x128xf32, #tpu.memory_space<vmem_shared>>
        tpu.wait_dma2 semaphore(%run_scoped3A : memref<!tpu.dma_semaphore, #tpu.memory_space<semaphore_mem>>) src(%dma_wait3A_68 : memref<400x128xf32, #tpu.memory_space<vmem_shared>>) dst(%dma_wait3A_65 : memref<400x128xf32, #tpu.memory_space<hbm>>)
        tpu.yield
      }) : () -> ()
    } else {
    }
    return
  }
}

#map = affine_map<(d0, d1) -> (0, 0)>
#map1 = affine_map<(d0, d1) -> (0)>
module attributes {stable_mosaic.version = 14 : i64} {
  func.func @agg_kernel(%arg0: i32, %arg1: i32, %arg2: memref<10000x128xf32, #tpu.memory_space<hbm>>, %arg3: memref<323584xi32, #tpu.memory_space<hbm>>, %arg4: memref<323584xi32, #tpu.memory_space<hbm>>, %arg5: memref<10000x128xf32, #tpu.memory_space<hbm>>, %arg6: memref<20000x128xf32, #tpu.memory_space<hbm>>, %arg7: memref<128xi32, #tpu.memory_space<vmem>>, %arg8: memref<128xi32, #tpu.memory_space<vmem>>, %arg9: memref<128xi32, #tpu.memory_space<vmem>>, %arg10: memref<128xi32, #tpu.memory_space<vmem>>, %arg11: memref<256x128xf32, #tpu.memory_space<vmem>>, %arg12: memref<10016x128xf32, #tpu.memory_space<vmem_shared>>, %arg13: memref<!tpu.dma_semaphore, #tpu.memory_space<semaphore_mem>>, %arg14: memref<!tpu.dma_semaphore, #tpu.memory_space<semaphore_mem>>, %arg15: memref<!tpu.dma_semaphore, #tpu.memory_space<semaphore_mem>>, %arg16: memref<!tpu.dma_semaphore, #tpu.memory_space<semaphore_mem>>) attributes {dimension_semantics = [#tpu.dimension_semantics<core_parallel>, #tpu.dimension_semantics<subcore_parallel>], iteration_bounds = array<i64: 2, 16>, scalar_prefetch = 0 : i64, scratch_operands = 10 : i64, tpu.core_type = #tpu.core_type<sc_vector_subcore>, window_params = [{transform_indices = #map}, {transform_indices = #map1}, {transform_indices = #map1}, {transform_indices = #map}, {transform_indices = #map}]} {
    %mul3A = arith.constant 2 : i32
    %mul3A_0 = arith.muli %arg1, %mul3A : i32
    %add3A = arith.addi %mul3A_0, %arg0 : i32
    %mul3A_1 = arith.constant 79 : i32
    %mul3A_2 = arith.muli %add3A, %mul3A_1 : i32
    %mul3A_3 = arith.constant 128 : i32
    %mul3A_4 = arith.muli %mul3A_2, %mul3A_3 : i32
    %add3A_5 = arith.constant 0 : i32
    %add3A_6 = arith.addi %mul3A_4, %add3A_5 : i32
    %dma_start3A = tpu.memref_slice %arg3[%add3A_6] : memref<323584xi32, #tpu.memory_space<hbm>> -> memref<128xi32, #tpu.memory_space<hbm>>
    %dma_start3A_7 = tpu.memref_slice %arg3[%add3A_6] : memref<323584xi32, #tpu.memory_space<hbm>> -> memref<128xi32, #tpu.memory_space<hbm>>
    tpu.enqueue_dma source(%dma_start3A_7 : memref<128xi32, #tpu.memory_space<hbm>>) target(%arg7 : memref<128xi32, #tpu.memory_space<vmem>>) target_semaphore(%arg13 : memref<!tpu.dma_semaphore, #tpu.memory_space<semaphore_mem>>)
    %dma_start3A_8 = tpu.memref_slice %arg4[%add3A_6] : memref<323584xi32, #tpu.memory_space<hbm>> -> memref<128xi32, #tpu.memory_space<hbm>>
    %dma_start3A_9 = tpu.memref_slice %arg4[%add3A_6] : memref<323584xi32, #tpu.memory_space<hbm>> -> memref<128xi32, #tpu.memory_space<hbm>>
    tpu.enqueue_dma source(%dma_start3A_9 : memref<128xi32, #tpu.memory_space<hbm>>) target(%arg9 : memref<128xi32, #tpu.memory_space<vmem>>) target_semaphore(%arg13 : memref<!tpu.dma_semaphore, #tpu.memory_space<semaphore_mem>>)
    %lt3A = arith.constant 15 : i32
    %lt3A_10 = arith.cmpi slt, %arg1, %lt3A : i32
    %convert_element_type3A = arith.extui %lt3A_10 : i1 to i32
    %cond3A = arith.constant 0 : i32
    %cond3A_11 = arith.cmpi ne, %convert_element_type3A, %cond3A : i32
    scf.if %cond3A_11 {
      %mul3A_57 = arith.constant 640 : i32
      %mul3A_58 = arith.muli %arg1, %mul3A_57 : i32
      %mul3A_59 = arith.constant 640 : i32
      %mul3A_60 = arith.muli %arg1, %mul3A_59 : i32
      "tpu.region"() ({
        %run_scoped3A = tpu.sem_alloc : memref<!tpu.dma_semaphore, #tpu.memory_space<semaphore_mem>>
        %dma_start3A_61 = arith.constant 0 : i32
        %dma_start3A_62 = tpu.memref_slice %arg12[%mul3A_60, %dma_start3A_61] : memref<10016x128xf32, #tpu.memory_space<vmem_shared>> -> memref<640x128xf32, #tpu.memory_space<vmem_shared>>
        %dma_start3A_63 = arith.constant 0 : i32
        %dma_start3A_64 = tpu.memref_slice %arg5[%mul3A_58, %dma_start3A_63] : memref<10000x128xf32, #tpu.memory_space<hbm>> -> memref<640x128xf32, #tpu.memory_space<hbm>>
        tpu.enqueue_dma source(%dma_start3A_64 : memref<640x128xf32, #tpu.memory_space<hbm>>) target(%dma_start3A_62 : memref<640x128xf32, #tpu.memory_space<vmem_shared>>) target_semaphore(%run_scoped3A : memref<!tpu.dma_semaphore, #tpu.memory_space<semaphore_mem>>)
        %dma_wait3A_65 = arith.constant 0 : i32
        %dma_wait3A_66 = tpu.memref_slice %arg12[%mul3A_60, %dma_wait3A_65] : memref<10016x128xf32, #tpu.memory_space<vmem_shared>> -> memref<640x128xf32, #tpu.memory_space<vmem_shared>>
        %dma_wait3A_67 = arith.constant 0 : i32
        %dma_wait3A_68 = tpu.memref_slice %arg5[%mul3A_58, %dma_wait3A_67] : memref<10000x128xf32, #tpu.memory_space<hbm>> -> memref<640x128xf32, #tpu.memory_space<hbm>>
        tpu.wait_dma2 semaphore(%run_scoped3A : memref<!tpu.dma_semaphore, #tpu.memory_space<semaphore_mem>>) src(%dma_wait3A_68 : memref<640x128xf32, #tpu.memory_space<hbm>>) dst(%dma_wait3A_66 : memref<640x128xf32, #tpu.memory_space<vmem_shared>>)
        tpu.yield
      }) : () -> ()
    } else {
    }
    %eq3A = arith.constant 15 : i32
    %eq3A_12 = arith.cmpi eq, %arg1, %eq3A : i32
    %convert_element_type3A_13 = arith.extui %eq3A_12 : i1 to i32
    %cond3A_14 = arith.constant 0 : i32
    %cond3A_15 = arith.cmpi ne, %convert_element_type3A_13, %cond3A_14 : i32
    scf.if %cond3A_15 {
      "tpu.region"() ({
        %run_scoped3A = tpu.sem_alloc : memref<!tpu.dma_semaphore, #tpu.memory_space<semaphore_mem>>
        %dma_start3A_57 = arith.constant 9600 : i32
        %dma_start3A_58 = arith.constant 0 : i32
        %dma_start3A_59 = tpu.memref_slice %arg12[%dma_start3A_57, %dma_start3A_58] : memref<10016x128xf32, #tpu.memory_space<vmem_shared>> -> memref<400x128xf32, #tpu.memory_space<vmem_shared>>
        %dma_start3A_60 = arith.constant 9600 : i32
        %dma_start3A_61 = arith.constant 0 : i32
        %dma_start3A_62 = tpu.memref_slice %arg5[%dma_start3A_60, %dma_start3A_61] : memref<10000x128xf32, #tpu.memory_space<hbm>> -> memref<400x128xf32, #tpu.memory_space<hbm>>
        tpu.enqueue_dma source(%dma_start3A_62 : memref<400x128xf32, #tpu.memory_space<hbm>>) target(%dma_start3A_59 : memref<400x128xf32, #tpu.memory_space<vmem_shared>>) target_semaphore(%run_scoped3A : memref<!tpu.dma_semaphore, #tpu.memory_space<semaphore_mem>>)
        %dma_wait3A_63 = arith.constant 9600 : i32
        %dma_wait3A_64 = arith.constant 0 : i32
        %dma_wait3A_65 = tpu.memref_slice %arg12[%dma_wait3A_63, %dma_wait3A_64] : memref<10016x128xf32, #tpu.memory_space<vmem_shared>> -> memref<400x128xf32, #tpu.memory_space<vmem_shared>>
        %dma_wait3A_66 = arith.constant 9600 : i32
        %dma_wait3A_67 = arith.constant 0 : i32
        %dma_wait3A_68 = tpu.memref_slice %arg5[%dma_wait3A_66, %dma_wait3A_67] : memref<10000x128xf32, #tpu.memory_space<hbm>> -> memref<400x128xf32, #tpu.memory_space<hbm>>
        tpu.wait_dma2 semaphore(%run_scoped3A : memref<!tpu.dma_semaphore, #tpu.memory_space<semaphore_mem>>) src(%dma_wait3A_68 : memref<400x128xf32, #tpu.memory_space<hbm>>) dst(%dma_wait3A_65 : memref<400x128xf32, #tpu.memory_space<vmem_shared>>)
        tpu.yield
      }) : () -> ()
    } else {
    }
    %barrier3A = arith.constant 0 : index
    tpu.barrier barrier_id(%barrier3A)
    %add3A_16 = arith.constant 0 : i32
    %add3A_17 = arith.addi %mul3A_4, %add3A_16 : i32
    %dma_wait3A = tpu.memref_slice %arg3[%add3A_17] : memref<323584xi32, #tpu.memory_space<hbm>> -> memref<128xi32, #tpu.memory_space<hbm>>
    %dma_wait3A_18 = tpu.memref_slice %arg3[%add3A_17] : memref<323584xi32, #tpu.memory_space<hbm>> -> memref<128xi32, #tpu.memory_space<hbm>>
    tpu.wait_dma2 semaphore(%arg13 : memref<!tpu.dma_semaphore, #tpu.memory_space<semaphore_mem>>) src(%dma_wait3A_18 : memref<128xi32, #tpu.memory_space<hbm>>) dst(%arg7 : memref<128xi32, #tpu.memory_space<vmem>>)
    %dma_wait3A_19 = tpu.memref_slice %arg4[%add3A_17] : memref<323584xi32, #tpu.memory_space<hbm>> -> memref<128xi32, #tpu.memory_space<hbm>>
    %dma_wait3A_20 = tpu.memref_slice %arg4[%add3A_17] : memref<323584xi32, #tpu.memory_space<hbm>> -> memref<128xi32, #tpu.memory_space<hbm>>
    tpu.wait_dma2 semaphore(%arg13 : memref<!tpu.dma_semaphore, #tpu.memory_space<semaphore_mem>>) src(%dma_wait3A_20 : memref<128xi32, #tpu.memory_space<hbm>>) dst(%arg9 : memref<128xi32, #tpu.memory_space<vmem>>)
    %dma_start3A_21 = arith.constant 0 : i32
    %dma_start3A_22 = arith.constant 0 : i32
    %dma_start3A_23 = tpu.memref_slice %arg11[%dma_start3A_21, %dma_start3A_22] : memref<256x128xf32, #tpu.memory_space<vmem>> -> memref<128x128xf32, #tpu.memory_space<vmem>>
    %dma_start3A_24 = arith.constant 0 : i32
    %dma_start3A_25 = arith.constant 0 : i32
    %dma_start3A_26 = tpu.memref_slice %arg2[%dma_start3A_24, %dma_start3A_25] : memref<10000x128xf32, #tpu.memory_space<hbm>> -> memref<10000x128xf32, #tpu.memory_space<hbm>>
    tpu.enqueue_indirect_dma source(%dma_start3A_26 : memref<10000x128xf32, #tpu.memory_space<hbm>>) target(%dma_start3A_23 : memref<128x128xf32, #tpu.memory_space<vmem>>) offsets(%arg7 : memref<128xi32, #tpu.memory_space<vmem>>) semaphore(%arg15 : memref<!tpu.dma_semaphore, #tpu.memory_space<semaphore_mem>>)
    %add3A_27 = arith.constant 128 : i32
    %add3A_28 = arith.addi %mul3A_4, %add3A_27 : i32
    %dma_start3A_29 = tpu.memref_slice %arg3[%add3A_28] : memref<323584xi32, #tpu.memory_space<hbm>> -> memref<128xi32, #tpu.memory_space<hbm>>
    %dma_start3A_30 = tpu.memref_slice %arg3[%add3A_28] : memref<323584xi32, #tpu.memory_space<hbm>> -> memref<128xi32, #tpu.memory_space<hbm>>
    tpu.enqueue_dma source(%dma_start3A_30 : memref<128xi32, #tpu.memory_space<hbm>>) target(%arg8 : memref<128xi32, #tpu.memory_space<vmem>>) target_semaphore(%arg14 : memref<!tpu.dma_semaphore, #tpu.memory_space<semaphore_mem>>)
    %dma_start3A_31 = tpu.memref_slice %arg4[%add3A_28] : memref<323584xi32, #tpu.memory_space<hbm>> -> memref<128xi32, #tpu.memory_space<hbm>>
    %dma_start3A_32 = tpu.memref_slice %arg4[%add3A_28] : memref<323584xi32, #tpu.memory_space<hbm>> -> memref<128xi32, #tpu.memory_space<hbm>>
    tpu.enqueue_dma source(%dma_start3A_32 : memref<128xi32, #tpu.memory_space<hbm>>) target(%arg10 : memref<128xi32, #tpu.memory_space<vmem>>) target_semaphore(%arg14 : memref<!tpu.dma_semaphore, #tpu.memory_space<semaphore_mem>>)
    %scan3A = arith.constant 0 : i32
    %scan3A_33 = arith.constant 0 : i32
    %scan3A_34 = arith.constant 39 : i32
    %scan3A_35 = arith.addi %scan3A_33, %scan3A_34 : i32
    %scan3A_36 = arith.constant 1 : i32
    scf.for %scan3A_57 = %scan3A_33 to %scan3A_35 step %scan3A_36  : i32 {
      %mul3A_58 = arith.constant 2 : i32
      %mul3A_59 = arith.muli %scan3A_57, %mul3A_58 : i32
      %dma_wait3A_60 = arith.constant 0 : i32
      %dma_wait3A_61 = arith.constant 0 : i32
      %dma_wait3A_62 = tpu.memref_slice %arg11[%dma_wait3A_60, %dma_wait3A_61] : memref<256x128xf32, #tpu.memory_space<vmem>> -> memref<128x128xf32, #tpu.memory_space<vmem>>
      %dma_wait3A_63 = arith.constant 0 : i32
      %dma_wait3A_64 = arith.constant 0 : i32
      %dma_wait3A_65 = tpu.memref_slice %arg2[%dma_wait3A_63, %dma_wait3A_64] : memref<10000x128xf32, #tpu.memory_space<hbm>> -> memref<10000x128xf32, #tpu.memory_space<hbm>>
      tpu.wait_indirect_dma semaphore(%arg15 : memref<!tpu.dma_semaphore, #tpu.memory_space<semaphore_mem>>) src(%dma_wait3A_65 : memref<10000x128xf32, #tpu.memory_space<hbm>>) dst(%dma_wait3A_62 : memref<128x128xf32, #tpu.memory_space<vmem>>)
      %add3A_66 = arith.constant 1 : i32
      %add3A_67 = arith.addi %mul3A_59, %add3A_66 : i32
      %lt3A_68 = arith.constant 79 : i32
      %lt3A_69 = arith.cmpi slt, %add3A_67, %lt3A_68 : i32
      %convert_element_type3A_70 = arith.extui %lt3A_69 : i1 to i32
      %cond3A_71 = arith.constant 0 : i32
      %cond3A_72 = arith.cmpi ne, %convert_element_type3A_70, %cond3A_71 : i32
      scf.if %cond3A_72 {
        %add3A_104 = arith.constant 1 : i32
        %add3A_105 = arith.addi %mul3A_59, %add3A_104 : i32
        %mul3A_106 = arith.constant 128 : i32
        %mul3A_107 = arith.muli %add3A_105, %mul3A_106 : i32
        %add3A_108 = arith.addi %mul3A_4, %mul3A_107 : i32
        %dma_wait3A_109 = tpu.memref_slice %arg3[%add3A_108] : memref<323584xi32, #tpu.memory_space<hbm>> -> memref<128xi32, #tpu.memory_space<hbm>>
        %dma_wait3A_110 = tpu.memref_slice %arg3[%add3A_108] : memref<323584xi32, #tpu.memory_space<hbm>> -> memref<128xi32, #tpu.memory_space<hbm>>
        tpu.wait_dma2 semaphore(%arg14 : memref<!tpu.dma_semaphore, #tpu.memory_space<semaphore_mem>>) src(%dma_wait3A_110 : memref<128xi32, #tpu.memory_space<hbm>>) dst(%arg8 : memref<128xi32, #tpu.memory_space<vmem>>)
        %dma_wait3A_111 = tpu.memref_slice %arg4[%add3A_108] : memref<323584xi32, #tpu.memory_space<hbm>> -> memref<128xi32, #tpu.memory_space<hbm>>
        %dma_wait3A_112 = tpu.memref_slice %arg4[%add3A_108] : memref<323584xi32, #tpu.memory_space<hbm>> -> memref<128xi32, #tpu.memory_space<hbm>>
        tpu.wait_dma2 semaphore(%arg14 : memref<!tpu.dma_semaphore, #tpu.memory_space<semaphore_mem>>) src(%dma_wait3A_112 : memref<128xi32, #tpu.memory_space<hbm>>) dst(%arg10 : memref<128xi32, #tpu.memory_space<vmem>>)
        %dma_start3A_113 = arith.constant 128 : i32
        %dma_start3A_114 = arith.constant 0 : i32
        %dma_start3A_115 = tpu.memref_slice %arg11[%dma_start3A_113, %dma_start3A_114] : memref<256x128xf32, #tpu.memory_space<vmem>> -> memref<128x128xf32, #tpu.memory_space<vmem>>
        %dma_start3A_116 = arith.constant 0 : i32
        %dma_start3A_117 = arith.constant 0 : i32
        %dma_start3A_118 = tpu.memref_slice %arg2[%dma_start3A_116, %dma_start3A_117] : memref<10000x128xf32, #tpu.memory_space<hbm>> -> memref<10000x128xf32, #tpu.memory_space<hbm>>
        tpu.enqueue_indirect_dma source(%dma_start3A_118 : memref<10000x128xf32, #tpu.memory_space<hbm>>) target(%dma_start3A_115 : memref<128x128xf32, #tpu.memory_space<vmem>>) offsets(%arg8 : memref<128xi32, #tpu.memory_space<vmem>>) semaphore(%arg16 : memref<!tpu.dma_semaphore, #tpu.memory_space<semaphore_mem>>)
      } else {
      }
      "tpu.region"() ({
        %run_scoped3A = tpu.sem_alloc : memref<!tpu.dma_semaphore, #tpu.memory_space<semaphore_mem>>
        %dma_start3A_104 = arith.constant 0 : i32
        %dma_start3A_105 = arith.constant 0 : i32
        %dma_start3A_106 = tpu.memref_slice %arg11[%dma_start3A_104, %dma_start3A_105] : memref<256x128xf32, #tpu.memory_space<vmem>> -> memref<128x128xf32, #tpu.memory_space<vmem>>
        %dma_start3A_107 = arith.constant 0 : i32
        %dma_start3A_108 = arith.constant 0 : i32
        %dma_start3A_109 = tpu.memref_slice %arg12[%dma_start3A_107, %dma_start3A_108] : memref<10016x128xf32, #tpu.memory_space<vmem_shared>> -> memref<10016x128xf32, #tpu.memory_space<vmem_shared>>
        tpu.enqueue_indirect_dma source(%dma_start3A_106 : memref<128x128xf32, #tpu.memory_space<vmem>>) target(%dma_start3A_109 : memref<10016x128xf32, #tpu.memory_space<vmem_shared>>) offsets(%arg9 : memref<128xi32, #tpu.memory_space<vmem>>) semaphore(%run_scoped3A : memref<!tpu.dma_semaphore, #tpu.memory_space<semaphore_mem>>) {add = true}
        %dma_wait3A_110 = arith.constant 0 : i32
        %dma_wait3A_111 = arith.constant 0 : i32
        %dma_wait3A_112 = tpu.memref_slice %arg11[%dma_wait3A_110, %dma_wait3A_111] : memref<256x128xf32, #tpu.memory_space<vmem>> -> memref<128x128xf32, #tpu.memory_space<vmem>>
        %dma_wait3A_113 = arith.constant 0 : i32
        %dma_wait3A_114 = arith.constant 0 : i32
        %dma_wait3A_115 = tpu.memref_slice %arg12[%dma_wait3A_113, %dma_wait3A_114] : memref<10016x128xf32, #tpu.memory_space<vmem_shared>> -> memref<10016x128xf32, #tpu.memory_space<vmem_shared>>
        tpu.wait_indirect_dma semaphore(%run_scoped3A : memref<!tpu.dma_semaphore, #tpu.memory_space<semaphore_mem>>) src(%dma_wait3A_112 : memref<128x128xf32, #tpu.memory_space<vmem>>) dst(%dma_wait3A_115 : memref<10016x128xf32, #tpu.memory_space<vmem_shared>>)
        tpu.yield
      }) : () -> ()
      %add3A_73 = arith.constant 2 : i32
      %add3A_74 = arith.addi %mul3A_59, %add3A_73 : i32
      %lt3A_75 = arith.constant 79 : i32
      %lt3A_76 = arith.cmpi slt, %add3A_74, %lt3A_75 : i32
      %convert_element_type3A_77 = arith.extui %lt3A_76 : i1 to i32
      %cond3A_78 = arith.constant 0 : i32
      %cond3A_79 = arith.cmpi ne, %convert_element_type3A_77, %cond3A_78 : i32
      scf.if %cond3A_79 {
        %add3A_104 = arith.constant 2 : i32
        %add3A_105 = arith.addi %mul3A_59, %add3A_104 : i32
        %mul3A_106 = arith.constant 128 : i32
        %mul3A_107 = arith.muli %add3A_105, %mul3A_106 : i32
        %add3A_108 = arith.addi %mul3A_4, %mul3A_107 : i32
        %dma_start3A_109 = tpu.memref_slice %arg3[%add3A_108] : memref<323584xi32, #tpu.memory_space<hbm>> -> memref<128xi32, #tpu.memory_space<hbm>>
        %dma_start3A_110 = tpu.memref_slice %arg3[%add3A_108] : memref<323584xi32, #tpu.memory_space<hbm>> -> memref<128xi32, #tpu.memory_space<hbm>>
        tpu.enqueue_dma source(%dma_start3A_110 : memref<128xi32, #tpu.memory_space<hbm>>) target(%arg7 : memref<128xi32, #tpu.memory_space<vmem>>) target_semaphore(%arg13 : memref<!tpu.dma_semaphore, #tpu.memory_space<semaphore_mem>>)
        %dma_start3A_111 = tpu.memref_slice %arg4[%add3A_108] : memref<323584xi32, #tpu.memory_space<hbm>> -> memref<128xi32, #tpu.memory_space<hbm>>
        %dma_start3A_112 = tpu.memref_slice %arg4[%add3A_108] : memref<323584xi32, #tpu.memory_space<hbm>> -> memref<128xi32, #tpu.memory_space<hbm>>
        tpu.enqueue_dma source(%dma_start3A_112 : memref<128xi32, #tpu.memory_space<hbm>>) target(%arg9 : memref<128xi32, #tpu.memory_space<vmem>>) target_semaphore(%arg13 : memref<!tpu.dma_semaphore, #tpu.memory_space<semaphore_mem>>)
      } else {
      }
      %mul3A_80 = arith.constant 2 : i32
      %mul3A_81 = arith.muli %scan3A_57, %mul3A_80 : i32
      %add3A_82 = arith.constant 1 : i32
      %add3A_83 = arith.addi %mul3A_81, %add3A_82 : i32
      %dma_wait3A_84 = arith.constant 128 : i32
      %dma_wait3A_85 = arith.constant 0 : i32
      %dma_wait3A_86 = tpu.memref_slice %arg11[%dma_wait3A_84, %dma_wait3A_85] : memref<256x128xf32, #tpu.memory_space<vmem>> -> memref<128x128xf32, #tpu.memory_space<vmem>>
      %dma_wait3A_87 = arith.constant 0 : i32
      %dma_wait3A_88 = arith.constant 0 : i32
      %dma_wait3A_89 = tpu.memref_slice %arg2[%dma_wait3A_87, %dma_wait3A_88] : memref<10000x128xf32, #tpu.memory_space<hbm>> -> memref<10000x128xf32, #tpu.memory_space<hbm>>
      tpu.wait_indirect_dma semaphore(%arg16 : memref<!tpu.dma_semaphore, #tpu.memory_space<semaphore_mem>>) src(%dma_wait3A_89 : memref<10000x128xf32, #tpu.memory_space<hbm>>) dst(%dma_wait3A_86 : memref<128x128xf32, #tpu.memory_space<vmem>>)
      %add3A_90 = arith.constant 1 : i32
      %add3A_91 = arith.addi %add3A_83, %add3A_90 : i32
      %lt3A_92 = arith.constant 79 : i32
      %lt3A_93 = arith.cmpi slt, %add3A_91, %lt3A_92 : i32
      %convert_element_type3A_94 = arith.extui %lt3A_93 : i1 to i32
      %cond3A_95 = arith.constant 0 : i32
      %cond3A_96 = arith.cmpi ne, %convert_element_type3A_94, %cond3A_95 : i32
      scf.if %cond3A_96 {
        %add3A_104 = arith.constant 1 : i32
        %add3A_105 = arith.addi %add3A_83, %add3A_104 : i32
        %mul3A_106 = arith.constant 128 : i32
        %mul3A_107 = arith.muli %add3A_105, %mul3A_106 : i32
        %add3A_108 = arith.addi %mul3A_4, %mul3A_107 : i32
        %dma_wait3A_109 = tpu.memref_slice %arg3[%add3A_108] : memref<323584xi32, #tpu.memory_space<hbm>> -> memref<128xi32, #tpu.memory_space<hbm>>
        %dma_wait3A_110 = tpu.memref_slice %arg3[%add3A_108] : memref<323584xi32, #tpu.memory_space<hbm>> -> memref<128xi32, #tpu.memory_space<hbm>>
        tpu.wait_dma2 semaphore(%arg13 : memref<!tpu.dma_semaphore, #tpu.memory_space<semaphore_mem>>) src(%dma_wait3A_110 : memref<128xi32, #tpu.memory_space<hbm>>) dst(%arg7 : memref<128xi32, #tpu.memory_space<vmem>>)
        %dma_wait3A_111 = tpu.memref_slice %arg4[%add3A_108] : memref<323584xi32, #tpu.memory_space<hbm>> -> memref<128xi32, #tpu.memory_space<hbm>>
        %dma_wait3A_112 = tpu.memref_slice %arg4[%add3A_108] : memref<323584xi32, #tpu.memory_space<hbm>> -> memref<128xi32, #tpu.memory_space<hbm>>
        tpu.wait_dma2 semaphore(%arg13 : memref<!tpu.dma_semaphore, #tpu.memory_space<semaphore_mem>>) src(%dma_wait3A_112 : memref<128xi32, #tpu.memory_space<hbm>>) dst(%arg9 : memref<128xi32, #tpu.memory_space<vmem>>)
        %dma_start3A_113 = arith.constant 0 : i32
        %dma_start3A_114 = arith.constant 0 : i32
        %dma_start3A_115 = tpu.memref_slice %arg11[%dma_start3A_113, %dma_start3A_114] : memref<256x128xf32, #tpu.memory_space<vmem>> -> memref<128x128xf32, #tpu.memory_space<vmem>>
        %dma_start3A_116 = arith.constant 0 : i32
        %dma_start3A_117 = arith.constant 0 : i32
        %dma_start3A_118 = tpu.memref_slice %arg2[%dma_start3A_116, %dma_start3A_117] : memref<10000x128xf32, #tpu.memory_space<hbm>> -> memref<10000x128xf32, #tpu.memory_space<hbm>>
        tpu.enqueue_indirect_dma source(%dma_start3A_118 : memref<10000x128xf32, #tpu.memory_space<hbm>>) target(%dma_start3A_115 : memref<128x128xf32, #tpu.memory_space<vmem>>) offsets(%arg7 : memref<128xi32, #tpu.memory_space<vmem>>) semaphore(%arg15 : memref<!tpu.dma_semaphore, #tpu.memory_space<semaphore_mem>>)
      } else {
      }
      "tpu.region"() ({
        %run_scoped3A = tpu.sem_alloc : memref<!tpu.dma_semaphore, #tpu.memory_space<semaphore_mem>>
        %dma_start3A_104 = arith.constant 128 : i32
        %dma_start3A_105 = arith.constant 0 : i32
        %dma_start3A_106 = tpu.memref_slice %arg11[%dma_start3A_104, %dma_start3A_105] : memref<256x128xf32, #tpu.memory_space<vmem>> -> memref<128x128xf32, #tpu.memory_space<vmem>>
        %dma_start3A_107 = arith.constant 0 : i32
        %dma_start3A_108 = arith.constant 0 : i32
        %dma_start3A_109 = tpu.memref_slice %arg12[%dma_start3A_107, %dma_start3A_108] : memref<10016x128xf32, #tpu.memory_space<vmem_shared>> -> memref<10016x128xf32, #tpu.memory_space<vmem_shared>>
        tpu.enqueue_indirect_dma source(%dma_start3A_106 : memref<128x128xf32, #tpu.memory_space<vmem>>) target(%dma_start3A_109 : memref<10016x128xf32, #tpu.memory_space<vmem_shared>>) offsets(%arg10 : memref<128xi32, #tpu.memory_space<vmem>>) semaphore(%run_scoped3A : memref<!tpu.dma_semaphore, #tpu.memory_space<semaphore_mem>>) {add = true}
        %dma_wait3A_110 = arith.constant 128 : i32
        %dma_wait3A_111 = arith.constant 0 : i32
        %dma_wait3A_112 = tpu.memref_slice %arg11[%dma_wait3A_110, %dma_wait3A_111] : memref<256x128xf32, #tpu.memory_space<vmem>> -> memref<128x128xf32, #tpu.memory_space<vmem>>
        %dma_wait3A_113 = arith.constant 0 : i32
        %dma_wait3A_114 = arith.constant 0 : i32
        %dma_wait3A_115 = tpu.memref_slice %arg12[%dma_wait3A_113, %dma_wait3A_114] : memref<10016x128xf32, #tpu.memory_space<vmem_shared>> -> memref<10016x128xf32, #tpu.memory_space<vmem_shared>>
        tpu.wait_indirect_dma semaphore(%run_scoped3A : memref<!tpu.dma_semaphore, #tpu.memory_space<semaphore_mem>>) src(%dma_wait3A_112 : memref<128x128xf32, #tpu.memory_space<vmem>>) dst(%dma_wait3A_115 : memref<10016x128xf32, #tpu.memory_space<vmem_shared>>)
        tpu.yield
      }) : () -> ()
      %add3A_97 = arith.constant 2 : i32
      %add3A_98 = arith.addi %add3A_83, %add3A_97 : i32
      %lt3A_99 = arith.constant 79 : i32
      %lt3A_100 = arith.cmpi slt, %add3A_98, %lt3A_99 : i32
      %convert_element_type3A_101 = arith.extui %lt3A_100 : i1 to i32
      %cond3A_102 = arith.constant 0 : i32
      %cond3A_103 = arith.cmpi ne, %convert_element_type3A_101, %cond3A_102 : i32
      scf.if %cond3A_103 {
        %add3A_104 = arith.constant 2 : i32
        %add3A_105 = arith.addi %add3A_83, %add3A_104 : i32
        %mul3A_106 = arith.constant 128 : i32
        %mul3A_107 = arith.muli %add3A_105, %mul3A_106 : i32
        %add3A_108 = arith.addi %mul3A_4, %mul3A_107 : i32
        %dma_start3A_109 = tpu.memref_slice %arg3[%add3A_108] : memref<323584xi32, #tpu.memory_space<hbm>> -> memref<128xi32, #tpu.memory_space<hbm>>
        %dma_start3A_110 = tpu.memref_slice %arg3[%add3A_108] : memref<323584xi32, #tpu.memory_space<hbm>> -> memref<128xi32, #tpu.memory_space<hbm>>
        tpu.enqueue_dma source(%dma_start3A_110 : memref<128xi32, #tpu.memory_space<hbm>>) target(%arg8 : memref<128xi32, #tpu.memory_space<vmem>>) target_semaphore(%arg14 : memref<!tpu.dma_semaphore, #tpu.memory_space<semaphore_mem>>)
        %dma_start3A_111 = tpu.memref_slice %arg4[%add3A_108] : memref<323584xi32, #tpu.memory_space<hbm>> -> memref<128xi32, #tpu.memory_space<hbm>>
        %dma_start3A_112 = tpu.memref_slice %arg4[%add3A_108] : memref<323584xi32, #tpu.memory_space<hbm>> -> memref<128xi32, #tpu.memory_space<hbm>>
        tpu.enqueue_dma source(%dma_start3A_112 : memref<128xi32, #tpu.memory_space<hbm>>) target(%arg10 : memref<128xi32, #tpu.memory_space<vmem>>) target_semaphore(%arg14 : memref<!tpu.dma_semaphore, #tpu.memory_space<semaphore_mem>>)
      } else {
      }
    }
    %scan3A_37 = arith.constant 39 : i32
    %dma_wait3A_38 = arith.constant 0 : i32
    %dma_wait3A_39 = arith.constant 0 : i32
    %dma_wait3A_40 = tpu.memref_slice %arg11[%dma_wait3A_38, %dma_wait3A_39] : memref<256x128xf32, #tpu.memory_space<vmem>> -> memref<128x128xf32, #tpu.memory_space<vmem>>
    %dma_wait3A_41 = arith.constant 0 : i32
    %dma_wait3A_42 = arith.constant 0 : i32
    %dma_wait3A_43 = tpu.memref_slice %arg2[%dma_wait3A_41, %dma_wait3A_42] : memref<10000x128xf32, #tpu.memory_space<hbm>> -> memref<10000x128xf32, #tpu.memory_space<hbm>>
    tpu.wait_indirect_dma semaphore(%arg15 : memref<!tpu.dma_semaphore, #tpu.memory_space<semaphore_mem>>) src(%dma_wait3A_43 : memref<10000x128xf32, #tpu.memory_space<hbm>>) dst(%dma_wait3A_40 : memref<128x128xf32, #tpu.memory_space<vmem>>)
    "tpu.region"() ({
      %run_scoped3A = tpu.sem_alloc : memref<!tpu.dma_semaphore, #tpu.memory_space<semaphore_mem>>
      %dma_start3A_57 = arith.constant 0 : i32
      %dma_start3A_58 = arith.constant 0 : i32
      %dma_start3A_59 = tpu.memref_slice %arg11[%dma_start3A_57, %dma_start3A_58] : memref<256x128xf32, #tpu.memory_space<vmem>> -> memref<128x128xf32, #tpu.memory_space<vmem>>
      %dma_start3A_60 = arith.constant 0 : i32
      %dma_start3A_61 = arith.constant 0 : i32
      %dma_start3A_62 = tpu.memref_slice %arg12[%dma_start3A_60, %dma_start3A_61] : memref<10016x128xf32, #tpu.memory_space<vmem_shared>> -> memref<10016x128xf32, #tpu.memory_space<vmem_shared>>
      tpu.enqueue_indirect_dma source(%dma_start3A_59 : memref<128x128xf32, #tpu.memory_space<vmem>>) target(%dma_start3A_62 : memref<10016x128xf32, #tpu.memory_space<vmem_shared>>) offsets(%arg9 : memref<128xi32, #tpu.memory_space<vmem>>) semaphore(%run_scoped3A : memref<!tpu.dma_semaphore, #tpu.memory_space<semaphore_mem>>) {add = true}
      %dma_wait3A_63 = arith.constant 0 : i32
      %dma_wait3A_64 = arith.constant 0 : i32
      %dma_wait3A_65 = tpu.memref_slice %arg11[%dma_wait3A_63, %dma_wait3A_64] : memref<256x128xf32, #tpu.memory_space<vmem>> -> memref<128x128xf32, #tpu.memory_space<vmem>>
      %dma_wait3A_66 = arith.constant 0 : i32
      %dma_wait3A_67 = arith.constant 0 : i32
      %dma_wait3A_68 = tpu.memref_slice %arg12[%dma_wait3A_66, %dma_wait3A_67] : memref<10016x128xf32, #tpu.memory_space<vmem_shared>> -> memref<10016x128xf32, #tpu.memory_space<vmem_shared>>
      tpu.wait_indirect_dma semaphore(%run_scoped3A : memref<!tpu.dma_semaphore, #tpu.memory_space<semaphore_mem>>) src(%dma_wait3A_65 : memref<128x128xf32, #tpu.memory_space<vmem>>) dst(%dma_wait3A_68 : memref<10016x128xf32, #tpu.memory_space<vmem_shared>>)
      tpu.yield
    }) : () -> ()
    %barrier3A_44 = arith.constant 0 : index
    tpu.barrier barrier_id(%barrier3A_44)
    %mul3A_45 = arith.constant 10000 : i32
    %mul3A_46 = arith.muli %arg0, %mul3A_45 : i32
    %lt3A_47 = arith.constant 15 : i32
    %lt3A_48 = arith.cmpi slt, %arg1, %lt3A_47 : i32
    %convert_element_type3A_49 = arith.extui %lt3A_48 : i1 to i32
    %cond3A_50 = arith.constant 0 : i32
    %cond3A_51 = arith.cmpi ne, %convert_element_type3A_49, %cond3A_50 : i32
    scf.if %cond3A_51 {
      %mul3A_57 = arith.constant 640 : i32
      %mul3A_58 = arith.muli %arg1, %mul3A_57 : i32
      %mul3A_59 = arith.constant 640 : i32
      %mul3A_60 = arith.muli %arg1, %mul3A_59 : i32
      %add3A_61 = arith.addi %mul3A_46, %mul3A_60 : i32
      "tpu.region"() ({
        %run_scoped3A = tpu.sem_alloc : memref<!tpu.dma_semaphore, #tpu.memory_space<semaphore_mem>>
        %dma_start3A_62 = arith.constant 0 : i32
        %dma_start3A_63 = tpu.memref_slice %arg6[%add3A_61, %dma_start3A_62] : memref<20000x128xf32, #tpu.memory_space<hbm>> -> memref<640x128xf32, #tpu.memory_space<hbm>>
        %dma_start3A_64 = arith.constant 0 : i32
        %dma_start3A_65 = tpu.memref_slice %arg12[%mul3A_58, %dma_start3A_64] : memref<10016x128xf32, #tpu.memory_space<vmem_shared>> -> memref<640x128xf32, #tpu.memory_space<vmem_shared>>
        tpu.enqueue_dma source(%dma_start3A_65 : memref<640x128xf32, #tpu.memory_space<vmem_shared>>) target(%dma_start3A_63 : memref<640x128xf32, #tpu.memory_space<hbm>>) target_semaphore(%run_scoped3A : memref<!tpu.dma_semaphore, #tpu.memory_space<semaphore_mem>>)
        %dma_wait3A_66 = arith.constant 0 : i32
        %dma_wait3A_67 = tpu.memref_slice %arg6[%add3A_61, %dma_wait3A_66] : memref<20000x128xf32, #tpu.memory_space<hbm>> -> memref<640x128xf32, #tpu.memory_space<hbm>>
        %dma_wait3A_68 = arith.constant 0 : i32
        %dma_wait3A_69 = tpu.memref_slice %arg12[%mul3A_58, %dma_wait3A_68] : memref<10016x128xf32, #tpu.memory_space<vmem_shared>> -> memref<640x128xf32, #tpu.memory_space<vmem_shared>>
        tpu.wait_dma2 semaphore(%run_scoped3A : memref<!tpu.dma_semaphore, #tpu.memory_space<semaphore_mem>>) src(%dma_wait3A_69 : memref<640x128xf32, #tpu.memory_space<vmem_shared>>) dst(%dma_wait3A_67 : memref<640x128xf32, #tpu.memory_space<hbm>>)
        tpu.yield
      }) : () -> ()
    } else {
    }
    %eq3A_52 = arith.constant 15 : i32
    %eq3A_53 = arith.cmpi eq, %arg1, %eq3A_52 : i32
    %convert_element_type3A_54 = arith.extui %eq3A_53 : i1 to i32
    %cond3A_55 = arith.constant 0 : i32
    %cond3A_56 = arith.cmpi ne, %convert_element_type3A_54, %cond3A_55 : i32
    scf.if %cond3A_56 {
      %add3A_57 = arith.constant 9600 : i32
      %add3A_58 = arith.addi %mul3A_46, %add3A_57 : i32
      "tpu.region"() ({
        %run_scoped3A = tpu.sem_alloc : memref<!tpu.dma_semaphore, #tpu.memory_space<semaphore_mem>>
        %dma_start3A_59 = arith.constant 0 : i32
        %dma_start3A_60 = tpu.memref_slice %arg6[%add3A_58, %dma_start3A_59] : memref<20000x128xf32, #tpu.memory_space<hbm>> -> memref<400x128xf32, #tpu.memory_space<hbm>>
        %dma_start3A_61 = arith.constant 9600 : i32
        %dma_start3A_62 = arith.constant 0 : i32
        %dma_start3A_63 = tpu.memref_slice %arg12[%dma_start3A_61, %dma_start3A_62] : memref<10016x128xf32, #tpu.memory_space<vmem_shared>> -> memref<400x128xf32, #tpu.memory_space<vmem_shared>>
        tpu.enqueue_dma source(%dma_start3A_63 : memref<400x128xf32, #tpu.memory_space<vmem_shared>>) target(%dma_start3A_60 : memref<400x128xf32, #tpu.memory_space<hbm>>) target_semaphore(%run_scoped3A : memref<!tpu.dma_semaphore, #tpu.memory_space<semaphore_mem>>)
        %dma_wait3A_64 = arith.constant 0 : i32
        %dma_wait3A_65 = tpu.memref_slice %arg6[%add3A_58, %dma_wait3A_64] : memref<20000x128xf32, #tpu.memory_space<hbm>> -> memref<400x128xf32, #tpu.memory_space<hbm>>
        %dma_wait3A_66 = arith.constant 9600 : i32
        %dma_wait3A_67 = arith.constant 0 : i32
        %dma_wait3A_68 = tpu.memref_slice %arg12[%dma_wait3A_66, %dma_wait3A_67] : memref<10016x128xf32, #tpu.memory_space<vmem_shared>> -> memref<400x128xf32, #tpu.memory_space<vmem_shared>>
        tpu.wait_dma2 semaphore(%run_scoped3A : memref<!tpu.dma_semaphore, #tpu.memory_space<semaphore_mem>>) src(%dma_wait3A_68 : memref<400x128xf32, #tpu.memory_space<vmem_shared>>) dst(%dma_wait3A_65 : memref<400x128xf32, #tpu.memory_space<hbm>>)
        tpu.yield
      }) : () -> ()
    } else {
    }
    return
  }
}

module attributes {stable_mosaic.version = 14 : i64} {
  func.func @body(%arg0: i32, %arg1: memref<1000x128xf32, #tpu.memory_space<vmem>>, %arg2: memref<128x128xf32, #tpu.memory_space<vmem>>, %arg3: memref<1000x1xf32, #tpu.memory_space<vmem>>, %arg4: memref<1000x1xf32, #tpu.memory_space<vmem>>, %arg5: memref<1000x128xf32, #tpu.memory_space<vmem>>, %arg6: memref<1000x1xf32, #tpu.memory_space<vmem>>) attributes {dimension_semantics = [#tpu.dimension_semantics<arbitrary>], iteration_bounds = array<i64: 10>, scalar_prefetch = 0 : i64, scratch_operands = 0 : i64, tpu.core_type = #tpu.core_type<tc>, window_params = [{transform_indices = @transform_0, window_bounds = array<i64: 1000, 128>}, {pipeline_mode = #tpu.pipeline_mode<synchronous>, transform_indices = @transform_1, window_bounds = array<i64: 128, 128>}, {transform_indices = @transform_2, window_bounds = array<i64: 1000, 1>}, {transform_indices = @transform_3, window_bounds = array<i64: 1000, 1>}, {transform_indices = @transform_4, window_bounds = array<i64: 1000, 128>}, {transform_indices = @transform_5, window_bounds = array<i64: 1000, 1>}]} {
    %get3A = arith.constant 0 : index
    %get3A_0 = arith.constant 0 : index
    %get3A_1 = vector.load %arg3[%get3A, %get3A_0] : memref<1000x1xf32, #tpu.memory_space<vmem>>, vector<1000x1xf32>
    %get3A_2 = arith.constant 0 : index
    %get3A_3 = arith.constant 0 : index
    %get3A_4 = vector.load %arg4[%get3A_2, %get3A_3] : memref<1000x1xf32, #tpu.memory_space<vmem>>, vector<1000x1xf32>
    %add3A = arith.addf %get3A_1, %get3A_4 : vector<1000x1xf32>
    %add3A_5 = arith.constant 1.000000e+00 : f32
    %add3A_6 = vector.broadcast %add3A_5 : f32 to vector<1000x1xf32>
    %add3A_7 = arith.addf %add3A, %add3A_6 : vector<1000x1xf32>
    %rsqrt3A = math.rsqrt %add3A_7 : vector<1000x1xf32>
    %get3A_8 = arith.constant 0 : index
    %get3A_9 = arith.constant 0 : index
    %get3A_10 = vector.load %arg1[%get3A_8, %get3A_9] : memref<1000x128xf32, #tpu.memory_space<vmem>>, vector<1000x128xf32>
    %get3A_11 = arith.constant 0 : index
    %get3A_12 = arith.constant 0 : index
    %get3A_13 = vector.load %arg2[%get3A_11, %get3A_12] : memref<128x128xf32, #tpu.memory_space<vmem>>, vector<128x128xf32>
    %dot_general3A = arith.constant dense<0.000000e+00> : vector<1000x128xf32>
    %dot_general3A_14 = tpu.matmul %get3A_10, %get3A_13, %dot_general3A {dimension_numbers = #tpu.dot_dimension_numbers<[1], [0], [0], [1], [0, 0, 1, 1], [], []>, transpose_lhs_hint = false} : vector<1000x128xf32>, vector<128x128xf32>, vector<1000x128xf32> -> vector<1000x128xf32>
    %mul3A = vector.broadcast %rsqrt3A : vector<1000x1xf32> to vector<1000x128xf32>
    %mul3A_15 = arith.mulf %dot_general3A_14, %mul3A : vector<1000x128xf32>
    %swap3A = arith.constant 0 : index
    %swap3A_16 = arith.constant 0 : index
    %swap3A_17 = vector.load %arg5[%swap3A, %swap3A_16] : memref<1000x128xf32, #tpu.memory_space<vmem>>, vector<1000x128xf32>
    tpu.vector_store %arg5[%swap3A, %swap3A_16], %mul3A_15 {strides = array<i32>} : memref<1000x128xf32, #tpu.memory_space<vmem>>, vector<1000x128xf32>,
    %swap3A_18 = arith.constant 0 : index
    %swap3A_19 = arith.constant 0 : index
    %swap3A_20 = vector.load %arg6[%swap3A_18, %swap3A_19] : memref<1000x1xf32, #tpu.memory_space<vmem>>, vector<1000x1xf32>
    tpu.vector_store %arg6[%swap3A_18, %swap3A_19], %rsqrt3A {strides = array<i32>} : memref<1000x1xf32, #tpu.memory_space<vmem>>, vector<1000x1xf32>,
    return
  }
  func.func @transform_0(%arg0: i32) -> (i32, i32) {
    %c0_i32 = arith.constant 0 : i32
    %c0_i32_0 = arith.constant 0 : i32
    return %arg0, %c0_i32 : i32, i32
  }
  func.func @transform_1(%arg0: i32) -> (i32, i32) {
    %c0_i32 = arith.constant 0 : i32
    %c0_i32_0 = arith.constant 0 : i32
    %c0_i32_1 = arith.constant 0 : i32
    return %c0_i32, %c0_i32_0 : i32, i32
  }
  func.func @transform_2(%arg0: i32) -> (i32, i32) {
    %c0_i32 = arith.constant 0 : i32
    %c0_i32_0 = arith.constant 0 : i32
    return %arg0, %c0_i32 : i32, i32
  }
  func.func @transform_3(%arg0: i32) -> (i32, i32) {
    %c0_i32 = arith.constant 0 : i32
    %c0_i32_0 = arith.constant 0 : i32
    return %arg0, %c0_i32 : i32, i32
  }
  func.func @transform_4(%arg0: i32) -> (i32, i32) {
    %c0_i32 = arith.constant 0 : i32
    %c0_i32_0 = arith.constant 0 : i32
    return %arg0, %c0_i32 : i32, i32
  }
  func.func @transform_5(%arg0: i32) -> (i32, i32) {
    %c0_i32 = arith.constant 0 : i32
    %c0_i32_0 = arith.constant 0 : i32
    return %arg0, %c0_i32 : i32, i32
  }
}

module attributes {stable_mosaic.version = 14 : i64} {
  func.func @body(%arg0: i32, %arg1: memref<1000x128xf32, #tpu.memory_space<vmem>>, %arg2: memref<1000x128xf32, #tpu.memory_space<vmem>>, %arg3: memref<1000x128xf32, #tpu.memory_space<vmem>>, %arg4: memref<1000x1xf32, #tpu.memory_space<vmem>>, %arg5: memref<1x128xf32, #tpu.memory_space<vmem>>, %arg6: memref<128x128xf32, #tpu.memory_space<vmem>>, %arg7: memref<1000x128xf32, #tpu.memory_space<vmem>>) attributes {dimension_semantics = [#tpu.dimension_semantics<arbitrary>], iteration_bounds = array<i64: 10>, scalar_prefetch = 0 : i64, scratch_operands = 0 : i64, tpu.core_type = #tpu.core_type<tc>, window_params = [{transform_indices = @transform_0, window_bounds = array<i64: 1000, 128>}, {transform_indices = @transform_1, window_bounds = array<i64: 1000, 128>}, {transform_indices = @transform_2, window_bounds = array<i64: 1000, 128>}, {transform_indices = @transform_3, window_bounds = array<i64: 1000, 1>}, {pipeline_mode = #tpu.pipeline_mode<synchronous>, transform_indices = @transform_4, window_bounds = array<i64: 1, 128>}, {pipeline_mode = #tpu.pipeline_mode<synchronous>, transform_indices = @transform_5, window_bounds = array<i64: 128, 128>}, {transform_indices = @transform_6, window_bounds = array<i64: 1000, 128>}]} {
    %get3A = arith.constant 0 : index
    %get3A_0 = arith.constant 0 : index
    %get3A_1 = vector.load %arg1[%get3A, %get3A_0] : memref<1000x128xf32, #tpu.memory_space<vmem>>, vector<1000x128xf32>
    %get3A_2 = arith.constant 0 : index
    %get3A_3 = arith.constant 0 : index
    %get3A_4 = vector.load %arg2[%get3A_2, %get3A_3] : memref<1000x128xf32, #tpu.memory_space<vmem>>, vector<1000x128xf32>
    %add3A = arith.addf %get3A_1, %get3A_4 : vector<1000x128xf32>
    %get3A_5 = arith.constant 0 : index
    %get3A_6 = arith.constant 0 : index
    %get3A_7 = vector.load %arg3[%get3A_5, %get3A_6] : memref<1000x128xf32, #tpu.memory_space<vmem>>, vector<1000x128xf32>
    %add3A_8 = arith.addf %add3A, %get3A_7 : vector<1000x128xf32>
    %get3A_9 = arith.constant 0 : index
    %get3A_10 = arith.constant 0 : index
    %get3A_11 = vector.load %arg4[%get3A_9, %get3A_10] : memref<1000x1xf32, #tpu.memory_space<vmem>>, vector<1000x1xf32>
    %mul3A = vector.broadcast %get3A_11 : vector<1000x1xf32> to vector<1000x128xf32>
    %mul3A_12 = arith.mulf %mul3A, %add3A_8 : vector<1000x128xf32>
    %get3A_13 = arith.constant 0 : index
    %get3A_14 = arith.constant 0 : index
    %get3A_15 = vector.load %arg5[%get3A_13, %get3A_14] : memref<1x128xf32, #tpu.memory_space<vmem>>, vector<1x128xf32>
    %add3A_16 = vector.broadcast %get3A_15 : vector<1x128xf32> to vector<1000x128xf32>
    %add3A_17 = arith.addf %mul3A_12, %add3A_16 : vector<1000x128xf32>
    %max3A = arith.constant 0.000000e+00 : f32
    %max3A_18 = vector.broadcast %max3A : f32 to vector<1000x128xf32>
    %max3A_19 = arith.maximumf %add3A_17, %max3A_18 : vector<1000x128xf32>
    %get3A_20 = arith.constant 0 : index
    %get3A_21 = arith.constant 0 : index
    %get3A_22 = vector.load %arg4[%get3A_20, %get3A_21] : memref<1000x1xf32, #tpu.memory_space<vmem>>, vector<1000x1xf32>
    %get3A_23 = arith.constant 0 : index
    %get3A_24 = arith.constant 0 : index
    %get3A_25 = vector.load %arg6[%get3A_23, %get3A_24] : memref<128x128xf32, #tpu.memory_space<vmem>>, vector<128x128xf32>
    %dot_general3A = arith.constant dense<0.000000e+00> : vector<1000x128xf32>
    %dot_general3A_26 = tpu.matmul %max3A_19, %get3A_25, %dot_general3A {dimension_numbers = #tpu.dot_dimension_numbers<[1], [0], [0], [1], [0, 0, 1, 1], [], []>, transpose_lhs_hint = false} : vector<1000x128xf32>, vector<128x128xf32>, vector<1000x128xf32> -> vector<1000x128xf32>
    %mul3A_27 = vector.broadcast %get3A_22 : vector<1000x1xf32> to vector<1000x128xf32>
    %mul3A_28 = arith.mulf %mul3A_27, %dot_general3A_26 : vector<1000x128xf32>
    %swap3A = arith.constant 0 : index
    %swap3A_29 = arith.constant 0 : index
    %swap3A_30 = vector.load %arg7[%swap3A, %swap3A_29] : memref<1000x128xf32, #tpu.memory_space<vmem>>, vector<1000x128xf32>
    tpu.vector_store %arg7[%swap3A, %swap3A_29], %mul3A_28 {strides = array<i32>} : memref<1000x128xf32, #tpu.memory_space<vmem>>, vector<1000x128xf32>,
    return
  }
  func.func @transform_0(%arg0: i32) -> (i32, i32) {
    %c0_i32 = arith.constant 0 : i32
    %c0_i32_0 = arith.constant 0 : i32
    return %arg0, %c0_i32 : i32, i32
  }
  func.func @transform_1(%arg0: i32) -> (i32, i32) {
    %c0_i32 = arith.constant 0 : i32
    %c0_i32_0 = arith.constant 0 : i32
    return %arg0, %c0_i32 : i32, i32
  }
  func.func @transform_2(%arg0: i32) -> (i32, i32) {
    %c0_i32 = arith.constant 0 : i32
    %c0_i32_0 = arith.constant 0 : i32
    return %arg0, %c0_i32 : i32, i32
  }
  func.func @transform_3(%arg0: i32) -> (i32, i32) {
    %c0_i32 = arith.constant 0 : i32
    %c0_i32_0 = arith.constant 0 : i32
    return %arg0, %c0_i32 : i32, i32
  }
  func.func @transform_4(%arg0: i32) -> (i32, i32) {
    %c0_i32 = arith.constant 0 : i32
    %c0_i32_0 = arith.constant 0 : i32
    %c0_i32_1 = arith.constant 0 : i32
    return %c0_i32, %c0_i32_0 : i32, i32
  }
  func.func @transform_5(%arg0: i32) -> (i32, i32) {
    %c0_i32 = arith.constant 0 : i32
    %c0_i32_0 = arith.constant 0 : i32
    %c0_i32_1 = arith.constant 0 : i32
    return %c0_i32, %c0_i32_0 : i32, i32
  }
  func.func @transform_6(%arg0: i32) -> (i32, i32) {
    %c0_i32 = arith.constant 0 : i32
    %c0_i32_0 = arith.constant 0 : i32
    return %arg0, %c0_i32 : i32, i32
  }
}

module attributes {stable_mosaic.version = 14 : i64} {
  func.func @body(%arg0: i32, %arg1: memref<1000x128xf32, #tpu.memory_space<vmem>>, %arg2: memref<1000x128xf32, #tpu.memory_space<vmem>>, %arg3: memref<1000x128xf32, #tpu.memory_space<vmem>>, %arg4: memref<1000x1xf32, #tpu.memory_space<vmem>>, %arg5: memref<1x128xf32, #tpu.memory_space<vmem>>, %arg6: memref<1000x1xi32, #tpu.memory_space<vmem>>, %arg7: memref<16x128xf32, #tpu.memory_space<vmem>>, %arg8: memref<16x128xf32, #tpu.memory_space<vmem>>, %arg9: memref<16x1xf32, #tpu.memory_space<vmem>>) attributes {dimension_semantics = [#tpu.dimension_semantics<arbitrary>], iteration_bounds = array<i64: 10>, scalar_prefetch = 0 : i64, scratch_operands = 2 : i64, tpu.core_type = #tpu.core_type<tc>, window_params = [{transform_indices = @transform_0, window_bounds = array<i64: 1000, 128>}, {transform_indices = @transform_1, window_bounds = array<i64: 1000, 128>}, {transform_indices = @transform_2, window_bounds = array<i64: 1000, 128>}, {transform_indices = @transform_3, window_bounds = array<i64: 1000, 1>}, {pipeline_mode = #tpu.pipeline_mode<synchronous>, transform_indices = @transform_4, window_bounds = array<i64: 1, 128>}, {transform_indices = @transform_5, window_bounds = array<i64: 1000, 1>}, {pipeline_mode = #tpu.pipeline_mode<synchronous>, transform_indices = @transform_6, window_bounds = array<i64: 16, 128>}]} {
    %eq3A = arith.constant 0 : i32
    %eq3A_0 = arith.cmpi eq, %arg0, %eq3A : i32
    %convert_element_type3A = arith.extui %eq3A_0 : i1 to i32
    %cond3A = arith.constant 0 : i32
    %cond3A_1 = arith.cmpi ne, %convert_element_type3A, %cond3A : i32
    scf.if %cond3A_1 {
      %broadcast_in_dim3A_57 = arith.constant 0.000000e+00 : f32
      %broadcast_in_dim3A_58 = vector.broadcast %broadcast_in_dim3A_57 : f32 to vector<16x128xf32>
      %swap3A_59 = arith.constant 0 : index
      %swap3A_60 = arith.constant 0 : index
      %swap3A_61 = vector.load %arg8[%swap3A_59, %swap3A_60] : memref<16x128xf32, #tpu.memory_space<vmem>>, vector<16x128xf32>
      tpu.vector_store %arg8[%swap3A_59, %swap3A_60], %broadcast_in_dim3A_58 {strides = array<i32>} : memref<16x128xf32, #tpu.memory_space<vmem>>, vector<16x128xf32>,
      %broadcast_in_dim3A_62 = arith.constant 0.000000e+00 : f32
      %broadcast_in_dim3A_63 = vector.broadcast %broadcast_in_dim3A_62 : f32 to vector<16x1xf32>
      %swap3A_64 = arith.constant 0 : index
      %swap3A_65 = arith.constant 0 : index
      %swap3A_66 = vector.load %arg9[%swap3A_64, %swap3A_65] : memref<16x1xf32, #tpu.memory_space<vmem>>, vector<16x1xf32>
      tpu.vector_store %arg9[%swap3A_64, %swap3A_65], %broadcast_in_dim3A_63 {strides = array<i32>} : memref<16x1xf32, #tpu.memory_space<vmem>>, vector<16x1xf32>,
    } else {
    }
    %get3A = arith.constant 0 : index
    %get3A_2 = arith.constant 0 : index
    %get3A_3 = vector.load %arg1[%get3A, %get3A_2] : memref<1000x128xf32, #tpu.memory_space<vmem>>, vector<1000x128xf32>
    %get3A_4 = arith.constant 0 : index
    %get3A_5 = arith.constant 0 : index
    %get3A_6 = vector.load %arg2[%get3A_4, %get3A_5] : memref<1000x128xf32, #tpu.memory_space<vmem>>, vector<1000x128xf32>
    %add3A = arith.addf %get3A_3, %get3A_6 : vector<1000x128xf32>
    %get3A_7 = arith.constant 0 : index
    %get3A_8 = arith.constant 0 : index
    %get3A_9 = vector.load %arg3[%get3A_7, %get3A_8] : memref<1000x128xf32, #tpu.memory_space<vmem>>, vector<1000x128xf32>
    %add3A_10 = arith.addf %add3A, %get3A_9 : vector<1000x128xf32>
    %get3A_11 = arith.constant 0 : index
    %get3A_12 = arith.constant 0 : index
    %get3A_13 = vector.load %arg4[%get3A_11, %get3A_12] : memref<1000x1xf32, #tpu.memory_space<vmem>>, vector<1000x1xf32>
    %mul3A = vector.broadcast %get3A_13 : vector<1000x1xf32> to vector<1000x128xf32>
    %mul3A_14 = arith.mulf %mul3A, %add3A_10 : vector<1000x128xf32>
    %get3A_15 = arith.constant 0 : index
    %get3A_16 = arith.constant 0 : index
    %get3A_17 = vector.load %arg5[%get3A_15, %get3A_16] : memref<1x128xf32, #tpu.memory_space<vmem>>, vector<1x128xf32>
    %add3A_18 = vector.broadcast %get3A_17 : vector<1x128xf32> to vector<1000x128xf32>
    %add3A_19 = arith.addf %mul3A_14, %add3A_18 : vector<1000x128xf32>
    %get3A_20 = arith.constant 0 : index
    %get3A_21 = arith.constant 0 : index
    %get3A_22 = vector.load %arg6[%get3A_20, %get3A_21] : memref<1000x1xi32, #tpu.memory_space<vmem>>, vector<1000x1xi32>
    %iota3A = tpu.iota {dimensions = array<i32: 1>} : vector<1x16xi32>
    %eq3A_23 = vector.broadcast %get3A_22 : vector<1000x1xi32> to vector<1000x16xi32>
    %eq3A_24 = vector.broadcast %iota3A : vector<1x16xi32> to vector<1000x16xi32>
    %eq3A_25 = arith.cmpi eq, %eq3A_23, %eq3A_24 : vector<1000x16xi32>
    %convert_element_type3A_26 = arith.extui %eq3A_25 : vector<1000x16xi1> to vector<1000x16xi32>
    %convert_element_type3A_27 = arith.sitofp %convert_element_type3A_26 : vector<1000x16xi32> to vector<1000x16xf32>
    %get3A_28 = arith.constant 0 : index
    %get3A_29 = arith.constant 0 : index
    %get3A_30 = vector.load %arg8[%get3A_28, %get3A_29] : memref<16x128xf32, #tpu.memory_space<vmem>>, vector<16x128xf32>
    %dot_general3A = arith.constant dense<0.000000e+00> : vector<16x128xf32>
    %dot_general3A_31 = tpu.matmul %convert_element_type3A_27, %add3A_19, %dot_general3A {dimension_numbers = #tpu.dot_dimension_numbers<[0], [0], [1], [1], [0, 1, 1, 1], [], []>, transpose_lhs_hint = false} : vector<1000x16xf32>, vector<1000x128xf32>, vector<16x128xf32> -> vector<16x128xf32>
    %add3A_32 = arith.addf %get3A_30, %dot_general3A_31 : vector<16x128xf32>
    %swap3A = arith.constant 0 : index
    %swap3A_33 = arith.constant 0 : index
    %swap3A_34 = vector.load %arg8[%swap3A, %swap3A_33] : memref<16x128xf32, #tpu.memory_space<vmem>>, vector<16x128xf32>
    tpu.vector_store %arg8[%swap3A, %swap3A_33], %add3A_32 {strides = array<i32>} : memref<16x128xf32, #tpu.memory_space<vmem>>, vector<16x128xf32>,
    %get3A_35 = arith.constant 0 : index
    %get3A_36 = arith.constant 0 : index
    %get3A_37 = vector.load %arg9[%get3A_35, %get3A_36] : memref<16x1xf32, #tpu.memory_space<vmem>>, vector<16x1xf32>
    %broadcast_in_dim3A = arith.constant 1.000000e+00 : f32
    %broadcast_in_dim3A_38 = vector.broadcast %broadcast_in_dim3A : f32 to vector<1000x1xf32>
    %dot_general3A_39 = arith.constant dense<0.000000e+00> : vector<16x1xf32>
    %dot_general3A_40 = tpu.matmul %convert_element_type3A_27, %broadcast_in_dim3A_38, %dot_general3A_39 {dimension_numbers = #tpu.dot_dimension_numbers<[0], [0], [1], [1], [0, 1, 1, 1], [], []>, transpose_lhs_hint = false} : vector<1000x16xf32>, vector<1000x1xf32>, vector<16x1xf32> -> vector<16x1xf32>
    %add3A_41 = arith.addf %get3A_37, %dot_general3A_40 : vector<16x1xf32>
    %swap3A_42 = arith.constant 0 : index
    %swap3A_43 = arith.constant 0 : index
    %swap3A_44 = vector.load %arg9[%swap3A_42, %swap3A_43] : memref<16x1xf32, #tpu.memory_space<vmem>>, vector<16x1xf32>
    tpu.vector_store %arg9[%swap3A_42, %swap3A_43], %add3A_41 {strides = array<i32>} : memref<16x1xf32, #tpu.memory_space<vmem>>, vector<16x1xf32>,
    %get3A_45 = arith.constant 0 : index
    %get3A_46 = arith.constant 0 : index
    %get3A_47 = vector.load %arg8[%get3A_45, %get3A_46] : memref<16x128xf32, #tpu.memory_space<vmem>>, vector<16x128xf32>
    %get3A_48 = arith.constant 0 : index
    %get3A_49 = arith.constant 0 : index
    %get3A_50 = vector.load %arg9[%get3A_48, %get3A_49] : memref<16x1xf32, #tpu.memory_space<vmem>>, vector<16x1xf32>
    %max3A = arith.constant 1.000000e+00 : f32
    %max3A_51 = vector.broadcast %max3A : f32 to vector<16x1xf32>
    %max3A_52 = arith.maximumf %get3A_50, %max3A_51 : vector<16x1xf32>
    %div3A = vector.broadcast %max3A_52 : vector<16x1xf32> to vector<16x128xf32>
    %div3A_53 = arith.divf %get3A_47, %div3A : vector<16x128xf32>
    %swap3A_54 = arith.constant 0 : index
    %swap3A_55 = arith.constant 0 : index
    %swap3A_56 = vector.load %arg7[%swap3A_54, %swap3A_55] : memref<16x128xf32, #tpu.memory_space<vmem>>, vector<16x128xf32>
    tpu.vector_store %arg7[%swap3A_54, %swap3A_55], %div3A_53 {strides = array<i32>} : memref<16x128xf32, #tpu.memory_space<vmem>>, vector<16x128xf32>,
    return
  }
  func.func @transform_0(%arg0: i32) -> (i32, i32) {
    %c0_i32 = arith.constant 0 : i32
    %c0_i32_0 = arith.constant 0 : i32
    return %arg0, %c0_i32 : i32, i32
  }
  func.func @transform_1(%arg0: i32) -> (i32, i32) {
    %c0_i32 = arith.constant 0 : i32
    %c0_i32_0 = arith.constant 0 : i32
    return %arg0, %c0_i32 : i32, i32
  }
  func.func @transform_2(%arg0: i32) -> (i32, i32) {
    %c0_i32 = arith.constant 0 : i32
    %c0_i32_0 = arith.constant 0 : i32
    return %arg0, %c0_i32 : i32, i32
  }
  func.func @transform_3(%arg0: i32) -> (i32, i32) {
    %c0_i32 = arith.constant 0 : i32
    %c0_i32_0 = arith.constant 0 : i32
    return %arg0, %c0_i32 : i32, i32
  }
  func.func @transform_4(%arg0: i32) -> (i32, i32) {
    %c0_i32 = arith.constant 0 : i32
    %c0_i32_0 = arith.constant 0 : i32
    %c0_i32_1 = arith.constant 0 : i32
    return %c0_i32, %c0_i32_0 : i32, i32
  }
  func.func @transform_5(%arg0: i32) -> (i32, i32) {
    %c0_i32 = arith.constant 0 : i32
    %c0_i32_0 = arith.constant 0 : i32
    return %arg0, %c0_i32 : i32, i32
  }
  func.func @transform_6(%arg0: i32) -> (i32, i32) {
    %c0_i32 = arith.constant 0 : i32
    %c0_i32_0 = arith.constant 0 : i32
    %c0_i32_1 = arith.constant 0 : i32
    return %c0_i32, %c0_i32_0 : i32, i32
  }
}

</mosaic_0001>

<sc_bundles>
// kernel: kernel.11.cloned.1.call-start
scs
__scs_entry_jumppad:
0x0: {  	(pc) =	sbr.rel $0x88, $3  }
0x1: {  	(tag) =	ssettag $0x0;
	lr =	simm.s32 $0x1  }
0x2: {  	[smem:$0x3F9A] =	sst lr;
	_ =	strace $0xD0000000  }
0x3: {  	_ = 	snop  }
0x4: {  	_ = 	snop  }
0x5: {  	_ = 	snop  }
0x6: {  	_ = 	snop  }
0x7: {  	_ = 	snop  }
__scs_overlays_trampoline_lowered:
0x8: {  	[smem:$0x3FA9] =	sst s0  }
0x9: {  	[smem:$0x3FAA] =	sst s1  }
0xa: {  	[smem:$0x3FAB] =	sst s2  }
0xb: {  	[smem:$0x3FAC] =	sst s3  }
0xc: {  	[smem:$0x3FAD] =	sst s4  }
0xd: {  	[smem:$0x3FAE] =	sst s5  }
0xe: {  	[smem:$0x3FAF] =	sst s6  }
0xf: {  	[smem:$0x3FB0] =	sst s7  }
0x10: {  	[smem:$0x3FB1] =	sst s8  }
0x11: {  	[smem:$0x3FB2] =	sst s9;
	s0 =	simm.s32 @!p0 $0x0  }
0x12: {  	s1 =	sld [smem:$0x3F98];
	s0 =	simm.s32 @p0 $0x1  }
0x13: {  	[smem:$0x3FB3] =	sst s0;
	s0 =	simm.s32 @!p1 $0x0  }
0x14: {  	s2 =	sld [smem:$0x3F97];
	s0 =	simm.s32 @p1 $0x1  }
0x15: {  	[smem:$0x3FB4] =	sst s0;
	s0 =	simm.s32 @!p2 $0x0  }
0x16: {  	s3 =	sld [smem:$0x3FDB];
	s0 =	simm.s32 @p2 $0x1  }
0x17: {  	s4 =	simm.s32 $0x1BF5;
	[smem:$0x3FB6] =	sst s0  }
0x18: {  	s0 =	sld [smem:$0x3F99];
	_ =	swait.ge [sflag:s4], $0x0  }
0x19: {  	s7 =	sld [smem:$0x3F9A]  }
0x1a: {  	s8 =	sadd.s32 $0xFFFFE003, lr  }
0x1b: {  	s9 =	sadd.s32 $0xFFFFFEF7, lr;
	s5 =	simm.s32 $0xFFFFFFFF;
	p2 =	slt.u32 s8, $0xFFFFF086  }
0x1c: {  	p1 =	slt.u32 s9, $0xF7A;
	s5 =	simm.s32 @!p2 $0x0  }
0x1d: {  	s5 =	simm.s32 @p1 $0x1;
	p0 =	seq.s32 s7, s2  }
0x1e: {  	s7 =	smul.u32 @!p0 $0xF7A, s2;
	p2 =	seq.s32 @!p0 s5, $0x0  }
0x1f: {  	s9 =	smul.u32 $0xF7A, s1;
	s8 =	simm.s32 @!p0 $0x1BF5;
	p2 =	por !p2, p0  }
0x20: {  	[sflag:s8] =	ssyncset.s32 @!p0 $0xFFFFF086;
	s6 =	sadd.s32 @!p0 s3, s7;
	s7 =	simm.s32 @!p0 $0x108  }
0x21: {  	s3 =	sadd.s32 s3, s9;
	s6 =	sadd.s32 @!p0 $0x88, s6;
	s7 =	simm.s32 @p2 $0x1082  }
0x22: {  	[simem:s7], [sflag:s8] =	dma.local @!p0 [hbm:s6], $0xF7A  }
0x23: {  	s9 =	sor.u32 $0xD0000000, s2;
	s6 =	simm.s32 $0x108;
	_ =	swait.ge @!p0 [sflag:s8], $0x0  }
0x24: {  	s3 =	sadd.s32 $0x88, s3;
	s6 =	simm.s32 @!p1 $0x1082;
	[sflag:s4] =	ssyncset.s32 $0xFFFFF086  }
0x25: {  	[simem:s6], [sflag:s4] =	dma.local [hbm:s3], $0xF7A  }
0x26: {  	[smem:$0x3F9A] =	sst s1;
	(tag) =	ssettag s2;
	_ =	strace s9  }
0x27: {  	s1 =	sld [smem:$0x3FAA]  }
0x28: {  	s2 =	sld [smem:$0x3FAB]  }
0x29: {  	s4 =	sld [smem:$0x3FAD]  }
0x2a: {  	p0 =	seq.s32 s5, $0x0;
	s5 =	sld [smem:$0x3FAE]  }
0x2b: {  	s6 =	sld [smem:$0x3FAF]  }
0x2c: {  	s7 =	sld [smem:$0x3FB0]  }
0x2d: {  	s3 =	simm.s32 $0x108;
	s8 =	sld [smem:$0x3FB1]  }
0x2e: {  	s3 =	simm.s32 @!p0 $0x1082;
	s9 =	sld [smem:$0x3FB2]  }
0x2f: {  	lr =	sadd.s32 s0, s3;
	s0 =	sld [smem:$0x3FA9]  }
0x30: {  	s3 =	sld [smem:$0x3FAC]  }
0x31: {  	[smem:$0x3FB5] =	sst s10  }
0x32: {  	s10 =	sld [smem:$0x3FB3];
	_ =	sdelay $0x3  }
0x33: {  	p0 =	seq.s32 s10, $0x1;
	s10 =	sld [smem:$0x3FB5];
	_ =	sdelay $0x3  }
0x34: {  	[smem:$0x3FB5] =	sst s10  }
0x35: {  	s10 =	sld [smem:$0x3FB4];
	_ =	sdelay $0x3  }
0x36: {  	p1 =	seq.s32 s10, $0x1;
	s10 =	sld [smem:$0x3FB5];
	_ =	sdelay $0x3  }
0x37: {  	[smem:$0x3FB5] =	sst s10  }
0x38: {  	s10 =	sld [smem:$0x3FB6]  }
0x39: {  	_ = 	snop;
	(pc) =	sbr.ind lr, $3  }
0x3a: {  	_ = 	snop  }
0x3b: {  	_ = 	snop  }
0x3c: {  	p2 =	seq.s32 s10, $0x1;
	s10 =	sld [smem:$0x3FB5]  }
0x3d: {  	_ =	shalt  }
0x3e: {  	_ =	shalt  }
0x3f: {  	_ =	shalt  }
0x40: {  	_ =	shalt  }
0x41: {  	_ =	shalt  }
0x42: {  	_ =	shalt  }
0x43: {  	_ =	shalt  }
0x44: {  	_ =	shalt  }
0x45: {  	_ =	shalt  }
0x46: {  	_ =	shalt  }
0x47: {  	_ =	shalt  }
0x48: {  	_ =	shalt  }
0x49: {  	_ =	shalt  }
0x4a: {  	_ =	shalt  }
0x4b: {  	_ =	shalt  }
0x4c: {  	_ =	shalt  }
0x4d: {  	_ =	shalt  }
0x4e: {  	_ =	shalt  }
0x4f: {  	_ =	shalt  }
0x50: {  	_ =	shalt  }
0x51: {  	_ =	shalt  }
0x52: {  	_ =	shalt  }
0x53: {  	_ =	shalt  }
0x54: {  	_ =	shalt  }
0x55: {  	_ =	shalt  }
0x56: {  	_ =	shalt  }
0x57: {  	_ =	shalt  }
0x58: {  	_ =	shalt  }
0x59: {  	_ =	shalt  }
0x5a: {  	_ =	shalt  }
0x5b: {  	_ =	shalt  }
0x5c: {  	_ =	shalt  }
0x5d: {  	_ =	shalt  }
0x5e: {  	_ =	shalt  }
0x5f: {  	_ =	shalt  }
0x60: {  	_ =	shalt  }
0x61: {  	_ =	shalt  }
0x62: {  	_ =	shalt  }
0x63: {  	_ =	shalt  }
0x64: {  	_ =	shalt  }
0x65: {  	_ =	shalt  }
0x66: {  	_ =	shalt  }
0x67: {  	_ =	shalt  }
0x68: {  	_ =	shalt  }
0x69: {  	_ =	shalt  }
0x6a: {  	_ =	shalt  }
0x6b: {  	_ =	shalt  }
0x6c: {  	_ =	shalt  }
0x6d: {  	_ =	shalt  }
0x6e: {  	_ =	shalt  }
0x6f: {  	_ =	shalt  }
0x70: {  	_ =	shalt  }
0x71: {  	_ =	shalt  }
0x72: {  	_ =	shalt  }
0x73: {  	_ =	shalt  }
0x74: {  	_ =	shalt  }
0x75: {  	_ =	shalt  }
0x76: {  	_ =	shalt  }
0x77: {  	_ =	shalt  }
0x78: {  	_ =	shalt  }
0x79: {  	_ =	shalt  }
0x7a: {  	_ =	shalt  }
0x7b: {  	_ =	shalt  }
0x7c: {  	_ =	shalt  }
0x7d: {  	_ =	shalt  }
0x7e: {  	_ =	shalt  }
0x7f: {  	_ =	shalt  }
0x80: {  	_ =	shalt  }
0x81: {  	_ =	shalt  }
0x82: {  	_ =	shalt  }
0x83: {  	_ =	shalt  }
0x84: {  	_ =	shalt  }
0x85: {  	_ =	shalt  }
0x86: {  	_ =	shalt  }
0x87: {  	_ =	shalt  }
.Lfunc_end0:
.L_simem_size_0:
called_computation.1_lowered:
.L_overlay_start_0:
0x88: {  	s2 =	sld [smem:$0x3FD9]  }
0x89: {  	s3 =	sld [smem:$0x3FFE];
	_ =	sdelay $0x1  }
0x8a: {  	s1 =	srdreg.scid  }
0x8b: {  	s0 =	sand.u32 $0x1, s1  }
0x8c: {  	s16 =	sshll.u32 s0, $0xA;
	s2 =	sadd.s32 s3, s2  }
0x8d: {  	s2 =	sadd.s32 s2, s16  }
0x8e: {  	[smem:$0x3FC1] =	sst s2  }
0x8f: {  	_ = 	snop  }
0x90: {  	(tm) =	ssettm $0x1  }
0x91: {  	s17 =	sld [smem:$0x3FFB];
	_ =	sdelay $0x3  }
0x92: {  	_ =	strace s17  }
0x93: {  	s2 =	sld [smem:$0x3FFC];
	_ =	sdelay $0x3  }
0x94: {  	_ =	strace s2  }
0x95: {  	s2 =	sld [smem:$0x3FFD];
	_ =	sdelay $0x3  }
0x96: {  	_ =	strace s2  }
0x97: {  	_ =	strace $0x8FFFFFFF  }
0x98: {  	s18 =	sld [smem:$0x3FDB];
	_ =	sdelay $0x1  }
0x99: {  	s19 =	simm.s32 $_scs_section_size  }
0x9a: {  	s4 =	simm.s32 $_size__tile_overlayer_lowered;
	s5 =	simm.s32 $_tile_overlayer_lowered  }
0x9b: {  	s22 =	simm.s32 $0x1BFF;
	s21 =	sshll.u32 s5, $0x1;
	s2 =	sadd.s32 s19, s18  }
0x9c: {  	s6 =	simm.s32 $0x0;
	s20 =	sshll.u32 s4, $0x1;
	s4 =	sadd.s32 s21, s2  }
0x9d: {  	[timem:s6], [sflag:s22] =	dma.local [hbm:s4], s20  }
0x9e: {  	_ =	swait.ge [sflag:s22], s20  }
0x9f: {  	s3 =	ssub.s32 $0x0, s20;
	[sflag:s22] =	ssyncset.done $0x0  }
0xa0: {  	[sflag:s22] =	ssyncadd.s32 s3;
	_ =	sdelay $0x1  }
0xa1: {  	s23 =	simm.s32 $0x1B8B  }
0xa2: {  	_ =	swait.ge [sflag:s23], $0x1  }
0xa3: {  	[sflag:s23] =	ssyncset.done $0x0  }
0xa4: {  	s25 =	simm.s32 $0x1B8E;
	s24 =	sld [smem:$0x3FFE];
	[sflag:s23] =	ssyncadd.s32 $0xFFFFFFFF  }
0xa5: {  	s26 =	simm.s32 $execute0_lowered;
	[smem:$0x3FD2] =	sst s25  }
0xa6: {  	s4 =	sshll.u32 s26, $0x1;
	_ =	strace $0x80000049;
	[dreg:$0x1] =	wrdreg $0xFFFFFFFF  }
0xa7: {  	s28 =	simm.s32 $_size_execute0_lowered;
	s2 =	sadd.s32 s2, s4;
	[dreg:$0x0] =	wrdreg $0x0  }
0xa8: {  	s4 =	sshll.u32 s28, $0x1;
	[dreg:$0x2] =	wrdreg s2  }
0xa9: {  	[dreg:$0x3] =	wrdreg s4  }
0xaa: {  	[dreg:$0x4] =	wrdreg $0xC0  }
0xab: {  	_ =	task [dreg:s6], $0x5FFFF  }
0xac: {  	[dreg:$0x1] =	wrdreg $0xFFFFFFFF  }
0xad: {  	[dreg:$0x0] =	wrdreg $0x60  }
0xae: {  	[dreg:$0x2] =	wrdreg s24  }
0xaf: {  	[dreg:$0x3] =	wrdreg $0x82000  }
0xb0: {  	[dreg:$0x4] =	wrdreg $0x9  }
0xb1: {  	_ =	task.clear_ibuf [dreg:s6], $0x5FFFF;
	_ =	strace $0x90000049  }
0xb2: {  	s29 =	simm.s32 $0x9;
	_ =	strace $0x8000004B  }
0xb3: {  	_ =	swait.ge [sflag:s29], $0x1  }
0xb4: {  	[sflag:s29] =	ssyncadd.s32 $0xFFFFFFFF  }
0xb5: {  	_ =	strace $0x9000004B  }
0xb6: {  	_ =	sfence  }
0xb7: {  	s30 =	sld [smem:$0x0];
	_ =	sdelay $0x2  }
0xb8: {  	s31 =	sshll.u32 s1, $0xD;
	s1 =	sshrl.u32 s1, $0x2  }
0xb9: {  	s3 =	sand.u32 $0x4000, s31;
	s1 =	sadd.s32 s1, s30  }
0xba: {  	s0 =	sor.u32 s3, s0;
	s1 =	sshll.u32 s1, $0x11  }
0xbb: {  	s0 =	sor.u32 s1, s0  }
0xbc: {  	s0 =	sadd.s32 $0x8F2B, s0  }
0xbd: {  	[sflag:s0] =	ssyncadd.remote.s32 $0x1  }
0xbe: {  	_ =	sfence.sel $0xFFFF  }
0xbf: {  	[dreg:$0x0] =	wrdreg $0xFFFFFFFF;
	(pc) =	sbr.abs _section_cstart, $3  }
0xc0: {  	[dreg:$0x1] =	wrdreg $0xFFFFFFFF  }
0xc1: {  	_ =	task.clear_ibuf [dreg:s6], $0x2FFFF;
	_ =	strace $0x9FFFFFFF  }
0xc2: {  	(tm) =	ssettm $0x7FFFFFFF  }
0xc3: {  	_ =	shalt  }
tec
execute0_lowered:
.L_overlay_start_1:
0x0: {  	(tag) =	ssettag $0x1  }
0x1: {  	s0 =	rddreg [dreg:$0x0]  }
0x2: {  	s2 =	rddreg [dreg:$0x1];
	s3 =	simm.s32 $0x0  }
0x3: {  	s14 =	stileid.u32;
	s1 =	srdreg.scid;
	s28 =	simm.s32 $0x180  }
0x4: {  	s29 =	simm.s32 $0x3;
	s30 =	simm.s32 $0x2;
	s31 =	simm.s32 $0x4200  }
0x5: {  	[smem:$0x7FF] =	sst s3;
	s1 =	sand.u32 $0x1, s1;
	s7 =	smul.u32 $0x2800, s14  }
0x6: {  	s5 =	sshll.u32 s14, $0x1;
	s4 =	sadd.s32 $0x22800, s0;
	s11 =	smul.u32 $0x50000, s14  }
0x7: {  	s6 =	sadd.s32 $0xEC00, s0;
	s12 =	sadd.s32 $0x97E00, s0;
	s20 =	smul.u32 $0x4F00, s14  }
0x8: {  	s17 =	sadd.s32 $0x12C000, s2;
	p0 =	seq.s32 s14, $0xF;
	s16 =	smul.u32 $0x27100, s1  }
0x9: {  	_ =	strace $0x8000004A;
	s8 =	sor.u32 s1, s5;
	s18 =	smul.u32 $0x138800, s1  }
0xa: {  	s5 =	sadd.s32 $0x18A00, s0;
	s10 =	ssub.s32 $0x2, s1;
	s1 =	smul.u32 $0x2780, s1  }
0xb: {  	[dreg:$0x7] =	wrdreg s17;
	s8 =	smul.u32 $0x2780, s8;
	s9 =	sadd.s32 s7, s0  }
0xc: {  	s13 =	sshrl.u32 s10, $0x1;
	s11 =	sshrl.u32 s11, $0x2;
	s0 =	sadd.s32 $0x96400, s0  }
0xd: {  	s10 =	ssub.s32 s10, s13;
	s11 =	sadd.s32 s11, s2;
	s9 =	sadd.s32 $0x70C00, s9  }
0xe: {  	[dreg:$0x8] =	wrdreg s0;
	s21 =	sadd.s32 s7, s16;
	s23 =	sadd.s32 s1, s20  }
0xf: {  	s1 =	simm.s32 $0x4;
	s7 =	simm.s32 $0x0;
	[dreg:$0x5] =	wrdreg s11  }
0x10: {  	s8 =	sshrl.u32 s8, $0x3;
	[dreg:$0x6] =	wrdreg s9;
	s9 =	sshrl.u32 s18, $0x3  }
0x11: {  	s17 =	smax.u32 s10, $0x1;
	s25 =	sadd.s32 $0x180, s23;
	s26 =	sadd.s32 s5, s8  }
0x12: {  	s15 =	sadd.s32 s6, s8;
	s19 =	sadd.s32 $0x10, s8;
	[dreg:$0x3] =	wrdreg s26  }
0x13: {  	s22 =	sadd.s32 s12, s9;
	s24 =	sadd.s32 $0x4E0, s8;
	[dreg:$0x4] =	wrdreg s15  }
0x14: {  	s15 =	sadd.s32 s5, s19;
	s0 =	sadd.s32 s6, s19;
	s16 =	sadd.s32 $0x25800, s22  }
0x15: {  	s18 =	sadd.s32 s5, s24;
	s19 =	sadd.s32 s6, s24;
	s26 =	sshrl.u32 s25, $0x3  }
0x16: {  	s22 =	sadd.s32 $0x100, s23;
	s23 =	simm.s32 $0x100;
	[dreg:$0x9] =	wrdreg s15  }
0x17: {  	s24 =	simm.s32 $0x1;
	s25 =	simm.s32 $0x80;
	[dreg:$0xa] =	wrdreg s0  }
0x18: {  	s0 =	sadd.s32 s12, s21;
	s20 =	sadd.s32 s26, s6;
	s21 =	sadd.s32 s26, s5  }
0x19: {  	s26 =	simm.s32 $0x200;
	[dreg:$0xb] =	wrdreg s0;
	s0 =	simm.s32 $0x5  }
.LBB2_1:
0x1a: {  	s8 =	rddreg [dreg:$0x3]  }
0x1b: {  	s11 =	rddreg [dreg:$0x4]  }
0x1c: {  	[tilespmem:s3], [sflag:$0x1] =	stream.linear.gather [hbm4b:s8+s3], $0x80, $0x38;
	[tilespmem:$0x1BB00] =	vst v63  }
0x1d: {  	s8 =	rddreg [dreg:$0x7]  }
0x1e: {  	s9 =	simm.s32 @p0 $0x1FC5;
	s10 =	rddreg [dreg:$0x8];
	s8 =	sshrl.u32 @p0 s8, $0x3  }
0x1f: {  	[tilespmem:s23], [sflag:$0x1] =	stream.linear.gather [hbm4b:s11+s3], $0x80, $0x38;
	[tilespmem:$0x1BB00] =	vst v63  }
0x20: {  	[spmem:s8], [sflag:s9] =	dma.local @p0 [hbm:s10], $0x1900  }
0x21: {  	s9 =	simm.s32 @p0 $0x5  }
0x22: {  	s10 =	stileid.u32;
	_ =	swait.ge @p0 [sflag:s9], $0x1900  }
0x23: {  	s10 =	sshll.u32 @!p0 s10, $0x6;
	[sflag:s9] =	ssyncset.done @p0 $0x0  }
0x24: {  	[sflag:s9] =	ssyncadd.s32 @p0 $0xFFFFE700;
	s9 =	sor.u32 @!p0 $0x1C05, s10;
	s10 =	rddreg [dreg:$0x5]  }
0x25: {  	s11 =	rddreg [dreg:$0x6];
	s10 =	sshrl.u32 @!p0 s10, $0x3  }
0x26: {  	[spmem:s10], [sflag:s9] =	dma.local @!p0 [hbm:s11], $0x2800  }
0x27: {  	s11 =	simm.s32 @!p0 $0x5  }
0x28: {  	_ =	swait.ge @!p0 [sflag:s11], $0x2800  }
0x29: {  	[sflag:s11] =	ssyncset.done @!p0 $0x0  }
0x2a: {  	[sflag:s11] =	ssyncadd.s32 @!p0 $0xFFFFD800  }
0x2b: {  	[bflag:$0x0] =	sbarrier.arrive $0xFFFF  }
0x2c: {  	_ =	swait.ge [sflag:s24], $0x80  }
0x2d: {  	[sflag:s24] =	ssyncset.done $0x0  }
0x2e: {  	[sflag:s24] =	ssyncadd.s32 $0xFFFFFF80  }
0x2f: {  	_ =	swait.ge [sflag:s24], $0x80  }
0x30: {  	[sflag:s24] =	ssyncset.done $0x0  }
0x31: {  	[sflag:s24] =	ssyncadd.s32 $0xFFFFFF80  }
0x32: {  	[tilespmem:s26], [sflag:$0x3] =	stream.indirect.gather [hbm4b:s4+s25], $0x80, s3, s25, $0xb8;
	[tilespmem:$0x1BB00] =	vst v63  }
0x33: {  	s12 =	rddreg [dreg:$0x9]  }
0x34: {  	[tilespmem:s25], [sflag:$0x2] =	stream.linear.gather [hbm4b:s12+s3], $0x80, $0x38;
	[tilespmem:$0x1BB00] =	vst v63  }
0x35: {  	s13 =	rddreg [dreg:$0xa]  }
0x36: {  	[tilespmem:s28], [sflag:$0x2] =	stream.linear.gather [hbm4b:s13+s3], $0x80, $0x38;
	[tilespmem:$0x1BB00] =	vst v63  }
0x37: {  	_ =	swait.ge [sflag:s29], $0x4000  }
0x38: {  	[sflag:s29] =	ssyncset.done $0x0  }
0x39: {  	[sflag:s29] =	ssyncadd.s32 $0xFFFFC000  }
0x3a: {  	_ =	swait.ge [sflag:s30], $0x80  }
0x3b: {  	[sflag:s30] =	ssyncset.done $0x0  }
0x3c: {  	[sflag:s30] =	ssyncadd.s32 $0xFFFFFF80  }
0x3d: {  	_ =	swait.ge [sflag:s30], $0x80  }
0x3e: {  	[sflag:s30] =	ssyncset.done $0x0  }
0x3f: {  	[sflag:s30] =	ssyncadd.s32 $0xFFFFFF80  }
0x40: {  	[tilespmem:s31], [sflag:$0x4] =	stream.indirect.gather [hbm4b:s4+s25], $0x80, s25, s25, $0xb8;
	[tilespmem:$0x1BB00] =	vst v63  }
0x41: {  	_ = 	snop  }
0x42: {  	[spmem:s2] =	stream.indirect.scatter.add.f32 [tilespmem:s26], [sflag:$0x5], $0x80, s23, s25, $0xb8;
	[tilespmem:$0x1BB00] =	vst v63  }
0x43: {  	_ =	swait.ge [sflag:s0], $0x4000  }
0x44: {  	s14 =	sshrl.u32 s22, $0x3;
	[sflag:s0] =	ssyncset.done $0x0  }
0x45: {  	s12 =	sadd.s32 s5, s14;
	[sflag:s0] =	ssyncadd.s32 $0xFFFFC000  }
0x46: {  	[tilespmem:s3], [sflag:$0x1] =	stream.linear.gather [hbm4b:s12+s3], $0x80, $0x38;
	[tilespmem:$0x1BB00] =	vst v63  }
0x47: {  	s11 =	sadd.s32 s6, s14  }
0x48: {  	[tilespmem:s23], [sflag:$0x1] =	stream.linear.gather [hbm4b:s11+s3], $0x80, $0x38;
	[tilespmem:$0x1BB00] =	vst v63  }
0x49: {  	_ =	swait.ge [sflag:s1], $0x4000  }
0x4a: {  	[sflag:s1] =	ssyncset.done $0x0  }
0x4b: {  	[sflag:s1] =	ssyncadd.s32 $0xFFFFC000  }
0x4c: {  	_ =	swait.ge [sflag:s24], $0x80  }
0x4d: {  	[sflag:s24] =	ssyncset.done $0x0  }
0x4e: {  	[sflag:s24] =	ssyncadd.s32 $0xFFFFFF80  }
0x4f: {  	_ =	swait.ge [sflag:s24], $0x80  }
0x50: {  	[sflag:s24] =	ssyncset.done $0x0  }
0x51: {  	[sflag:s24] =	ssyncadd.s32 $0xFFFFFF80  }
0x52: {  	[tilespmem:s26], [sflag:$0x3] =	stream.indirect.gather [hbm4b:s4+s25], $0x80, s3, s25, $0xb8;
	[tilespmem:$0x1BB00] =	vst v63  }
0x53: {  	_ = 	snop  }
0x54: {  	[spmem:s2] =	stream.indirect.scatter.add.f32 [tilespmem:s31], [sflag:$0x5], $0x80, s28, s25, $0xb8;
	[tilespmem:$0x1BB00] =	vst v63  }
0x55: {  	_ =	swait.ge [sflag:s0], $0x4000  }
0x56: {  	s15 =	sadd.s32 $0x0, s21;
	s13 =	sadd.s32 $0x0, s20;
	[sflag:s0] =	ssyncset.done $0x0  }
0x57: {  	s12 =	sadd.s32 $0x100, s22;
	s11 =	simm.s32 $0x20;
	[sflag:s0] =	ssyncadd.s32 $0xFFFFC000  }
0x58: {  	[tilespmem:s25], [sflag:$0x2] =	stream.linear.gather [hbm4b:s15+s3], $0x80, $0x38;
	[tilespmem:$0x1BB00] =	vst v63  }
.LBB2_2:
0x59: {  	[tilespmem:s28], [sflag:$0x2] =	stream.linear.gather [hbm4b:s13+s3], $0x80, $0x38;
	[tilespmem:$0x1BB00] =	vst v63  }
0x5a: {  	s13 =	smov.u32 s11  }
0x5b: {  	p1 =	sne.s32 s11, $0x4A0;
	s11 =	sadd.s32 $0x20, s11;
	_ =	swait.ge [sflag:s29], $0x4000  }
0x5c: {  	[sflag:s29] =	ssyncset.done $0x0  }
0x5d: {  	[sflag:s29] =	ssyncadd.s32 $0xFFFFC000  }
0x5e: {  	_ =	swait.ge [sflag:s30], $0x80  }
0x5f: {  	[sflag:s30] =	ssyncset.done $0x0  }
0x60: {  	[sflag:s30] =	ssyncadd.s32 $0xFFFFFF80  }
0x61: {  	_ =	swait.ge [sflag:s30], $0x80  }
0x62: {  	[sflag:s30] =	ssyncset.done $0x0  }
0x63: {  	[sflag:s30] =	ssyncadd.s32 $0xFFFFFF80  }
0x64: {  	[tilespmem:s31], [sflag:$0x4] =	stream.indirect.gather [hbm4b:s4+s25], $0x80, s25, s25, $0xb8;
	[tilespmem:$0x1BB00] =	vst v63  }
0x65: {  	_ = 	snop  }
0x66: {  	[spmem:s2] =	stream.indirect.scatter.add.f32 [tilespmem:s26], [sflag:$0x5], $0x80, s23, s25, $0xb8;
	[tilespmem:$0x1BB00] =	vst v63  }
0x67: {  	_ =	swait.ge [sflag:s0], $0x4000  }
0x68: {  	s14 =	sshrl.u32 s12, $0x3;
	[sflag:s0] =	ssyncset.done $0x0  }
0x69: {  	s15 =	sadd.s32 s5, s14;
	[sflag:s0] =	ssyncadd.s32 $0xFFFFC000  }
0x6a: {  	[tilespmem:s3], [sflag:$0x1] =	stream.linear.gather [hbm4b:s15+s3], $0x80, $0x38;
	[tilespmem:$0x1BB00] =	vst v63  }
0x6b: {  	s14 =	sadd.s32 s6, s14  }
0x6c: {  	[tilespmem:s23], [sflag:$0x1] =	stream.linear.gather [hbm4b:s14+s3], $0x80, $0x38;
	[tilespmem:$0x1BB00] =	vst v63  }
0x6d: {  	_ =	swait.ge [sflag:s1], $0x4000  }
0x6e: {  	[sflag:s1] =	ssyncset.done $0x0  }
0x6f: {  	[sflag:s1] =	ssyncadd.s32 $0xFFFFC000  }
0x70: {  	_ =	swait.ge [sflag:s24], $0x80  }
0x71: {  	[sflag:s24] =	ssyncset.done $0x0  }
0x72: {  	[sflag:s24] =	ssyncadd.s32 $0xFFFFFF80  }
0x73: {  	_ =	swait.ge [sflag:s24], $0x80  }
0x74: {  	[sflag:s24] =	ssyncset.done $0x0  }
0x75: {  	[sflag:s24] =	ssyncadd.s32 $0xFFFFFF80  }
0x76: {  	[tilespmem:s26], [sflag:$0x3] =	stream.indirect.gather [hbm4b:s4+s25], $0x80, s3, s25, $0xb8;
	[tilespmem:$0x1BB00] =	vst v63  }
0x77: {  	_ = 	snop  }
0x78: {  	[spmem:s2] =	stream.indirect.scatter.add.f32 [tilespmem:s31], [sflag:$0x5], $0x80, s28, s25, $0xb8;
	[tilespmem:$0x1BB00] =	vst v63  }
.Ltmp0:
0x79: {  	_ =	swait.ge [sflag:s0], $0x4000;
	(pc) =	sbr.rel @p1 .LBB2_2-.Ltmp0, $4  }
0x7a: {  	[sflag:s0] =	ssyncset.done $0x0  }
0x7b: {  	s14 =	sadd.s32 s13, s21;
	[sflag:s0] =	ssyncadd.s32 $0xFFFFC000  }
0x7c: {  	[tilespmem:s25], [sflag:$0x2] =	stream.linear.gather [hbm4b:s14+s3], $0x80, $0x38;
	[tilespmem:$0x1BB00] =	vst v63  }
0x7d: {  	s12 =	sadd.s32 $0x100, s12;
	s13 =	sadd.s32 s13, s20  }
0x7e: {  	[tilespmem:s28], [sflag:$0x2] =	stream.linear.gather [hbm4b:s13+s3], $0x80, $0x38;
	[tilespmem:$0x1BB00] =	vst v63  }
0x7f: {  	_ =	swait.ge [sflag:s29], $0x4000  }
0x80: {  	[sflag:s29] =	ssyncset.done $0x0  }
0x81: {  	[sflag:s29] =	ssyncadd.s32 $0xFFFFC000  }
0x82: {  	_ =	swait.ge [sflag:s30], $0x80  }
0x83: {  	[sflag:s30] =	ssyncset.done $0x0  }
0x84: {  	[sflag:s30] =	ssyncadd.s32 $0xFFFFFF80  }
0x85: {  	_ =	swait.ge [sflag:s30], $0x80  }
0x86: {  	[sflag:s30] =	ssyncset.done $0x0  }
0x87: {  	[sflag:s30] =	ssyncadd.s32 $0xFFFFFF80  }
0x88: {  	[tilespmem:s31], [sflag:$0x4] =	stream.indirect.gather [hbm4b:s4+s25], $0x80, s25, s25, $0xb8;
	[tilespmem:$0x1BB00] =	vst v63  }
0x89: {  	_ = 	snop  }
0x8a: {  	[spmem:s2] =	stream.indirect.scatter.add.f32 [tilespmem:s26], [sflag:$0x5], $0x80, s23, s25, $0xb8;
	[tilespmem:$0x1BB00] =	vst v63  }
0x8b: {  	_ =	swait.ge [sflag:s0], $0x4000  }
0x8c: {  	[sflag:s0] =	ssyncset.done $0x0  }
0x8d: {  	[sflag:s0] =	ssyncadd.s32 $0xFFFFC000  }
0x8e: {  	[tilespmem:s3], [sflag:$0x1] =	stream.linear.gather [hbm4b:s18+s3], $0x80, $0x38;
	[tilespmem:$0x1BB00] =	vst v63  }
0x8f: {  	_ = 	snop  }
0x90: {  	[tilespmem:s23], [sflag:$0x1] =	stream.linear.gather [hbm4b:s19+s3], $0x80, $0x38;
	[tilespmem:$0x1BB00] =	vst v63  }
0x91: {  	_ =	swait.ge [sflag:s1], $0x4000  }
0x92: {  	[sflag:s1] =	ssyncset.done $0x0  }
0x93: {  	[sflag:s1] =	ssyncadd.s32 $0xFFFFC000  }
0x94: {  	_ =	swait.ge [sflag:s24], $0x80  }
0x95: {  	[sflag:s24] =	ssyncset.done $0x0  }
0x96: {  	[sflag:s24] =	ssyncadd.s32 $0xFFFFFF80  }
0x97: {  	_ =	swait.ge [sflag:s24], $0x80  }
0x98: {  	[sflag:s24] =	ssyncset.done $0x0  }
0x99: {  	[sflag:s24] =	ssyncadd.s32 $0xFFFFFF80  }
0x9a: {  	[tilespmem:s26], [sflag:$0x3] =	stream.indirect.gather [hbm4b:s4+s25], $0x80, s3, s25, $0xb8;
	[tilespmem:$0x1BB00] =	vst v63  }
0x9b: {  	_ = 	snop  }
0x9c: {  	[spmem:s2] =	stream.indirect.scatter.add.f32 [tilespmem:s31], [sflag:$0x5], $0x80, s28, s25, $0xb8;
	[tilespmem:$0x1BB00] =	vst v63  }
0x9d: {  	_ =	swait.ge [sflag:s0], $0x4000  }
0x9e: {  	[sflag:s0] =	ssyncset.done $0x0  }
0x9f: {  	[sflag:s0] =	ssyncadd.s32 $0xFFFFC000  }
0xa0: {  	_ =	swait.ge [sflag:s29], $0x4000  }
0xa1: {  	[sflag:s29] =	ssyncset.done $0x0  }
0xa2: {  	[sflag:s29] =	ssyncadd.s32 $0xFFFFC000  }
0xa3: {  	[spmem:s2] =	stream.indirect.scatter.add.f32 [tilespmem:s26], [sflag:$0x5], $0x80, s23, s25, $0xb8;
	[tilespmem:$0x1BB00] =	vst v63  }
0xa4: {  	_ =	swait.ge [sflag:s0], $0x4000  }
0xa5: {  	[sflag:s0] =	ssyncset.done $0x0  }
0xa6: {  	[sflag:s0] =	ssyncadd.s32 $0xFFFFC000  }
0xa7: {  	s11 =	simm.s32 @p0 $0x1FC5;
	[bflag:$0x0] =	sbarrier.arrive $0xFFFF  }
0xa8: {  	[hbm:s16], [sflag:s11] =	dma.local @p0 [spmem:s8], $0x1900  }
0xa9: {  	s8 =	simm.s32 @p0 $0x5  }
0xaa: {  	_ =	swait.ge @p0 [sflag:s8], $0x1900  }
0xab: {  	s7 =	sadd.s32 $0x1, s7;
	[sflag:s8] =	ssyncset.done @p0 $0x0  }
0xac: {  	p1 =	sne.s32 s7, s17;
	[sflag:s8] =	ssyncadd.s32 @p0 $0xFFFFE700;
	s8 =	rddreg [dreg:$0xb]  }
0xad: {  	[hbm:s8], [sflag:s9] =	dma.local @!p0 [spmem:s10], $0x2800  }
.Ltmp1:
0xae: {  	_ = 	snop;
	(pc) =	sbr.rel @p1 .LBB2_1-.Ltmp1, $4  }
0xaf: {  	s8 =	simm.s32 @!p0 $0x5  }
0xb0: {  	_ =	swait.ge @!p0 [sflag:s8], $0x2800  }
0xb1: {  	[sflag:s8] =	ssyncset.done @!p0 $0x0  }
0xb2: {  	[sflag:s8] =	ssyncadd.s32 @!p0 $0xFFFFD800  }
0xb3: {  	_ =	sfence.sel $0x180000  }
0xb4: {  	[bflag:$0x0] =	sbarrier.arrive $0xFFFF  }
0xb5: {  	_ =	strace $0x9000004A  }
0xb6: {  	s0 =	stileid.u32;
	[bflag:$0x2] =	sbarrier.arrive $0xFFFF  }
0xb7: {  	p0 =	sne.s32 s0, $0x0;
	s0 =	rddreg [dreg:$0x2]  }
0xb8: {  	s0 =	sadd.s32 @!p0 $0x100000, s0  }
0xb9: {  	[sflag:s0] =	ssyncadd.tile.s32 @!p0 $0x1;
	_ =	shalt  }
.Lfunc_end2:
_tile_overlayer_lowered:
.L_overlay_start_2:
0xba: {  	(tag) =	ssettag $0x2  }
0xbb: {  	s0 =	rddreg [dreg:$0x0];
	s2 =	stileid.u32  }
0xbc: {  	s1 =	rddreg [dreg:$0x1];
	p0 =	sne.s32 s2, $0x0  }
0xbd: {  	s3 =	rddreg [dreg:$0x2];
	[bflag:$0x3] =	sbarrier.arrive $0xFFFF;
	s2 =	simm.s32 @!p0 $0x1C05  }
0xbe: {  	[timem:s3], [sflag:s2] =	dma.local @!p0 [hbm:s0], s1  }
0xbf: {  	s0 =	simm.s32 @!p0 $0x5  }
0xc0: {  	_ =	swait.ge @!p0 [sflag:s0], s1  }
0xc1: {  	s1 =	ssub.s32 @!p0 $0x0, s1;
	[sflag:s0] =	ssyncset.done @!p0 $0x0  }
0xc2: {  	[sflag:s0] =	ssyncadd.s32 @!p0 s1  }
0xc3: {  	[bflag:$0x3] =	sbarrier.arrive $0xFFFF  }
0xc4: {  	_ =	shalt  }

// kernel: kernel.14.cloned.1.call-start
scs
__scs_entry_jumppad:
0x0: {  	(pc) =	sbr.rel $0x88, $3  }
0x1: {  	(tag) =	ssettag $0x0;
	lr =	simm.s32 $0x1  }
0x2: {  	[smem:$0x3F9A] =	sst lr;
	_ =	strace $0xD0000000  }
0x3: {  	_ = 	snop  }
0x4: {  	_ = 	snop  }
0x5: {  	_ = 	snop  }
0x6: {  	_ = 	snop  }
0x7: {  	_ = 	snop  }
__scs_overlays_trampoline_lowered:
0x8: {  	[smem:$0x3FA9] =	sst s0  }
0x9: {  	[smem:$0x3FAA] =	sst s1  }
0xa: {  	[smem:$0x3FAB] =	sst s2  }
0xb: {  	[smem:$0x3FAC] =	sst s3  }
0xc: {  	[smem:$0x3FAD] =	sst s4  }
0xd: {  	[smem:$0x3FAE] =	sst s5  }
0xe: {  	[smem:$0x3FAF] =	sst s6  }
0xf: {  	[smem:$0x3FB0] =	sst s7  }
0x10: {  	[smem:$0x3FB1] =	sst s8  }
0x11: {  	[smem:$0x3FB2] =	sst s9;
	s0 =	simm.s32 @!p0 $0x0  }
0x12: {  	s1 =	sld [smem:$0x3F98];
	s0 =	simm.s32 @p0 $0x1  }
0x13: {  	[smem:$0x3FB3] =	sst s0;
	s0 =	simm.s32 @!p1 $0x0  }
0x14: {  	s2 =	sld [smem:$0x3F97];
	s0 =	simm.s32 @p1 $0x1  }
0x15: {  	[smem:$0x3FB4] =	sst s0;
	s0 =	simm.s32 @!p2 $0x0  }
0x16: {  	s3 =	sld [smem:$0x3FDB];
	s0 =	simm.s32 @p2 $0x1  }
0x17: {  	s4 =	simm.s32 $0x1BF5;
	[smem:$0x3FB6] =	sst s0  }
0x18: {  	s0 =	sld [smem:$0x3F99];
	_ =	swait.ge [sflag:s4], $0x0  }
0x19: {  	s7 =	sld [smem:$0x3F9A]  }
0x1a: {  	s8 =	sadd.s32 $0xFFFFE003, lr  }
0x1b: {  	s9 =	sadd.s32 $0xFFFFFEF7, lr;
	s5 =	simm.s32 $0xFFFFFFFF;
	p2 =	slt.u32 s8, $0xFFFFF086  }
0x1c: {  	p1 =	slt.u32 s9, $0xF7A;
	s5 =	simm.s32 @!p2 $0x0  }
0x1d: {  	s5 =	simm.s32 @p1 $0x1;
	p0 =	seq.s32 s7, s2  }
0x1e: {  	s7 =	smul.u32 @!p0 $0xF7A, s2;
	p2 =	seq.s32 @!p0 s5, $0x0  }
0x1f: {  	s9 =	smul.u32 $0xF7A, s1;
	s8 =	simm.s32 @!p0 $0x1BF5;
	p2 =	por !p2, p0  }
0x20: {  	[sflag:s8] =	ssyncset.s32 @!p0 $0xFFFFF086;
	s6 =	sadd.s32 @!p0 s3, s7;
	s7 =	simm.s32 @!p0 $0x108  }
0x21: {  	s3 =	sadd.s32 s3, s9;
	s6 =	sadd.s32 @!p0 $0x88, s6;
	s7 =	simm.s32 @p2 $0x1082  }
0x22: {  	[simem:s7], [sflag:s8] =	dma.local @!p0 [hbm:s6], $0xF7A  }
0x23: {  	s9 =	sor.u32 $0xD0000000, s2;
	s6 =	simm.s32 $0x108;
	_ =	swait.ge @!p0 [sflag:s8], $0x0  }
0x24: {  	s3 =	sadd.s32 $0x88, s3;
	s6 =	simm.s32 @!p1 $0x1082;
	[sflag:s4] =	ssyncset.s32 $0xFFFFF086  }
0x25: {  	[simem:s6], [sflag:s4] =	dma.local [hbm:s3], $0xF7A  }
0x26: {  	[smem:$0x3F9A] =	sst s1;
	(tag) =	ssettag s2;
	_ =	strace s9  }
0x27: {  	s1 =	sld [smem:$0x3FAA]  }
0x28: {  	s2 =	sld [smem:$0x3FAB]  }
0x29: {  	s4 =	sld [smem:$0x3FAD]  }
0x2a: {  	p0 =	seq.s32 s5, $0x0;
	s5 =	sld [smem:$0x3FAE]  }
0x2b: {  	s6 =	sld [smem:$0x3FAF]  }
0x2c: {  	s7 =	sld [smem:$0x3FB0]  }
0x2d: {  	s3 =	simm.s32 $0x108;
	s8 =	sld [smem:$0x3FB1]  }
0x2e: {  	s3 =	simm.s32 @!p0 $0x1082;
	s9 =	sld [smem:$0x3FB2]  }
0x2f: {  	lr =	sadd.s32 s0, s3;
	s0 =	sld [smem:$0x3FA9]  }
0x30: {  	s3 =	sld [smem:$0x3FAC]  }
0x31: {  	[smem:$0x3FB5] =	sst s10  }
0x32: {  	s10 =	sld [smem:$0x3FB3];
	_ =	sdelay $0x3  }
0x33: {  	p0 =	seq.s32 s10, $0x1;
	s10 =	sld [smem:$0x3FB5];
	_ =	sdelay $0x3  }
0x34: {  	[smem:$0x3FB5] =	sst s10  }
0x35: {  	s10 =	sld [smem:$0x3FB4];
	_ =	sdelay $0x3  }
0x36: {  	p1 =	seq.s32 s10, $0x1;
	s10 =	sld [smem:$0x3FB5];
	_ =	sdelay $0x3  }
0x37: {  	[smem:$0x3FB5] =	sst s10  }
0x38: {  	s10 =	sld [smem:$0x3FB6]  }
0x39: {  	_ = 	snop;
	(pc) =	sbr.ind lr, $3  }
0x3a: {  	_ = 	snop  }
0x3b: {  	_ = 	snop  }
0x3c: {  	p2 =	seq.s32 s10, $0x1;
	s10 =	sld [smem:$0x3FB5]  }
0x3d: {  	_ =	shalt  }
0x3e: {  	_ =	shalt  }
0x3f: {  	_ =	shalt  }
0x40: {  	_ =	shalt  }
0x41: {  	_ =	shalt  }
0x42: {  	_ =	shalt  }
0x43: {  	_ =	shalt  }
0x44: {  	_ =	shalt  }
0x45: {  	_ =	shalt  }
0x46: {  	_ =	shalt  }
0x47: {  	_ =	shalt  }
0x48: {  	_ =	shalt  }
0x49: {  	_ =	shalt  }
0x4a: {  	_ =	shalt  }
0x4b: {  	_ =	shalt  }
0x4c: {  	_ =	shalt  }
0x4d: {  	_ =	shalt  }
0x4e: {  	_ =	shalt  }
0x4f: {  	_ =	shalt  }
0x50: {  	_ =	shalt  }
0x51: {  	_ =	shalt  }
0x52: {  	_ =	shalt  }
0x53: {  	_ =	shalt  }
0x54: {  	_ =	shalt  }
0x55: {  	_ =	shalt  }
0x56: {  	_ =	shalt  }
0x57: {  	_ =	shalt  }
0x58: {  	_ =	shalt  }
0x59: {  	_ =	shalt  }
0x5a: {  	_ =	shalt  }
0x5b: {  	_ =	shalt  }
0x5c: {  	_ =	shalt  }
0x5d: {  	_ =	shalt  }
0x5e: {  	_ =	shalt  }
0x5f: {  	_ =	shalt  }
0x60: {  	_ =	shalt  }
0x61: {  	_ =	shalt  }
0x62: {  	_ =	shalt  }
0x63: {  	_ =	shalt  }
0x64: {  	_ =	shalt  }
0x65: {  	_ =	shalt  }
0x66: {  	_ =	shalt  }
0x67: {  	_ =	shalt  }
0x68: {  	_ =	shalt  }
0x69: {  	_ =	shalt  }
0x6a: {  	_ =	shalt  }
0x6b: {  	_ =	shalt  }
0x6c: {  	_ =	shalt  }
0x6d: {  	_ =	shalt  }
0x6e: {  	_ =	shalt  }
0x6f: {  	_ =	shalt  }
0x70: {  	_ =	shalt  }
0x71: {  	_ =	shalt  }
0x72: {  	_ =	shalt  }
0x73: {  	_ =	shalt  }
0x74: {  	_ =	shalt  }
0x75: {  	_ =	shalt  }
0x76: {  	_ =	shalt  }
0x77: {  	_ =	shalt  }
0x78: {  	_ =	shalt  }
0x79: {  	_ =	shalt  }
0x7a: {  	_ =	shalt  }
0x7b: {  	_ =	shalt  }
0x7c: {  	_ =	shalt  }
0x7d: {  	_ =	shalt  }
0x7e: {  	_ =	shalt  }
0x7f: {  	_ =	shalt  }
0x80: {  	_ =	shalt  }
0x81: {  	_ =	shalt  }
0x82: {  	_ =	shalt  }
0x83: {  	_ =	shalt  }
0x84: {  	_ =	shalt  }
0x85: {  	_ =	shalt  }
0x86: {  	_ =	shalt  }
0x87: {  	_ =	shalt  }
.Lfunc_end0:
.L_simem_size_0:
called_computation.2_lowered:
.L_overlay_start_0:
0x88: {  	s2 =	sld [smem:$0x3FD9]  }
0x89: {  	s3 =	sld [smem:$0x3FFE];
	_ =	sdelay $0x1  }
0x8a: {  	s1 =	srdreg.scid  }
0x8b: {  	s0 =	sand.u32 $0x1, s1  }
0x8c: {  	s16 =	sshll.u32 s0, $0xA;
	s2 =	sadd.s32 s3, s2  }
0x8d: {  	s2 =	sadd.s32 s2, s16  }
0x8e: {  	[smem:$0x3FC1] =	sst s2  }
0x8f: {  	_ = 	snop  }
0x90: {  	(tm) =	ssettm $0x1  }
0x91: {  	s17 =	sld [smem:$0x3FFB];
	_ =	sdelay $0x3  }
0x92: {  	_ =	strace s17  }
0x93: {  	s2 =	sld [smem:$0x3FFC];
	_ =	sdelay $0x3  }
0x94: {  	_ =	strace s2  }
0x95: {  	s2 =	sld [smem:$0x3FFD];
	_ =	sdelay $0x3  }
0x96: {  	_ =	strace s2  }
0x97: {  	_ =	strace $0x8FFFFFFF  }
0x98: {  	s18 =	sld [smem:$0x3FDB];
	_ =	sdelay $0x1  }
0x99: {  	s19 =	simm.s32 $_scs_section_size  }
0x9a: {  	s4 =	simm.s32 $_size__tile_overlayer_lowered;
	s5 =	simm.s32 $_tile_overlayer_lowered  }
0x9b: {  	s22 =	simm.s32 $0x1BFF;
	s21 =	sshll.u32 s5, $0x1;
	s2 =	sadd.s32 s19, s18  }
0x9c: {  	s6 =	simm.s32 $0x0;
	s20 =	sshll.u32 s4, $0x1;
	s4 =	sadd.s32 s21, s2  }
0x9d: {  	[timem:s6], [sflag:s22] =	dma.local [hbm:s4], s20  }
0x9e: {  	_ =	swait.ge [sflag:s22], s20  }
0x9f: {  	s3 =	ssub.s32 $0x0, s20;
	[sflag:s22] =	ssyncset.done $0x0  }
0xa0: {  	[sflag:s22] =	ssyncadd.s32 s3;
	_ =	sdelay $0x1  }
0xa1: {  	s23 =	simm.s32 $0x1B8B  }
0xa2: {  	_ =	swait.ge [sflag:s23], $0x1  }
0xa3: {  	[sflag:s23] =	ssyncset.done $0x0  }
0xa4: {  	s25 =	simm.s32 $0x1B8E;
	s24 =	sld [smem:$0x3FFE];
	[sflag:s23] =	ssyncadd.s32 $0xFFFFFFFF  }
0xa5: {  	s26 =	simm.s32 $execute0_lowered;
	[smem:$0x3FD2] =	sst s25  }
0xa6: {  	s4 =	sshll.u32 s26, $0x1;
	_ =	strace $0x8000004C;
	[dreg:$0x1] =	wrdreg $0xFFFFFFFF  }
0xa7: {  	s28 =	simm.s32 $_size_execute0_lowered;
	s2 =	sadd.s32 s2, s4;
	[dreg:$0x0] =	wrdreg $0x0  }
0xa8: {  	s4 =	sshll.u32 s28, $0x1;
	[dreg:$0x2] =	wrdreg s2  }
0xa9: {  	[dreg:$0x3] =	wrdreg s4  }
0xaa: {  	[dreg:$0x4] =	wrdreg $0xC0  }
0xab: {  	_ =	task [dreg:s6], $0x5FFFF  }
0xac: {  	[dreg:$0x1] =	wrdreg $0xFFFFFFFF  }
0xad: {  	[dreg:$0x0] =	wrdreg $0x60  }
0xae: {  	[dreg:$0x2] =	wrdreg s24  }
0xaf: {  	[dreg:$0x3] =	wrdreg $0x82000  }
0xb0: {  	[dreg:$0x4] =	wrdreg $0x9  }
0xb1: {  	_ =	task.clear_ibuf [dreg:s6], $0x5FFFF;
	_ =	strace $0x9000004C  }
0xb2: {  	s29 =	simm.s32 $0x9;
	_ =	strace $0x8000004E  }
0xb3: {  	_ =	swait.ge [sflag:s29], $0x1  }
0xb4: {  	[sflag:s29] =	ssyncadd.s32 $0xFFFFFFFF  }
0xb5: {  	_ =	strace $0x9000004E  }
0xb6: {  	_ =	sfence  }
0xb7: {  	s30 =	sld [smem:$0x0];
	_ =	sdelay $0x2  }
0xb8: {  	s31 =	sshll.u32 s1, $0xD;
	s1 =	sshrl.u32 s1, $0x2  }
0xb9: {  	s3 =	sand.u32 $0x4000, s31;
	s1 =	sadd.s32 s1, s30  }
0xba: {  	s0 =	sor.u32 s3, s0;
	s1 =	sshll.u32 s1, $0x11  }
0xbb: {  	s0 =	sor.u32 s1, s0  }
0xbc: {  	s0 =	sadd.s32 $0x8F2B, s0  }
0xbd: {  	[sflag:s0] =	ssyncadd.remote.s32 $0x1  }
0xbe: {  	_ =	sfence.sel $0xFFFF  }
0xbf: {  	[dreg:$0x0] =	wrdreg $0xFFFFFFFF;
	(pc) =	sbr.abs _section_cstart, $3  }
0xc0: {  	[dreg:$0x1] =	wrdreg $0xFFFFFFFF  }
0xc1: {  	_ =	task.clear_ibuf [dreg:s6], $0x2FFFF;
	_ =	strace $0x9FFFFFFF  }
0xc2: {  	(tm) =	ssettm $0x7FFFFFFF  }
0xc3: {  	_ =	shalt  }
tec
execute0_lowered:
.L_overlay_start_1:
0x0: {  	(tag) =	ssettag $0x1  }
0x1: {  	s0 =	rddreg [dreg:$0x0]  }
0x2: {  	s2 =	rddreg [dreg:$0x1];
	s3 =	simm.s32 $0x0  }
0x3: {  	s14 =	stileid.u32;
	s1 =	srdreg.scid;
	s28 =	simm.s32 $0x180  }
0x4: {  	s29 =	simm.s32 $0x3;
	s30 =	simm.s32 $0x2;
	s31 =	simm.s32 $0x4200  }
0x5: {  	[smem:$0x7FF] =	sst s3;
	s1 =	sand.u32 $0x1, s1;
	s7 =	smul.u32 $0x2800, s14  }
0x6: {  	s5 =	sshll.u32 s14, $0x1;
	s4 =	sadd.s32 $0x22800, s0;
	s11 =	smul.u32 $0x50000, s14  }
0x7: {  	s6 =	sadd.s32 $0xEC00, s0;
	s12 =	sadd.s32 $0x97E00, s0;
	s20 =	smul.u32 $0x4F00, s14  }
0x8: {  	s17 =	sadd.s32 $0x12C000, s2;
	p0 =	seq.s32 s14, $0xF;
	s16 =	smul.u32 $0x27100, s1  }
0x9: {  	_ =	strace $0x8000004D;
	s8 =	sor.u32 s1, s5;
	s18 =	smul.u32 $0x138800, s1  }
0xa: {  	s5 =	sadd.s32 $0x18A00, s0;
	s10 =	ssub.s32 $0x2, s1;
	s1 =	smul.u32 $0x2780, s1  }
0xb: {  	[dreg:$0x7] =	wrdreg s17;
	s8 =	smul.u32 $0x2780, s8;
	s9 =	sadd.s32 s7, s0  }
0xc: {  	s13 =	sshrl.u32 s10, $0x1;
	s11 =	sshrl.u32 s11, $0x2;
	s0 =	sadd.s32 $0x96400, s0  }
0xd: {  	s10 =	ssub.s32 s10, s13;
	s11 =	sadd.s32 s11, s2;
	s9 =	sadd.s32 $0x70C00, s9  }
0xe: {  	[dreg:$0x8] =	wrdreg s0;
	s21 =	sadd.s32 s7, s16;
	s23 =	sadd.s32 s1, s20  }
0xf: {  	s1 =	simm.s32 $0x4;
	s7 =	simm.s32 $0x0;
	[dreg:$0x5] =	wrdreg s11  }
0x10: {  	s8 =	sshrl.u32 s8, $0x3;
	[dreg:$0x6] =	wrdreg s9;
	s9 =	sshrl.u32 s18, $0x3  }
0x11: {  	s17 =	smax.u32 s10, $0x1;
	s25 =	sadd.s32 $0x180, s23;
	s26 =	sadd.s32 s5, s8  }
0x12: {  	s15 =	sadd.s32 s6, s8;
	s19 =	sadd.s32 $0x10, s8;
	[dreg:$0x3] =	wrdreg s26  }
0x13: {  	s22 =	sadd.s32 s12, s9;
	s24 =	sadd.s32 $0x4E0, s8;
	[dreg:$0x4] =	wrdreg s15  }
0x14: {  	s15 =	sadd.s32 s5, s19;
	s0 =	sadd.s32 s6, s19;
	s16 =	sadd.s32 $0x25800, s22  }
0x15: {  	s18 =	sadd.s32 s5, s24;
	s19 =	sadd.s32 s6, s24;
	s26 =	sshrl.u32 s25, $0x3  }
0x16: {  	s22 =	sadd.s32 $0x100, s23;
	s23 =	simm.s32 $0x100;
	[dreg:$0x9] =	wrdreg s15  }
0x17: {  	s24 =	simm.s32 $0x1;
	s25 =	simm.s32 $0x80;
	[dreg:$0xa] =	wrdreg s0  }
0x18: {  	s0 =	sadd.s32 s12, s21;
	s20 =	sadd.s32 s26, s6;
	s21 =	sadd.s32 s26, s5  }
0x19: {  	s26 =	simm.s32 $0x200;
	[dreg:$0xb] =	wrdreg s0;
	s0 =	simm.s32 $0x5  }
.LBB2_1:
0x1a: {  	s8 =	rddreg [dreg:$0x3]  }
0x1b: {  	s11 =	rddreg [dreg:$0x4]  }
0x1c: {  	[tilespmem:s3], [sflag:$0x1] =	stream.linear.gather [hbm4b:s8+s3], $0x80, $0x38;
	[tilespmem:$0x1BB00] =	vst v63  }
0x1d: {  	s8 =	rddreg [dreg:$0x7]  }
0x1e: {  	s9 =	simm.s32 @p0 $0x1FC5;
	s10 =	rddreg [dreg:$0x8];
	s8 =	sshrl.u32 @p0 s8, $0x3  }
0x1f: {  	[tilespmem:s23], [sflag:$0x1] =	stream.linear.gather [hbm4b:s11+s3], $0x80, $0x38;
	[tilespmem:$0x1BB00] =	vst v63  }
0x20: {  	[spmem:s8], [sflag:s9] =	dma.local @p0 [hbm:s10], $0x1900  }
0x21: {  	s9 =	simm.s32 @p0 $0x5  }
0x22: {  	s10 =	stileid.u32;
	_ =	swait.ge @p0 [sflag:s9], $0x1900  }
0x23: {  	s10 =	sshll.u32 @!p0 s10, $0x6;
	[sflag:s9] =	ssyncset.done @p0 $0x0  }
0x24: {  	[sflag:s9] =	ssyncadd.s32 @p0 $0xFFFFE700;
	s9 =	sor.u32 @!p0 $0x1C05, s10;
	s10 =	rddreg [dreg:$0x5]  }
0x25: {  	s11 =	rddreg [dreg:$0x6];
	s10 =	sshrl.u32 @!p0 s10, $0x3  }
0x26: {  	[spmem:s10], [sflag:s9] =	dma.local @!p0 [hbm:s11], $0x2800  }
0x27: {  	s11 =	simm.s32 @!p0 $0x5  }
0x28: {  	_ =	swait.ge @!p0 [sflag:s11], $0x2800  }
0x29: {  	[sflag:s11] =	ssyncset.done @!p0 $0x0  }
0x2a: {  	[sflag:s11] =	ssyncadd.s32 @!p0 $0xFFFFD800  }
0x2b: {  	[bflag:$0x0] =	sbarrier.arrive $0xFFFF  }
0x2c: {  	_ =	swait.ge [sflag:s24], $0x80  }
0x2d: {  	[sflag:s24] =	ssyncset.done $0x0  }
0x2e: {  	[sflag:s24] =	ssyncadd.s32 $0xFFFFFF80  }
0x2f: {  	_ =	swait.ge [sflag:s24], $0x80  }
0x30: {  	[sflag:s24] =	ssyncset.done $0x0  }
0x31: {  	[sflag:s24] =	ssyncadd.s32 $0xFFFFFF80  }
0x32: {  	[tilespmem:s26], [sflag:$0x3] =	stream.indirect.gather [hbm4b:s4+s25], $0x80, s3, s25, $0xb8;
	[tilespmem:$0x1BB00] =	vst v63  }
0x33: {  	s12 =	rddreg [dreg:$0x9]  }
0x34: {  	[tilespmem:s25], [sflag:$0x2] =	stream.linear.gather [hbm4b:s12+s3], $0x80, $0x38;
	[tilespmem:$0x1BB00] =	vst v63  }
0x35: {  	s13 =	rddreg [dreg:$0xa]  }
0x36: {  	[tilespmem:s28], [sflag:$0x2] =	stream.linear.gather [hbm4b:s13+s3], $0x80, $0x38;
	[tilespmem:$0x1BB00] =	vst v63  }
0x37: {  	_ =	swait.ge [sflag:s29], $0x4000  }
0x38: {  	[sflag:s29] =	ssyncset.done $0x0  }
0x39: {  	[sflag:s29] =	ssyncadd.s32 $0xFFFFC000  }
0x3a: {  	_ =	swait.ge [sflag:s30], $0x80  }
0x3b: {  	[sflag:s30] =	ssyncset.done $0x0  }
0x3c: {  	[sflag:s30] =	ssyncadd.s32 $0xFFFFFF80  }
0x3d: {  	_ =	swait.ge [sflag:s30], $0x80  }
0x3e: {  	[sflag:s30] =	ssyncset.done $0x0  }
0x3f: {  	[sflag:s30] =	ssyncadd.s32 $0xFFFFFF80  }
0x40: {  	[tilespmem:s31], [sflag:$0x4] =	stream.indirect.gather [hbm4b:s4+s25], $0x80, s25, s25, $0xb8;
	[tilespmem:$0x1BB00] =	vst v63  }
0x41: {  	_ = 	snop  }
0x42: {  	[spmem:s2] =	stream.indirect.scatter.add.f32 [tilespmem:s26], [sflag:$0x5], $0x80, s23, s25, $0xb8;
	[tilespmem:$0x1BB00] =	vst v63  }
0x43: {  	_ =	swait.ge [sflag:s0], $0x4000  }
0x44: {  	s14 =	sshrl.u32 s22, $0x3;
	[sflag:s0] =	ssyncset.done $0x0  }
0x45: {  	s12 =	sadd.s32 s5, s14;
	[sflag:s0] =	ssyncadd.s32 $0xFFFFC000  }
0x46: {  	[tilespmem:s3], [sflag:$0x1] =	stream.linear.gather [hbm4b:s12+s3], $0x80, $0x38;
	[tilespmem:$0x1BB00] =	vst v63  }
0x47: {  	s11 =	sadd.s32 s6, s14  }
0x48: {  	[tilespmem:s23], [sflag:$0x1] =	stream.linear.gather [hbm4b:s11+s3], $0x80, $0x38;
	[tilespmem:$0x1BB00] =	vst v63  }
0x49: {  	_ =	swait.ge [sflag:s1], $0x4000  }
0x4a: {  	[sflag:s1] =	ssyncset.done $0x0  }
0x4b: {  	[sflag:s1] =	ssyncadd.s32 $0xFFFFC000  }
0x4c: {  	_ =	swait.ge [sflag:s24], $0x80  }
0x4d: {  	[sflag:s24] =	ssyncset.done $0x0  }
0x4e: {  	[sflag:s24] =	ssyncadd.s32 $0xFFFFFF80  }
0x4f: {  	_ =	swait.ge [sflag:s24], $0x80  }
0x50: {  	[sflag:s24] =	ssyncset.done $0x0  }
0x51: {  	[sflag:s24] =	ssyncadd.s32 $0xFFFFFF80  }
0x52: {  	[tilespmem:s26], [sflag:$0x3] =	stream.indirect.gather [hbm4b:s4+s25], $0x80, s3, s25, $0xb8;
	[tilespmem:$0x1BB00] =	vst v63  }
0x53: {  	_ = 	snop  }
0x54: {  	[spmem:s2] =	stream.indirect.scatter.add.f32 [tilespmem:s31], [sflag:$0x5], $0x80, s28, s25, $0xb8;
	[tilespmem:$0x1BB00] =	vst v63  }
0x55: {  	_ =	swait.ge [sflag:s0], $0x4000  }
0x56: {  	s15 =	sadd.s32 $0x0, s21;
	s13 =	sadd.s32 $0x0, s20;
	[sflag:s0] =	ssyncset.done $0x0  }
0x57: {  	s12 =	sadd.s32 $0x100, s22;
	s11 =	simm.s32 $0x20;
	[sflag:s0] =	ssyncadd.s32 $0xFFFFC000  }
0x58: {  	[tilespmem:s25], [sflag:$0x2] =	stream.linear.gather [hbm4b:s15+s3], $0x80, $0x38;
	[tilespmem:$0x1BB00] =	vst v63  }
.LBB2_2:
0x59: {  	[tilespmem:s28], [sflag:$0x2] =	stream.linear.gather [hbm4b:s13+s3], $0x80, $0x38;
	[tilespmem:$0x1BB00] =	vst v63  }
0x5a: {  	s13 =	smov.u32 s11  }
0x5b: {  	p1 =	sne.s32 s11, $0x4A0;
	s11 =	sadd.s32 $0x20, s11;
	_ =	swait.ge [sflag:s29], $0x4000  }
0x5c: {  	[sflag:s29] =	ssyncset.done $0x0  }
0x5d: {  	[sflag:s29] =	ssyncadd.s32 $0xFFFFC000  }
0x5e: {  	_ =	swait.ge [sflag:s30], $0x80  }
0x5f: {  	[sflag:s30] =	ssyncset.done $0x0  }
0x60: {  	[sflag:s30] =	ssyncadd.s32 $0xFFFFFF80  }
0x61: {  	_ =	swait.ge [sflag:s30], $0x80  }
0x62: {  	[sflag:s30] =	ssyncset.done $0x0  }
0x63: {  	[sflag:s30] =	ssyncadd.s32 $0xFFFFFF80  }
0x64: {  	[tilespmem:s31], [sflag:$0x4] =	stream.indirect.gather [hbm4b:s4+s25], $0x80, s25, s25, $0xb8;
	[tilespmem:$0x1BB00] =	vst v63  }
0x65: {  	_ = 	snop  }
0x66: {  	[spmem:s2] =	stream.indirect.scatter.add.f32 [tilespmem:s26], [sflag:$0x5], $0x80, s23, s25, $0xb8;
	[tilespmem:$0x1BB00] =	vst v63  }
0x67: {  	_ =	swait.ge [sflag:s0], $0x4000  }
0x68: {  	s14 =	sshrl.u32 s12, $0x3;
	[sflag:s0] =	ssyncset.done $0x0  }
0x69: {  	s15 =	sadd.s32 s5, s14;
	[sflag:s0] =	ssyncadd.s32 $0xFFFFC000  }
0x6a: {  	[tilespmem:s3], [sflag:$0x1] =	stream.linear.gather [hbm4b:s15+s3], $0x80, $0x38;
	[tilespmem:$0x1BB00] =	vst v63  }
0x6b: {  	s14 =	sadd.s32 s6, s14  }
0x6c: {  	[tilespmem:s23], [sflag:$0x1] =	stream.linear.gather [hbm4b:s14+s3], $0x80, $0x38;
	[tilespmem:$0x1BB00] =	vst v63  }
0x6d: {  	_ =	swait.ge [sflag:s1], $0x4000  }
0x6e: {  	[sflag:s1] =	ssyncset.done $0x0  }
0x6f: {  	[sflag:s1] =	ssyncadd.s32 $0xFFFFC000  }
0x70: {  	_ =	swait.ge [sflag:s24], $0x80  }
0x71: {  	[sflag:s24] =	ssyncset.done $0x0  }
0x72: {  	[sflag:s24] =	ssyncadd.s32 $0xFFFFFF80  }
0x73: {  	_ =	swait.ge [sflag:s24], $0x80  }
0x74: {  	[sflag:s24] =	ssyncset.done $0x0  }
0x75: {  	[sflag:s24] =	ssyncadd.s32 $0xFFFFFF80  }
0x76: {  	[tilespmem:s26], [sflag:$0x3] =	stream.indirect.gather [hbm4b:s4+s25], $0x80, s3, s25, $0xb8;
	[tilespmem:$0x1BB00] =	vst v63  }
0x77: {  	_ = 	snop  }
0x78: {  	[spmem:s2] =	stream.indirect.scatter.add.f32 [tilespmem:s31], [sflag:$0x5], $0x80, s28, s25, $0xb8;
	[tilespmem:$0x1BB00] =	vst v63  }
.Ltmp0:
0x79: {  	_ =	swait.ge [sflag:s0], $0x4000;
	(pc) =	sbr.rel @p1 .LBB2_2-.Ltmp0, $4  }
0x7a: {  	[sflag:s0] =	ssyncset.done $0x0  }
0x7b: {  	s14 =	sadd.s32 s13, s21;
	[sflag:s0] =	ssyncadd.s32 $0xFFFFC000  }
0x7c: {  	[tilespmem:s25], [sflag:$0x2] =	stream.linear.gather [hbm4b:s14+s3], $0x80, $0x38;
	[tilespmem:$0x1BB00] =	vst v63  }
0x7d: {  	s12 =	sadd.s32 $0x100, s12;
	s13 =	sadd.s32 s13, s20  }
0x7e: {  	[tilespmem:s28], [sflag:$0x2] =	stream.linear.gather [hbm4b:s13+s3], $0x80, $0x38;
	[tilespmem:$0x1BB00] =	vst v63  }
0x7f: {  	_ =	swait.ge [sflag:s29], $0x4000  }
0x80: {  	[sflag:s29] =	ssyncset.done $0x0  }
0x81: {  	[sflag:s29] =	ssyncadd.s32 $0xFFFFC000  }
0x82: {  	_ =	swait.ge [sflag:s30], $0x80  }
0x83: {  	[sflag:s30] =	ssyncset.done $0x0  }
0x84: {  	[sflag:s30] =	ssyncadd.s32 $0xFFFFFF80  }
0x85: {  	_ =	swait.ge [sflag:s30], $0x80  }
0x86: {  	[sflag:s30] =	ssyncset.done $0x0  }
0x87: {  	[sflag:s30] =	ssyncadd.s32 $0xFFFFFF80  }
0x88: {  	[tilespmem:s31], [sflag:$0x4] =	stream.indirect.gather [hbm4b:s4+s25], $0x80, s25, s25, $0xb8;
	[tilespmem:$0x1BB00] =	vst v63  }
0x89: {  	_ = 	snop  }
0x8a: {  	[spmem:s2] =	stream.indirect.scatter.add.f32 [tilespmem:s26], [sflag:$0x5], $0x80, s23, s25, $0xb8;
	[tilespmem:$0x1BB00] =	vst v63  }
0x8b: {  	_ =	swait.ge [sflag:s0], $0x4000  }
0x8c: {  	[sflag:s0] =	ssyncset.done $0x0  }
0x8d: {  	[sflag:s0] =	ssyncadd.s32 $0xFFFFC000  }
0x8e: {  	[tilespmem:s3], [sflag:$0x1] =	stream.linear.gather [hbm4b:s18+s3], $0x80, $0x38;
	[tilespmem:$0x1BB00] =	vst v63  }
0x8f: {  	_ = 	snop  }
0x90: {  	[tilespmem:s23], [sflag:$0x1] =	stream.linear.gather [hbm4b:s19+s3], $0x80, $0x38;
	[tilespmem:$0x1BB00] =	vst v63  }
0x91: {  	_ =	swait.ge [sflag:s1], $0x4000  }
0x92: {  	[sflag:s1] =	ssyncset.done $0x0  }
0x93: {  	[sflag:s1] =	ssyncadd.s32 $0xFFFFC000  }
0x94: {  	_ =	swait.ge [sflag:s24], $0x80  }
0x95: {  	[sflag:s24] =	ssyncset.done $0x0  }
0x96: {  	[sflag:s24] =	ssyncadd.s32 $0xFFFFFF80  }
0x97: {  	_ =	swait.ge [sflag:s24], $0x80  }
0x98: {  	[sflag:s24] =	ssyncset.done $0x0  }
0x99: {  	[sflag:s24] =	ssyncadd.s32 $0xFFFFFF80  }
0x9a: {  	[tilespmem:s26], [sflag:$0x3] =	stream.indirect.gather [hbm4b:s4+s25], $0x80, s3, s25, $0xb8;
	[tilespmem:$0x1BB00] =	vst v63  }
0x9b: {  	_ = 	snop  }
0x9c: {  	[spmem:s2] =	stream.indirect.scatter.add.f32 [tilespmem:s31], [sflag:$0x5], $0x80, s28, s25, $0xb8;
	[tilespmem:$0x1BB00] =	vst v63  }
0x9d: {  	_ =	swait.ge [sflag:s0], $0x4000  }
0x9e: {  	[sflag:s0] =	ssyncset.done $0x0  }
0x9f: {  	[sflag:s0] =	ssyncadd.s32 $0xFFFFC000  }
0xa0: {  	_ =	swait.ge [sflag:s29], $0x4000  }
0xa1: {  	[sflag:s29] =	ssyncset.done $0x0  }
0xa2: {  	[sflag:s29] =	ssyncadd.s32 $0xFFFFC000  }
0xa3: {  	[spmem:s2] =	stream.indirect.scatter.add.f32 [tilespmem:s26], [sflag:$0x5], $0x80, s23, s25, $0xb8;
	[tilespmem:$0x1BB00] =	vst v63  }
0xa4: {  	_ =	swait.ge [sflag:s0], $0x4000  }
0xa5: {  	[sflag:s0] =	ssyncset.done $0x0  }
0xa6: {  	[sflag:s0] =	ssyncadd.s32 $0xFFFFC000  }
0xa7: {  	s11 =	simm.s32 @p0 $0x1FC5;
	[bflag:$0x0] =	sbarrier.arrive $0xFFFF  }
0xa8: {  	[hbm:s16], [sflag:s11] =	dma.local @p0 [spmem:s8], $0x1900  }
0xa9: {  	s8 =	simm.s32 @p0 $0x5  }
0xaa: {  	_ =	swait.ge @p0 [sflag:s8], $0x1900  }
0xab: {  	s7 =	sadd.s32 $0x1, s7;
	[sflag:s8] =	ssyncset.done @p0 $0x0  }
0xac: {  	p1 =	sne.s32 s7, s17;
	[sflag:s8] =	ssyncadd.s32 @p0 $0xFFFFE700;
	s8 =	rddreg [dreg:$0xb]  }
0xad: {  	[hbm:s8], [sflag:s9] =	dma.local @!p0 [spmem:s10], $0x2800  }
.Ltmp1:
0xae: {  	_ = 	snop;
	(pc) =	sbr.rel @p1 .LBB2_1-.Ltmp1, $4  }
0xaf: {  	s8 =	simm.s32 @!p0 $0x5  }
0xb0: {  	_ =	swait.ge @!p0 [sflag:s8], $0x2800  }
0xb1: {  	[sflag:s8] =	ssyncset.done @!p0 $0x0  }
0xb2: {  	[sflag:s8] =	ssyncadd.s32 @!p0 $0xFFFFD800  }
0xb3: {  	_ =	sfence.sel $0x180000  }
0xb4: {  	[bflag:$0x0] =	sbarrier.arrive $0xFFFF  }
0xb5: {  	_ =	strace $0x9000004D  }
0xb6: {  	s0 =	stileid.u32;
	[bflag:$0x2] =	sbarrier.arrive $0xFFFF  }
0xb7: {  	p0 =	sne.s32 s0, $0x0;
	s0 =	rddreg [dreg:$0x2]  }
0xb8: {  	s0 =	sadd.s32 @!p0 $0x100000, s0  }
0xb9: {  	[sflag:s0] =	ssyncadd.tile.s32 @!p0 $0x1;
	_ =	shalt  }
.Lfunc_end2:
_tile_overlayer_lowered:
.L_overlay_start_2:
0xba: {  	(tag) =	ssettag $0x2  }
0xbb: {  	s0 =	rddreg [dreg:$0x0];
	s2 =	stileid.u32  }
0xbc: {  	s1 =	rddreg [dreg:$0x1];
	p0 =	sne.s32 s2, $0x0  }
0xbd: {  	s3 =	rddreg [dreg:$0x2];
	[bflag:$0x3] =	sbarrier.arrive $0xFFFF;
	s2 =	simm.s32 @!p0 $0x1C05  }
0xbe: {  	[timem:s3], [sflag:s2] =	dma.local @!p0 [hbm:s0], s1  }
0xbf: {  	s0 =	simm.s32 @!p0 $0x5  }
0xc0: {  	_ =	swait.ge @!p0 [sflag:s0], s1  }
0xc1: {  	s1 =	ssub.s32 @!p0 $0x0, s1;
	[sflag:s0] =	ssyncset.done @!p0 $0x0  }
0xc2: {  	[sflag:s0] =	ssyncadd.s32 @!p0 s1  }
0xc3: {  	[bflag:$0x3] =	sbarrier.arrive $0xFFFF  }
0xc4: {  	_ =	shalt  }

// kernel: kernel.8.cloned.1.call-start
scs
__scs_entry_jumppad:
0x0: {  	(pc) =	sbr.rel $0x88, $3  }
0x1: {  	(tag) =	ssettag $0x0;
	lr =	simm.s32 $0x1  }
0x2: {  	[smem:$0x3F9A] =	sst lr;
	_ =	strace $0xD0000000  }
0x3: {  	_ = 	snop  }
0x4: {  	_ = 	snop  }
0x5: {  	_ = 	snop  }
0x6: {  	_ = 	snop  }
0x7: {  	_ = 	snop  }
__scs_overlays_trampoline_lowered:
0x8: {  	[smem:$0x3FA9] =	sst s0  }
0x9: {  	[smem:$0x3FAA] =	sst s1  }
0xa: {  	[smem:$0x3FAB] =	sst s2  }
0xb: {  	[smem:$0x3FAC] =	sst s3  }
0xc: {  	[smem:$0x3FAD] =	sst s4  }
0xd: {  	[smem:$0x3FAE] =	sst s5  }
0xe: {  	[smem:$0x3FAF] =	sst s6  }
0xf: {  	[smem:$0x3FB0] =	sst s7  }
0x10: {  	[smem:$0x3FB1] =	sst s8  }
0x11: {  	[smem:$0x3FB2] =	sst s9;
	s0 =	simm.s32 @!p0 $0x0  }
0x12: {  	s1 =	sld [smem:$0x3F98];
	s0 =	simm.s32 @p0 $0x1  }
0x13: {  	[smem:$0x3FB3] =	sst s0;
	s0 =	simm.s32 @!p1 $0x0  }
0x14: {  	s2 =	sld [smem:$0x3F97];
	s0 =	simm.s32 @p1 $0x1  }
0x15: {  	[smem:$0x3FB4] =	sst s0;
	s0 =	simm.s32 @!p2 $0x0  }
0x16: {  	s3 =	sld [smem:$0x3FDB];
	s0 =	simm.s32 @p2 $0x1  }
0x17: {  	s4 =	simm.s32 $0x1BF5;
	[smem:$0x3FB6] =	sst s0  }
0x18: {  	s0 =	sld [smem:$0x3F99];
	_ =	swait.ge [sflag:s4], $0x0  }
0x19: {  	s7 =	sld [smem:$0x3F9A]  }
0x1a: {  	s8 =	sadd.s32 $0xFFFFE003, lr  }
0x1b: {  	s9 =	sadd.s32 $0xFFFFFEF7, lr;
	s5 =	simm.s32 $0xFFFFFFFF;
	p2 =	slt.u32 s8, $0xFFFFF086  }
0x1c: {  	p1 =	slt.u32 s9, $0xF7A;
	s5 =	simm.s32 @!p2 $0x0  }
0x1d: {  	s5 =	simm.s32 @p1 $0x1;
	p0 =	seq.s32 s7, s2  }
0x1e: {  	s7 =	smul.u32 @!p0 $0xF7A, s2;
	p2 =	seq.s32 @!p0 s5, $0x0  }
0x1f: {  	s9 =	smul.u32 $0xF7A, s1;
	s8 =	simm.s32 @!p0 $0x1BF5;
	p2 =	por !p2, p0  }
0x20: {  	[sflag:s8] =	ssyncset.s32 @!p0 $0xFFFFF086;
	s6 =	sadd.s32 @!p0 s3, s7;
	s7 =	simm.s32 @!p0 $0x108  }
0x21: {  	s3 =	sadd.s32 s3, s9;
	s6 =	sadd.s32 @!p0 $0x88, s6;
	s7 =	simm.s32 @p2 $0x1082  }
0x22: {  	[simem:s7], [sflag:s8] =	dma.local @!p0 [hbm:s6], $0xF7A  }
0x23: {  	s9 =	sor.u32 $0xD0000000, s2;
	s6 =	simm.s32 $0x108;
	_ =	swait.ge @!p0 [sflag:s8], $0x0  }
0x24: {  	s3 =	sadd.s32 $0x88, s3;
	s6 =	simm.s32 @!p1 $0x1082;
	[sflag:s4] =	ssyncset.s32 $0xFFFFF086  }
0x25: {  	[simem:s6], [sflag:s4] =	dma.local [hbm:s3], $0xF7A  }
0x26: {  	[smem:$0x3F9A] =	sst s1;
	(tag) =	ssettag s2;
	_ =	strace s9  }
0x27: {  	s1 =	sld [smem:$0x3FAA]  }
0x28: {  	s2 =	sld [smem:$0x3FAB]  }
0x29: {  	s4 =	sld [smem:$0x3FAD]  }
0x2a: {  	p0 =	seq.s32 s5, $0x0;
	s5 =	sld [smem:$0x3FAE]  }
0x2b: {  	s6 =	sld [smem:$0x3FAF]  }
0x2c: {  	s7 =	sld [smem:$0x3FB0]  }
0x2d: {  	s3 =	simm.s32 $0x108;
	s8 =	sld [smem:$0x3FB1]  }
0x2e: {  	s3 =	simm.s32 @!p0 $0x1082;
	s9 =	sld [smem:$0x3FB2]  }
0x2f: {  	lr =	sadd.s32 s0, s3;
	s0 =	sld [smem:$0x3FA9]  }
0x30: {  	s3 =	sld [smem:$0x3FAC]  }
0x31: {  	[smem:$0x3FB5] =	sst s10  }
0x32: {  	s10 =	sld [smem:$0x3FB3];
	_ =	sdelay $0x3  }
0x33: {  	p0 =	seq.s32 s10, $0x1;
	s10 =	sld [smem:$0x3FB5];
	_ =	sdelay $0x3  }
0x34: {  	[smem:$0x3FB5] =	sst s10  }
0x35: {  	s10 =	sld [smem:$0x3FB4];
	_ =	sdelay $0x3  }
0x36: {  	p1 =	seq.s32 s10, $0x1;
	s10 =	sld [smem:$0x3FB5];
	_ =	sdelay $0x3  }
0x37: {  	[smem:$0x3FB5] =	sst s10  }
0x38: {  	s10 =	sld [smem:$0x3FB6]  }
0x39: {  	_ = 	snop;
	(pc) =	sbr.ind lr, $3  }
0x3a: {  	_ = 	snop  }
0x3b: {  	_ = 	snop  }
0x3c: {  	p2 =	seq.s32 s10, $0x1;
	s10 =	sld [smem:$0x3FB5]  }
0x3d: {  	_ =	shalt  }
0x3e: {  	_ =	shalt  }
0x3f: {  	_ =	shalt  }
0x40: {  	_ =	shalt  }
0x41: {  	_ =	shalt  }
0x42: {  	_ =	shalt  }
0x43: {  	_ =	shalt  }
0x44: {  	_ =	shalt  }
0x45: {  	_ =	shalt  }
0x46: {  	_ =	shalt  }
0x47: {  	_ =	shalt  }
0x48: {  	_ =	shalt  }
0x49: {  	_ =	shalt  }
0x4a: {  	_ =	shalt  }
0x4b: {  	_ =	shalt  }
0x4c: {  	_ =	shalt  }
0x4d: {  	_ =	shalt  }
0x4e: {  	_ =	shalt  }
0x4f: {  	_ =	shalt  }
0x50: {  	_ =	shalt  }
0x51: {  	_ =	shalt  }
0x52: {  	_ =	shalt  }
0x53: {  	_ =	shalt  }
0x54: {  	_ =	shalt  }
0x55: {  	_ =	shalt  }
0x56: {  	_ =	shalt  }
0x57: {  	_ =	shalt  }
0x58: {  	_ =	shalt  }
0x59: {  	_ =	shalt  }
0x5a: {  	_ =	shalt  }
0x5b: {  	_ =	shalt  }
0x5c: {  	_ =	shalt  }
0x5d: {  	_ =	shalt  }
0x5e: {  	_ =	shalt  }
0x5f: {  	_ =	shalt  }
0x60: {  	_ =	shalt  }
0x61: {  	_ =	shalt  }
0x62: {  	_ =	shalt  }
0x63: {  	_ =	shalt  }
0x64: {  	_ =	shalt  }
0x65: {  	_ =	shalt  }
0x66: {  	_ =	shalt  }
0x67: {  	_ =	shalt  }
0x68: {  	_ =	shalt  }
0x69: {  	_ =	shalt  }
0x6a: {  	_ =	shalt  }
0x6b: {  	_ =	shalt  }
0x6c: {  	_ =	shalt  }
0x6d: {  	_ =	shalt  }
0x6e: {  	_ =	shalt  }
0x6f: {  	_ =	shalt  }
0x70: {  	_ =	shalt  }
0x71: {  	_ =	shalt  }
0x72: {  	_ =	shalt  }
0x73: {  	_ =	shalt  }
0x74: {  	_ =	shalt  }
0x75: {  	_ =	shalt  }
0x76: {  	_ =	shalt  }
0x77: {  	_ =	shalt  }
0x78: {  	_ =	shalt  }
0x79: {  	_ =	shalt  }
0x7a: {  	_ =	shalt  }
0x7b: {  	_ =	shalt  }
0x7c: {  	_ =	shalt  }
0x7d: {  	_ =	shalt  }
0x7e: {  	_ =	shalt  }
0x7f: {  	_ =	shalt  }
0x80: {  	_ =	shalt  }
0x81: {  	_ =	shalt  }
0x82: {  	_ =	shalt  }
0x83: {  	_ =	shalt  }
0x84: {  	_ =	shalt  }
0x85: {  	_ =	shalt  }
0x86: {  	_ =	shalt  }
0x87: {  	_ =	shalt  }
.Lfunc_end0:
.L_simem_size_0:
called_computation_lowered:
.L_overlay_start_0:
0x88: {  	s2 =	sld [smem:$0x3FD9]  }
0x89: {  	s3 =	sld [smem:$0x3FFE];
	_ =	sdelay $0x1  }
0x8a: {  	s1 =	srdreg.scid  }
0x8b: {  	s0 =	sand.u32 $0x1, s1  }
0x8c: {  	s16 =	sshll.u32 s0, $0xA;
	s2 =	sadd.s32 s3, s2  }
0x8d: {  	s2 =	sadd.s32 s2, s16  }
0x8e: {  	[smem:$0x3FC1] =	sst s2  }
0x8f: {  	_ = 	snop  }
0x90: {  	(tm) =	ssettm $0x1  }
0x91: {  	s17 =	sld [smem:$0x3FFB];
	_ =	sdelay $0x3  }
0x92: {  	_ =	strace s17  }
0x93: {  	s2 =	sld [smem:$0x3FFC];
	_ =	sdelay $0x3  }
0x94: {  	_ =	strace s2  }
0x95: {  	s2 =	sld [smem:$0x3FFD];
	_ =	sdelay $0x3  }
0x96: {  	_ =	strace s2  }
0x97: {  	_ =	strace $0x8FFFFFFF  }
0x98: {  	s18 =	sld [smem:$0x3FDB];
	_ =	sdelay $0x1  }
0x99: {  	s19 =	simm.s32 $_scs_section_size  }
0x9a: {  	s4 =	simm.s32 $_size__tile_overlayer_lowered;
	s5 =	simm.s32 $_tile_overlayer_lowered  }
0x9b: {  	s22 =	simm.s32 $0x1BFF;
	s21 =	sshll.u32 s5, $0x1;
	s2 =	sadd.s32 s19, s18  }
0x9c: {  	s6 =	simm.s32 $0x0;
	s20 =	sshll.u32 s4, $0x1;
	s4 =	sadd.s32 s21, s2  }
0x9d: {  	[timem:s6], [sflag:s22] =	dma.local [hbm:s4], s20  }
0x9e: {  	_ =	swait.ge [sflag:s22], s20  }
0x9f: {  	s3 =	ssub.s32 $0x0, s20;
	[sflag:s22] =	ssyncset.done $0x0  }
0xa0: {  	[sflag:s22] =	ssyncadd.s32 s3;
	_ =	sdelay $0x1  }
0xa1: {  	s23 =	simm.s32 $0x1B8B  }
0xa2: {  	_ =	swait.ge [sflag:s23], $0x1  }
0xa3: {  	[sflag:s23] =	ssyncset.done $0x0  }
0xa4: {  	s25 =	simm.s32 $0x1B8E;
	s24 =	sld [smem:$0x3FFE];
	[sflag:s23] =	ssyncadd.s32 $0xFFFFFFFF  }
0xa5: {  	s26 =	simm.s32 $execute0_lowered;
	[smem:$0x3FD2] =	sst s25  }
0xa6: {  	s4 =	sshll.u32 s26, $0x1;
	_ =	strace $0x80000046;
	[dreg:$0x1] =	wrdreg $0xFFFFFFFF  }
0xa7: {  	s28 =	simm.s32 $_size_execute0_lowered;
	s2 =	sadd.s32 s2, s4;
	[dreg:$0x0] =	wrdreg $0x0  }
0xa8: {  	s4 =	sshll.u32 s28, $0x1;
	[dreg:$0x2] =	wrdreg s2  }
0xa9: {  	[dreg:$0x3] =	wrdreg s4  }
0xaa: {  	[dreg:$0x4] =	wrdreg $0xC0  }
0xab: {  	_ =	task [dreg:s6], $0x5FFFF  }
0xac: {  	[dreg:$0x1] =	wrdreg $0xFFFFFFFF  }
0xad: {  	[dreg:$0x0] =	wrdreg $0x60  }
0xae: {  	[dreg:$0x2] =	wrdreg s24  }
0xaf: {  	[dreg:$0x3] =	wrdreg $0x54000  }
0xb0: {  	[dreg:$0x4] =	wrdreg $0x9  }
0xb1: {  	_ =	task.clear_ibuf [dreg:s6], $0x5FFFF;
	_ =	strace $0x90000046  }
0xb2: {  	s29 =	simm.s32 $0x9;
	_ =	strace $0x80000048  }
0xb3: {  	_ =	swait.ge [sflag:s29], $0x1  }
0xb4: {  	[sflag:s29] =	ssyncadd.s32 $0xFFFFFFFF  }
0xb5: {  	_ =	strace $0x90000048  }
0xb6: {  	_ =	sfence  }
0xb7: {  	s30 =	sld [smem:$0x0];
	_ =	sdelay $0x2  }
0xb8: {  	s31 =	sshll.u32 s1, $0xD;
	s1 =	sshrl.u32 s1, $0x2  }
0xb9: {  	s3 =	sand.u32 $0x4000, s31;
	s1 =	sadd.s32 s1, s30  }
0xba: {  	s0 =	sor.u32 s3, s0;
	s1 =	sshll.u32 s1, $0x11  }
0xbb: {  	s0 =	sor.u32 s1, s0  }
0xbc: {  	s0 =	sadd.s32 $0x8F2B, s0  }
0xbd: {  	[sflag:s0] =	ssyncadd.remote.s32 $0x1  }
0xbe: {  	_ =	sfence.sel $0xFFFF  }
0xbf: {  	[dreg:$0x0] =	wrdreg $0xFFFFFFFF;
	(pc) =	sbr.abs _section_cstart, $3  }
0xc0: {  	[dreg:$0x1] =	wrdreg $0xFFFFFFFF  }
0xc1: {  	_ =	task.clear_ibuf [dreg:s6], $0x2FFFF;
	_ =	strace $0x9FFFFFFF  }
0xc2: {  	(tm) =	ssettm $0x7FFFFFFF  }
0xc3: {  	_ =	shalt  }
tec
execute0_lowered:
.L_overlay_start_1:
0x0: {  	(tag) =	ssettag $0x1  }
0x1: {  	s5 =	rddreg [dreg:$0x0];
	s1 =	srdreg.scid  }
0x2: {  	s0 =	stileid.u32;
	s7 =	rddreg [dreg:$0x1];
	s2 =	simm.s32 $0x0  }
0x3: {  	s15 =	simm.s32 $0x0;
	s4 =	sand.u32 $0x1, s1;
	s1 =	rddreg [dreg:$0x2]  }
0x4: {  	s3 =	sshll.u32 s0, $0x1;
	[smem:$0x7FF] =	sst s2;
	s6 =	smul.u32 $0x9C40, s0  }
0x5: {  	s10 =	smul.u32 $0x280, s0;
	s14 =	sadd.s32 $0xE200, s5;
	p1 =	seq.s32 s0, $0xF  }
0x6: {  	s13 =	sor.u32 s4, s3;
	s9 =	ssub.s32 $0x2, s4;
	s12 =	smul.u32 $0x2710, s4  }
0x7: {  	_ =	strace $0x80000047;
	s3 =	smul.u32 $0x4E0, s13;
	s11 =	sshrl.u32 s9, $0x1  }
0x8: {  	s6 =	sshrl.u32 s6, $0x2;
	p0 =	sne.s32 s13, $0x0;
	s13 =	simm.s32 $0x4F00  }
0x9: {  	s11 =	ssub.s32 s9, s11;
	s30 =	sadd.s32 s10, s12;
	s6 =	sadd.s32 s6, s7  }
.Ltmp0:
0xa: {  	s31 =	sshrl.u32 s12, $0x3;
	s7 =	sadd.s32 s10, s7;
	(pc) =	sbr.rel .LBB2_1-.Ltmp0, $4  }
0xb: {  	s12 =	simm.s32 $0x2780;
	s8 =	sadd.s32 s3, s5;
	s3 =	sadd.s32 $0xDC00, s5  }
0xc: {  	s5 =	sadd.s32 $0xDA00, s5;
	s9 =	sadd.s32 s14, s31;
	s10 =	smax.u32 s11, $0x1  }
0xd: {  	s11 =	simm.s32 $0x1;
	s4 =	sadd.s32 $0x3E00, s8;
	s8 =	sshrl.u32 s30, $0x3  }
0xe: {  	v0 =	vimm.f32 $1.000000000e+00;
	s9 =	sadd.s32 $0x4B0, s9;
	s8 =	sadd.s32 s14, s8;
	s14 =	simm.s32 $0x5180  }
.LBB2_12:
0xf: {  	s15 =	sadd.s32 $0x1, s15  }
0x10: {  	p2 =	sne.s32 s15, s10  }
.Ltmp1:
0x11: {  	_ = 	snop;
	(pc) =	sbr.rel @!p2 .LBB2_13-.Ltmp1, $1  }
0x12: {  	_ =	sdelay $0x3  }
.LBB2_1:
0x13: {  	[tilespmem:s2], [sflag:$0x1] =	stream.linear.gather [hbm4b:s4+s2], $0x2700, $0x38;
	[tilespmem:$0x7B10] =	vst v63  }
0x14: {  	_ =	swait.ge [sflag:s11], $0x2700  }
0x15: {  	[sflag:s11] =	ssyncset.done $0x0  }
0x16: {  	[sflag:s11] =	ssyncadd.s32 $0xFFFFD900  }
0x17: {  	[tilespmem:s12], [sflag:$0x1] =	stream.linear.gather [hbm4b:s3+s2], $0x2780, $0x38;
	[tilespmem:$0x7B10] =	vst v63  }
0x18: {  	_ =	swait.ge [sflag:s11], $0x2780  }
0x19: {  	[sflag:s11] =	ssyncset.done $0x0  }
0x1a: {  	s16 =	simm.s32 $0x0;
	[sflag:s11] =	ssyncadd.s32 $0xFFFFD880  }
.LBB2_2:
0x1b: {  	s17 =	sshra.s32 s16, $0x2  }
0x1c: {  	v1 =	vld [tilespmem:s17+$0x0];
	_ =	sdelay $0x7  }
0x1d: {  	[tilespmem:v1+s12+$0x0] =	vst.idx.add.f32.msk $0xffff, v0  }
0x1e: {  	v1 =	vld [tilespmem:s17+$0x10];
	_ =	sdelay $0x7  }
0x1f: {  	[tilespmem:v1+s12+$0x0] =	vst.idx.add.f32.msk $0xffff, v0  }
0x20: {  	v1 =	vld [tilespmem:s17+$0x20];
	_ =	sdelay $0x7  }
0x21: {  	[tilespmem:v1+s12+$0x0] =	vst.idx.add.f32.msk $0xffff, v0  }
0x22: {  	v1 =	vld [tilespmem:s17+$0x30];
	_ =	sdelay $0x7  }
0x23: {  	[tilespmem:v1+s12+$0x0] =	vst.idx.add.f32.msk $0xffff, v0  }
0x24: {  	v1 =	vld [tilespmem:s17+$0x40];
	_ =	sdelay $0x7  }
0x25: {  	[tilespmem:v1+s12+$0x0] =	vst.idx.add.f32.msk $0xffff, v0  }
0x26: {  	v1 =	vld [tilespmem:s17+$0x50];
	_ =	sdelay $0x7  }
0x27: {  	[tilespmem:v1+s12+$0x0] =	vst.idx.add.f32.msk $0xffff, v0  }
0x28: {  	v1 =	vld [tilespmem:s17+$0x60];
	_ =	sdelay $0x7  }
0x29: {  	[tilespmem:v1+s12+$0x0] =	vst.idx.add.f32.msk $0xffff, v0  }
0x2a: {  	v1 =	vld [tilespmem:s17+$0x70];
	_ =	sdelay $0x2  }
0x2b: {  	p2 =	sne.s32 s16, $0x9A00  }
.Ltmp2:
0x2c: {  	_ = 	snop;
	(pc) =	sbr.rel @p2 .LBB2_2-.Ltmp2, $2  }
0x2d: {  	_ =	sdelay $0x2  }
0x2e: {  	s16 =	sadd.s32 $0x200, s16;
	[tilespmem:v1+s12+$0x0] =	vst.idx.add.f32.msk $0xffff, v0  }
.Ltmp3:
0x2f: {  	(pc) =	sbr.rel @p0 .LBB2_5-.Ltmp3, $1  }
0x30: {  	_ =	sdelay $0x3  }
0x31: {  	[tilespmem:s2], [sflag:$0x1] =	stream.linear.gather [hbm4b:s5+s2], $0x200, $0x38;
	[tilespmem:$0x7B10] =	vst v63  }
0x32: {  	_ =	swait.ge [sflag:s11], $0x200  }
0x33: {  	[sflag:s11] =	ssyncset.done $0x0  }
0x34: {  	[sflag:s11] =	ssyncadd.s32 $0xFFFFFE00  }
0x35: {  	v1 =	vld [tilespmem:$0x0];
	_ =	sdelay $0x7  }
0x36: {  	[tilespmem:v1+s12+$0x0] =	vst.idx.add.f32.msk $0xffff, v0  }
0x37: {  	v1 =	vld [tilespmem:$0x10];
	_ =	sdelay $0x7  }
0x38: {  	[tilespmem:v1+s12+$0x0] =	vst.idx.add.f32.msk $0xffff, v0  }
0x39: {  	v1 =	vld [tilespmem:$0x20];
	_ =	sdelay $0x7  }
0x3a: {  	[tilespmem:v1+s12+$0x0] =	vst.idx.add.f32.msk $0xffff, v0  }
0x3b: {  	v1 =	vld [tilespmem:$0x30];
	_ =	sdelay $0x7  }
0x3c: {  	[tilespmem:v1+s12+$0x0] =	vst.idx.add.f32.msk $0xffff, v0  }
0x3d: {  	v1 =	vld [tilespmem:$0x40];
	_ =	sdelay $0x7  }
0x3e: {  	[tilespmem:v1+s12+$0x0] =	vst.idx.add.f32.msk $0xffff, v0  }
0x3f: {  	v1 =	vld [tilespmem:$0x50];
	_ =	sdelay $0x7  }
0x40: {  	[tilespmem:v1+s12+$0x0] =	vst.idx.add.f32.msk $0xffff, v0  }
0x41: {  	v1 =	vld [tilespmem:$0x60];
	_ =	sdelay $0x7  }
0x42: {  	[tilespmem:v1+s12+$0x0] =	vst.idx.add.f32.msk $0xffff, v0  }
0x43: {  	v1 =	vld [tilespmem:$0x70];
	_ =	sdelay $0x7  }
0x44: {  	[tilespmem:v1+s12+$0x0] =	vst.idx.add.f32.msk $0xffff, v0  }
0x45: {  	v1 =	vld [tilespmem:$0x80];
	_ =	sdelay $0x7  }
0x46: {  	[tilespmem:v1+s12+$0x0] =	vst.idx.add.f32.msk $0xffff, v0  }
0x47: {  	v1 =	vld [tilespmem:$0x90];
	_ =	sdelay $0x7  }
0x48: {  	[tilespmem:v1+s12+$0x0] =	vst.idx.add.f32.msk $0xffff, v0  }
0x49: {  	v1 =	vld [tilespmem:$0xA0];
	_ =	sdelay $0x7  }
0x4a: {  	[tilespmem:v1+s12+$0x0] =	vst.idx.add.f32.msk $0xffff, v0  }
0x4b: {  	v1 =	vld [tilespmem:$0xB0];
	_ =	sdelay $0x7  }
0x4c: {  	[tilespmem:v1+s12+$0x0] =	vst.idx.add.f32.msk $0xffff, v0  }
0x4d: {  	v1 =	vld [tilespmem:$0xC0];
	_ =	sdelay $0x7  }
0x4e: {  	[tilespmem:v1+s12+$0x0] =	vst.idx.add.f32.msk $0xffff, v0  }
0x4f: {  	v1 =	vld [tilespmem:$0xD0];
	_ =	sdelay $0x7  }
0x50: {  	[tilespmem:v1+s12+$0x0] =	vst.idx.add.f32.msk $0xffff, v0  }
0x51: {  	v1 =	vld [tilespmem:$0xE0];
	_ =	sdelay $0x7  }
0x52: {  	[tilespmem:v1+s12+$0x0] =	vst.idx.add.f32.msk $0xffff, v0  }
0x53: {  	v1 =	vld [tilespmem:$0xF0];
	_ =	sdelay $0x7  }
0x54: {  	[tilespmem:v1+s12+$0x0] =	vst.idx.add.f32.msk $0xffff, v0  }
0x55: {  	v1 =	vld [tilespmem:$0x100];
	_ =	sdelay $0x7  }
0x56: {  	[tilespmem:v1+s12+$0x0] =	vst.idx.add.f32.msk $0xffff, v0  }
0x57: {  	v1 =	vld [tilespmem:$0x110];
	_ =	sdelay $0x7  }
0x58: {  	[tilespmem:v1+s12+$0x0] =	vst.idx.add.f32.msk $0xffff, v0  }
0x59: {  	v1 =	vld [tilespmem:$0x120];
	_ =	sdelay $0x7  }
0x5a: {  	[tilespmem:v1+s12+$0x0] =	vst.idx.add.f32.msk $0xffff, v0  }
0x5b: {  	v1 =	vld [tilespmem:$0x130];
	_ =	sdelay $0x7  }
0x5c: {  	[tilespmem:v1+s12+$0x0] =	vst.idx.add.f32.msk $0xffff, v0  }
0x5d: {  	v1 =	vld [tilespmem:$0x140];
	_ =	sdelay $0x7  }
0x5e: {  	[tilespmem:v1+s12+$0x0] =	vst.idx.add.f32.msk $0xffff, v0  }
0x5f: {  	v1 =	vld [tilespmem:$0x150];
	_ =	sdelay $0x7  }
0x60: {  	[tilespmem:v1+s12+$0x0] =	vst.idx.add.f32.msk $0xffff, v0  }
0x61: {  	v1 =	vld [tilespmem:$0x160];
	_ =	sdelay $0x7  }
0x62: {  	[tilespmem:v1+s12+$0x0] =	vst.idx.add.f32.msk $0xffff, v0  }
0x63: {  	v1 =	vld [tilespmem:$0x170];
	_ =	sdelay $0x7  }
0x64: {  	[tilespmem:v1+s12+$0x0] =	vst.idx.add.f32.msk $0xffff, v0  }
0x65: {  	v1 =	vld [tilespmem:$0x180];
	_ =	sdelay $0x7  }
0x66: {  	[tilespmem:v1+s12+$0x0] =	vst.idx.add.f32.msk $0xffff, v0  }
0x67: {  	v1 =	vld [tilespmem:$0x190];
	_ =	sdelay $0x7  }
0x68: {  	[tilespmem:v1+s12+$0x0] =	vst.idx.add.f32.msk $0xffff, v0  }
0x69: {  	v1 =	vld [tilespmem:$0x1A0];
	_ =	sdelay $0x7  }
0x6a: {  	[tilespmem:v1+s12+$0x0] =	vst.idx.add.f32.msk $0xffff, v0  }
0x6b: {  	v1 =	vld [tilespmem:$0x1B0];
	_ =	sdelay $0x7  }
0x6c: {  	[tilespmem:v1+s12+$0x0] =	vst.idx.add.f32.msk $0xffff, v0  }
0x6d: {  	v1 =	vld [tilespmem:$0x1C0];
	_ =	sdelay $0x7  }
0x6e: {  	[tilespmem:v1+s12+$0x0] =	vst.idx.add.f32.msk $0xffff, v0  }
0x6f: {  	v1 =	vld [tilespmem:$0x1D0];
	_ =	sdelay $0x7  }
0x70: {  	[tilespmem:v1+s12+$0x0] =	vst.idx.add.f32.msk $0xffff, v0  }
0x71: {  	v1 =	vld [tilespmem:$0x1E0];
	_ =	sdelay $0x7  }
0x72: {  	[tilespmem:v1+s12+$0x0] =	vst.idx.add.f32.msk $0xffff, v0  }
0x73: {  	v1 =	vld [tilespmem:$0x1F0];
	_ =	sdelay $0x7  }
0x74: {  	[tilespmem:v1+s12+$0x0] =	vst.idx.add.f32.msk $0xffff, v0  }
.LBB2_5:
0x75: {  	[spmem:s6] =	stream.linear.scatter [tilespmem:s12], [sflag:$0x1], $0x2710, $0x38;
	[tilespmem:$0x7B10] =	vst v63  }
.Ltmp4:
0x76: {  	_ =	swait.ge [sflag:s11], $0x2710;
	(pc) =	sbr.rel @!p1 .LBB2_6-.Ltmp4, $3  }
0x77: {  	[sflag:s11] =	ssyncset.done $0x0  }
0x78: {  	[sflag:s11] =	ssyncadd.s32 $0xFFFFD8F0  }
0x79: {  	[bflag:$0x0] =	sbarrier.arrive $0xFFFF;
	_ =	sdelay $0x1  }
0x7a: {  	[tilespmem:s13], [sflag:$0x1] =	stream.linear.gather [spmem:s7], $0x190, $0x38;
	[tilespmem:$0x7B10] =	vst v63  }
0x7b: {  	_ =	swait.ge [sflag:s11], $0x190  }
0x7c: {  	[sflag:s11] =	ssyncset.done $0x0  }
0x7d: {  	s16 =	simm.s32 $0x9C40;
	[sflag:s11] =	ssyncadd.s32 $0xFFFFFE70  }
.LBB2_10:
0x7e: {  	s17 =	sshra.s32 s16, $0x2  }
0x7f: {  	s17 =	sadd.s32 s17, s7  }
0x80: {  	[tilespmem:s14], [sflag:$0x1] =	stream.linear.gather [spmem:s17], $0x190, $0x38;
	[tilespmem:$0x7B10] =	vst v63  }
0x81: {  	_ =	swait.ge [sflag:s11], $0x190  }
0x82: {  	[sflag:s11] =	ssyncset.done $0x0  }
0x83: {  	[sflag:s11] =	ssyncadd.s32 $0xFFFFFE70  }
0x84: {  	v1 =	vld [tilespmem:$0x4F00]  }
0x85: {  	v2 =	vld [tilespmem:$0x5180]  }
0x86: {  	v3 =	vld [tilespmem:$0x4F10]  }
0x87: {  	v4 =	vld [tilespmem:$0x5190]  }
0x88: {  	v5 =	vld [tilespmem:$0x4F20]  }
0x89: {  	v6 =	vld [tilespmem:$0x51A0]  }
0x8a: {  	v7 =	vld [tilespmem:$0x4F30]  }
0x8b: {  	v8 =	vld [tilespmem:$0x51B0]  }
0x8c: {  	v9 =	vld [tilespmem:$0x4F40]  }
0x8d: {  	v10 =	vld [tilespmem:$0x51C0]  }
0x8e: {  	v11 =	vld [tilespmem:$0x4F50]  }
0x8f: {  	v12 =	vld [tilespmem:$0x51D0]  }
0x90: {  	v13 =	vld [tilespmem:$0x4F60]  }
0x91: {  	v14 =	vld [tilespmem:$0x51E0]  }
0x92: {  	v15 =	vld [tilespmem:$0x4F70]  }
0x93: {  	v16 =	vld [tilespmem:$0x51F0]  }
0x94: {  	v17 =	vld [tilespmem:$0x4F80]  }
0x95: {  	v18 =	vld [tilespmem:$0x5200]  }
0x96: {  	v19 =	vld [tilespmem:$0x4F90]  }
0x97: {  	v20 =	vld [tilespmem:$0x5210]  }
0x98: {  	v21 =	vld [tilespmem:$0x4FA0]  }
0x99: {  	v22 =	vld [tilespmem:$0x5220]  }
0x9a: {  	v23 =	vld [tilespmem:$0x4FB0]  }
0x9b: {  	v24 =	vld [tilespmem:$0x5230]  }
0x9c: {  	v25 =	vld [tilespmem:$0x4FC0]  }
0x9d: {  	v26 =	vld [tilespmem:$0x5240]  }
0x9e: {  	v27 =	vld [tilespmem:$0x4FD0]  }
0x9f: {  	v28 =	vld [tilespmem:$0x5250]  }
0xa0: {  	v29 =	vld [tilespmem:$0x4FE0]  }
0xa1: {  	v30 =	vld [tilespmem:$0x5260]  }
0xa2: {  	v46 =	vld [tilespmem:$0x5270];
	v1 =	vadd.f32 v2, v1  }
0xa3: {  	v47 =	vld [tilespmem:$0x5000];
	v3 =	vadd.f32 v4, v3  }
0xa4: {  	v2 =	vld [tilespmem:$0x4FF0];
	[tilespmem:$0x4F00] =	vst v1;
	v1 =	vadd.f32 v6, v5  }
0xa5: {  	v48 =	vld [tilespmem:$0x5280];
	[tilespmem:$0x4F10] =	vst v3;
	v3 =	vadd.f32 v8, v7  }
0xa6: {  	v49 =	vld [tilespmem:$0x5010];
	[tilespmem:$0x4F20] =	vst v1;
	v1 =	vadd.f32 v10, v9  }
0xa7: {  	v50 =	vld [tilespmem:$0x5290];
	[tilespmem:$0x4F30] =	vst v3;
	v3 =	vadd.f32 v12, v11  }
0xa8: {  	v51 =	vld [tilespmem:$0x5020];
	[tilespmem:$0x4F40] =	vst v1;
	v1 =	vadd.f32 v14, v13  }
0xa9: {  	v52 =	vld [tilespmem:$0x52A0];
	v2 =	vadd.f32 v46, v2;
	[tilespmem:$0x4F50] =	vst v3  }
0xaa: {  	v53 =	vld [tilespmem:$0x5030];
	[tilespmem:$0x4F60] =	vst v1;
	v1 =	vadd.f32 v18, v17  }
0xab: {  	v54 =	vld [tilespmem:$0x52B0];
	v3 =	vadd.f32 v16, v15;
	[tilespmem:$0x4FF0] =	vst v2  }
0xac: {  	v55 =	vld [tilespmem:$0x5040];
	[tilespmem:$0x4F80] =	vst v1;
	v1 =	vadd.f32 v22, v21  }
0xad: {  	v56 =	vld [tilespmem:$0x52C0];
	[tilespmem:$0x4F70] =	vst v3;
	v3 =	vadd.f32 v20, v19  }
0xae: {  	v57 =	vld [tilespmem:$0x5050];
	[tilespmem:$0x4FA0] =	vst v1;
	v1 =	vadd.f32 v26, v25  }
0xaf: {  	v58 =	vld [tilespmem:$0x52D0];
	[tilespmem:$0x4F90] =	vst v3;
	v3 =	vadd.f32 v24, v23  }
0xb0: {  	v59 =	vld [tilespmem:$0x5060];
	[tilespmem:$0x4FC0] =	vst v1;
	v1 =	vadd.f32 v30, v29  }
0xb1: {  	v60 =	vld [tilespmem:$0x5070];
	[tilespmem:$0x4FB0] =	vst v3;
	v3 =	vadd.f32 v28, v27  }
0xb2: {  	v61 =	vld [tilespmem:$0x52F0];
	[tilespmem:$0x4FE0] =	vst v1;
	v1 =	vadd.f32 v48, v47  }
0xb3: {  	v2 =	vadd.f32 v50, v49;
	[tilespmem:$0x4FD0] =	vst v3;
	v3 =	vld [tilespmem:$0x52E0]  }
0xb4: {  	v62 =	vld [tilespmem:$0x5080];
	[tilespmem:$0x5000] =	vst v1;
	v1 =	vadd.f32 v52, v51  }
0xb5: {  	v63 =	vld [tilespmem:$0x5300];
	[tilespmem:$0x5010] =	vst v2;
	v2 =	vadd.f32 v54, v53  }
0xb6: {  	[tilespmem:$0x5020] =	vst v1;
	v1 =	vadd.f32 v56, v55  }
0xb7: {  	p2 =	sne.s32 s16, $0x927C0;
	[tilespmem:$0x5030] =	vst v2;
	v2 =	vadd.f32 v58, v57  }
.Ltmp5:
0xb8: {  	[tilespmem:$0x5040] =	vst v1;
	v1 =	vadd.f32 v3, v59;
	(pc) =	sbr.rel @p2 .LBB2_10-.Ltmp5, $4  }
0xb9: {  	[tilespmem:$0x5050] =	vst v2;
	v2 =	vadd.f32 v61, v60  }
0xba: {  	[tilespmem:$0x5060] =	vst v1;
	v1 =	vadd.f32 v63, v62  }
0xbb: {  	[tilespmem:$0x5070] =	vst v2  }
0xbc: {  	s16 =	sadd.s32 $0x9C40, s16;
	[tilespmem:$0x5080] =	vst v1  }
.Ltmp6:
0xbd: {  	(pc) =	sbr.rel .LBB2_12-.Ltmp6, $4  }
0xbe: {  	[hbm4b:s9+s2] =	stream.linear.scatter [tilespmem:s13], [sflag:$0x1], $0x190, $0x38;
	[tilespmem:$0x7B10] =	vst v63  }
0xbf: {  	_ =	swait.ge [sflag:s11], $0x190  }
0xc0: {  	[sflag:s11] =	ssyncset.done $0x0  }
0xc1: {  	[sflag:s11] =	ssyncadd.s32 $0xFFFFFE70  }
.LBB2_6:
0xc2: {  	[tilespmem:s13], [sflag:$0x1] =	stream.linear.gather [spmem:s7], $0x280, $0x38;
	[tilespmem:$0x7B10] =	vst v63  }
0xc3: {  	_ =	swait.ge [sflag:s11], $0x280  }
0xc4: {  	[sflag:s11] =	ssyncset.done $0x0  }
0xc5: {  	s16 =	simm.s32 $0x9C40;
	[sflag:s11] =	ssyncadd.s32 $0xFFFFFD80  }
.LBB2_7:
0xc6: {  	s17 =	sshra.s32 s16, $0x2  }
0xc7: {  	s17 =	sadd.s32 s17, s7  }
0xc8: {  	[tilespmem:s14], [sflag:$0x1] =	stream.linear.gather [spmem:s17], $0x280, $0x38;
	[tilespmem:$0x7B10] =	vst v63  }
0xc9: {  	_ =	swait.ge [sflag:s11], $0x280  }
0xca: {  	[sflag:s11] =	ssyncset.done $0x0  }
0xcb: {  	[sflag:s11] =	ssyncadd.s32 $0xFFFFFD80  }
0xcc: {  	v1 =	vld [tilespmem:$0x4F00]  }
0xcd: {  	v2 =	vld [tilespmem:$0x5180]  }
0xce: {  	v3 =	vld [tilespmem:$0x4F10]  }
0xcf: {  	v4 =	vld [tilespmem:$0x5190]  }
0xd0: {  	v5 =	vld [tilespmem:$0x4F20]  }
0xd1: {  	v6 =	vld [tilespmem:$0x51A0]  }
0xd2: {  	v7 =	vld [tilespmem:$0x4F30]  }
0xd3: {  	v8 =	vld [tilespmem:$0x51B0]  }
0xd4: {  	v9 =	vld [tilespmem:$0x4F40]  }
0xd5: {  	v10 =	vld [tilespmem:$0x51C0]  }
0xd6: {  	v11 =	vld [tilespmem:$0x4F50]  }
0xd7: {  	v12 =	vld [tilespmem:$0x51D0]  }
0xd8: {  	v13 =	vld [tilespmem:$0x4F60]  }
0xd9: {  	v14 =	vld [tilespmem:$0x51E0]  }
0xda: {  	v15 =	vld [tilespmem:$0x4F70]  }
0xdb: {  	v16 =	vld [tilespmem:$0x51F0]  }
0xdc: {  	v17 =	vld [tilespmem:$0x4F80]  }
0xdd: {  	v18 =	vld [tilespmem:$0x5200]  }
0xde: {  	v19 =	vld [tilespmem:$0x4F90]  }
0xdf: {  	v20 =	vld [tilespmem:$0x5210]  }
0xe0: {  	v21 =	vld [tilespmem:$0x4FA0]  }
0xe1: {  	v22 =	vld [tilespmem:$0x5220]  }
0xe2: {  	v23 =	vld [tilespmem:$0x4FB0]  }
0xe3: {  	v24 =	vld [tilespmem:$0x5230]  }
0xe4: {  	v25 =	vld [tilespmem:$0x4FC0]  }
0xe5: {  	v26 =	vld [tilespmem:$0x5240]  }
0xe6: {  	v27 =	vld [tilespmem:$0x4FD0]  }
0xe7: {  	v28 =	vld [tilespmem:$0x5250]  }
0xe8: {  	v29 =	vld [tilespmem:$0x4FE0]  }
0xe9: {  	v30 =	vld [tilespmem:$0x5260]  }
0xea: {  	v31 =	vld [tilespmem:$0x4FF0]  }
0xeb: {  	v32 =	vld [tilespmem:$0x5270]  }
0xec: {  	v33 =	vld [tilespmem:$0x5000]  }
0xed: {  	v34 =	vld [tilespmem:$0x5280]  }
0xee: {  	v35 =	vld [tilespmem:$0x5010]  }
0xef: {  	v36 =	vld [tilespmem:$0x5290]  }
0xf0: {  	v37 =	vld [tilespmem:$0x5020]  }
0xf1: {  	v38 =	vld [tilespmem:$0x52A0]  }
0xf2: {  	v39 =	vld [tilespmem:$0x5030]  }
0xf3: {  	v40 =	vld [tilespmem:$0x52B0]  }
0xf4: {  	v41 =	vld [tilespmem:$0x5040]  }
0xf5: {  	v42 =	vld [tilespmem:$0x52C0]  }
0xf6: {  	v43 =	vld [tilespmem:$0x5050]  }
0xf7: {  	v44 =	vld [tilespmem:$0x52D0]  }
0xf8: {  	v45 =	vld [tilespmem:$0x5060]  }
0xf9: {  	v53 =	vld [tilespmem:$0x52F0];
	v1 =	vadd.f32 v2, v1  }
0xfa: {  	v54 =	vld [tilespmem:$0x5080];
	v3 =	vadd.f32 v4, v3  }
0xfb: {  	v55 =	vld [tilespmem:$0x5300];
	[tilespmem:$0x4F00] =	vst v1;
	v1 =	vadd.f32 v6, v5  }
0xfc: {  	v56 =	vld [tilespmem:$0x5090];
	[tilespmem:$0x4F10] =	vst v3;
	v3 =	vadd.f32 v8, v7  }
0xfd: {  	v57 =	vld [tilespmem:$0x5310];
	[tilespmem:$0x4F20] =	vst v1;
	v1 =	vadd.f32 v10, v9  }
0xfe: {  	v58 =	vld [tilespmem:$0x50A0];
	[tilespmem:$0x4F30] =	vst v3;
	v3 =	vadd.f32 v12, v11  }
0xff: {  	v59 =	vld [tilespmem:$0x5320];
	[tilespmem:$0x4F40] =	vst v1;
	v1 =	vadd.f32 v14, v13  }
0x100: {  	v60 =	vld [tilespmem:$0x50B0];
	[tilespmem:$0x4F50] =	vst v3;
	v3 =	vadd.f32 v16, v15  }
0x101: {  	v61 =	vld [tilespmem:$0x5330];
	[tilespmem:$0x4F60] =	vst v1;
	v1 =	vadd.f32 v18, v17  }
0x102: {  	v62 =	vld [tilespmem:$0x50C0];
	[tilespmem:$0x4F70] =	vst v3;
	v3 =	vadd.f32 v20, v19  }
0x103: {  	v63 =	vld [tilespmem:$0x5340];
	[tilespmem:$0x4F80] =	vst v1;
	v1 =	vadd.f32 v22, v21  }
0x104: {  	v46 =	vld [tilespmem:$0x50E0];
	[tilespmem:$0x4F90] =	vst v3;
	v3 =	vadd.f32 v24, v23  }
0x105: {  	v47 =	vld [tilespmem:$0x5360];
	[tilespmem:$0x4FA0] =	vst v1;
	v1 =	vadd.f32 v26, v25  }
0x106: {  	v48 =	vld [tilespmem:$0x50F0];
	[tilespmem:$0x4FB0] =	vst v3;
	v3 =	vadd.f32 v28, v27  }
0x107: {  	v49 =	vld [tilespmem:$0x5370];
	[tilespmem:$0x4FC0] =	vst v1;
	v1 =	vadd.f32 v30, v29  }
0x108: {  	v50 =	vld [tilespmem:$0x5100];
	[tilespmem:$0x4FD0] =	vst v3;
	v3 =	vadd.f32 v32, v31  }
0x109: {  	v51 =	vld [tilespmem:$0x5380];
	[tilespmem:$0x4FE0] =	vst v1;
	v1 =	vadd.f32 v34, v33  }
0x10a: {  	v2 =	vld [tilespmem:$0x52E0];
	[tilespmem:$0x4FF0] =	vst v3;
	v3 =	vadd.f32 v36, v35  }
0x10b: {  	v4 =	vld [tilespmem:$0x5070];
	[tilespmem:$0x5000] =	vst v1;
	v1 =	vadd.f32 v38, v37  }
0x10c: {  	v52 =	vld [tilespmem:$0x5110];
	[tilespmem:$0x5010] =	vst v3;
	v3 =	vadd.f32 v40, v39  }
0x10d: {  	v28 =	vld [tilespmem:$0x50D0];
	[tilespmem:$0x5020] =	vst v1;
	v1 =	vadd.f32 v42, v41  }
0x10e: {  	v30 =	vld [tilespmem:$0x5350];
	[tilespmem:$0x5030] =	vst v3;
	v3 =	vadd.f32 v44, v43  }
0x10f: {  	[tilespmem:$0x5040] =	vst v1;
	v1 =	vadd.f32 v2, v45;
	v2 =	vld [tilespmem:$0x5390]  }
0x110: {  	[tilespmem:$0x5050] =	vst v3;
	v3 =	vadd.f32 v53, v4;
	v53 =	vld [tilespmem:$0x5120]  }
0x111: {  	[tilespmem:$0x5060] =	vst v1;
	v1 =	vadd.f32 v55, v54;
	v54 =	vld [tilespmem:$0x53A0]  }
0x112: {  	[tilespmem:$0x5070] =	vst v3;
	v3 =	vadd.f32 v57, v56;
	v55 =	vld [tilespmem:$0x5130]  }
0x113: {  	v56 =	vld [tilespmem:$0x53B0];
	[tilespmem:$0x5080] =	vst v1;
	v1 =	vadd.f32 v59, v58  }
0x114: {  	v57 =	vld [tilespmem:$0x5140];
	[tilespmem:$0x5090] =	vst v3;
	v3 =	vadd.f32 v61, v60  }
0x115: {  	v58 =	vld [tilespmem:$0x53C0];
	[tilespmem:$0x50A0] =	vst v1;
	v1 =	vadd.f32 v63, v62  }
0x116: {  	v59 =	vld [tilespmem:$0x5150];
	[tilespmem:$0x50B0] =	vst v3;
	v3 =	vadd.f32 v30, v28  }
0x117: {  	v60 =	vld [tilespmem:$0x53D0];
	[tilespmem:$0x50C0] =	vst v1;
	v1 =	vadd.f32 v47, v46  }
0x118: {  	v61 =	vld [tilespmem:$0x5160];
	[tilespmem:$0x50D0] =	vst v3;
	v3 =	vadd.f32 v49, v48  }
0x119: {  	v2 =	vadd.f32 v2, v52;
	v63 =	vld [tilespmem:$0x53F0];
	[tilespmem:$0x50E0] =	vst v1  }
0x11a: {  	v1 =	vadd.f32 v51, v50;
	[tilespmem:$0x50F0] =	vst v3;
	v3 =	vld [tilespmem:$0x5170]  }
0x11b: {  	v62 =	vld [tilespmem:$0x53E0];
	[tilespmem:$0x5110] =	vst v2;
	v2 =	vadd.f32 v56, v55  }
0x11c: {  	[tilespmem:$0x5100] =	vst v1;
	v1 =	vadd.f32 v54, v53  }
0x11d: {  	p2 =	sne.s32 s16, $0x927C0;
	[tilespmem:$0x5130] =	vst v2;
	v2 =	vadd.f32 v60, v59  }
.Ltmp7:
0x11e: {  	[tilespmem:$0x5120] =	vst v1;
	v1 =	vadd.f32 v58, v57;
	(pc) =	sbr.rel @p2 .LBB2_7-.Ltmp7, $4  }
0x11f: {  	[tilespmem:$0x5150] =	vst v2;
	v2 =	vadd.f32 v63, v3  }
0x120: {  	[tilespmem:$0x5140] =	vst v1;
	v1 =	vadd.f32 v62, v61  }
0x121: {  	[tilespmem:$0x5170] =	vst v2  }
0x122: {  	s16 =	sadd.s32 $0x9C40, s16;
	[tilespmem:$0x5160] =	vst v1  }
.Ltmp8:
0x123: {  	(pc) =	sbr.rel .LBB2_12-.Ltmp8, $4  }
0x124: {  	[hbm4b:s8+s2] =	stream.linear.scatter [tilespmem:s13], [sflag:$0x1], $0x280, $0x38;
	[tilespmem:$0x7B10] =	vst v63  }
0x125: {  	_ =	swait.ge [sflag:s11], $0x280  }
0x126: {  	[sflag:s11] =	ssyncset.done $0x0  }
0x127: {  	[sflag:s11] =	ssyncadd.s32 $0xFFFFFD80  }
.LBB2_13:
0x128: {  	_ =	sfence.sel $0x180000  }
0x129: {  	[bflag:$0x0] =	sbarrier.arrive $0xFFFF  }
0x12a: {  	p0 =	sne.s32 s0, $0x0;
	_ =	strace $0x90000047  }
0x12b: {  	s0 =	sadd.s32 @!p0 $0x100000, s1;
	[bflag:$0x2] =	sbarrier.arrive $0xFFFF  }
0x12c: {  	[sflag:s0] =	ssyncadd.tile.s32 @!p0 $0x1;
	_ =	shalt  }
.Lfunc_end2:
_tile_overlayer_lowered:
.L_overlay_start_2:
0x12d: {  	(tag) =	ssettag $0x2  }
0x12e: {  	s0 =	rddreg [dreg:$0x0];
	s2 =	stileid.u32  }
0x12f: {  	s1 =	rddreg [dreg:$0x1];
	p0 =	sne.s32 s2, $0x0  }
0x130: {  	s3 =	rddreg [dreg:$0x2];
	[bflag:$0x3] =	sbarrier.arrive $0xFFFF;
	s2 =	simm.s32 @!p0 $0x1C01  }
0x131: {  	[timem:s3], [sflag:s2] =	dma.local @!p0 [hbm:s0], s1  }
0x132: {  	s0 =	simm.s32 @!p0 $0x1  }
0x133: {  	_ =	swait.ge @!p0 [sflag:s0], s1  }
0x134: {  	s1 =	ssub.s32 @!p0 $0x0, s1;
	[sflag:s0] =	ssyncset.done @!p0 $0x0  }
0x135: {  	[sflag:s0] =	ssyncadd.s32 @!p0 s1  }
0x136: {  	[bflag:$0x3] =	sbarrier.arrive $0xFFFF  }
0x137: {  	_ =	shalt  }

</sc_bundles>
